<compile_context>
chip_gen: v7x
topology: tpu7x:2x2x1
jax: 0.10.2.dev20260603
libtpu: 0.0.44.dev20260713+nightly
codegen_flags: <defaults>
</compile_context>

<pallas_src>
import functools

import jax
import jax.numpy as jnp
from jax import lax
from jax.experimental import pallas as pl
from jax.experimental.pallas import tpu as pltpu
from jax.experimental.pallas import tpu_sc as plsc

_N = 32
_S = 4
_D = 32
_G = 32
_T0 = 28
_NT = 4
_LO = 26
_NR = 6
_NW = 32
_CH = 128


def _prep_body(tab_ref, ws_ref, wm_ref, bg_ref, src_ref, dst_ref, out_ref):
    t6 = tab_ref[_LO * _S:(_LO + _NR) * _S, :]
    ps = jnp.dot(t6, ws_ref[...], preferred_element_type=jnp.float32)
    pm = jnp.dot(t6, wm_ref[...], preferred_element_type=jnp.float32)

    e = src_ref.shape[1]
    scol = src_ref[...]
    dcol = dst_ref[...]
    kio = lax.broadcasted_iota(jnp.int32, (_NT, e), 0) + _T0
    ok = (jnp.broadcast_to(dcol, (_NT, e)) == kio).astype(jnp.float32)
    rio = lax.broadcasted_iota(jnp.int32, (_NR * _S, e), 0) // _S + _LO
    sel = (jnp.broadcast_to(scol, (_NR * _S, e)) == rio).astype(jnp.float32)
    cnt = lax.dot_general(sel, ok, (((1,), (1,)), ((), ())),
                          preferred_element_type=jnp.float32)
    deg = lax.dot_general(jnp.ones((1, e), jnp.float32), ok,
                          (((1,), (1,)), ((), ())),
                          preferred_element_type=jnp.float32)
    coeff = cnt / jnp.maximum(deg, 1.0)
    r24 = lax.broadcasted_iota(jnp.int32, (_NR * _S, _NT), 0) // _S + _LO
    k24 = lax.broadcasted_iota(jnp.int32, (_NR * _S, _NT), 1) + _T0
    delta = (r24 == k24).astype(jnp.float32)

    blocks = []
    for k in range(_NT):
        blocks.append(delta[:, k:k + 1] * ps + coeff[:, k:k + 1] * pm)
    m24 = jnp.concatenate(blocks, axis=1)

    ci = lax.broadcasted_iota(jnp.int32, (_S ** 3, _NR * _S), 0)
    ri = lax.broadcasted_iota(jnp.int32, (_S ** 3, _NR * _S), 1)
    node = ri // _S
    st = ri % _S
    sel_a = (((node == 0) & (st == ci // 16))
             | ((node == 1) & (st == (ci // 4) % 4))
             | ((node == 2) & (st == ci % 4))).astype(jnp.float32)
    sel_b = (((node == 3) & (st == ci // 16))
             | ((node == 4) & (st == (ci // 4) % 4))
             | ((node == 5) & (st == ci % 4))).astype(jnp.float32)
    ta = jnp.dot(sel_a, m24, preferred_element_type=jnp.float32)
    tb = jnp.dot(sel_b, m24, preferred_element_type=jnp.float32)
    btile = jnp.concatenate([bg_ref[...]] * _NT, axis=1)
    ta = ta + btile
    fi = lax.broadcasted_iota(jnp.int32, (_S ** 6, _S ** 3), 0)
    fj = lax.broadcasted_iota(jnp.int32, (_S ** 6, _S ** 3), 1)
    rep_a = (fi // (_S ** 3) == fj).astype(jnp.float32)
    rep_b = (fi % (_S ** 3) == fj).astype(jnp.float32)
    full = (jnp.dot(rep_a, ta, preferred_element_type=jnp.float32)
            + jnp.dot(rep_b, tb, preferred_element_type=jnp.float32))
    out_ref[...] = jnp.maximum(full, full * 0.01)


def _prep(tab, ws, wm, bg, src2, dst2):
    return pl.pallas_call(
        _prep_body,
        out_shape=jax.ShapeDtypeStruct((_S ** 6, _NT * _G), jnp.float32),
    )(tab, ws, wm, bg, src2, dst2)


def _make_sc_gather(batch):
    bpw = batch // _NW
    nch = bpw // _CH
    mesh = plsc.VectorSubcoreMesh(core_axis_name="c", subcore_axis_name="s")

    @functools.partial(
        pl.kernel,
        out_type=jax.ShapeDtypeStruct((batch, _NT * _G), jnp.float32),
        mesh=mesh,
        scratch_types=[
            pltpu.VMEM((_NR, bpw), jnp.int32),
            pltpu.VMEM((nch, _CH), jnp.int32),
            pltpu.VMEM((nch, _CH, _NT * _G), jnp.float32),
        ] + [pltpu.SemaphoreType.DMA] * (3 + nch),
    )
    def sc_gather(xt_hbm, tcomb_hbm, out_hbm, xcols, idxs, bufs,
                  sem_x, sem_o0, sem_o1, *sem_g):
        sem_o = (sem_o0, sem_o1)
        wid = lax.axis_index("s") * 2 + lax.axis_index("c")
        base = wid * bpw
        xcps = [pltpu.async_copy(xt_hbm.at[j, pl.ds(base, bpw)], xcols.at[j],
                                 sem_x) for j in range(_NR)]
        for cp in xcps:
            cp.wait()
        for ch in range(nch):
            for v in range(_CH // 16):
                sl = pl.ds(ch * _CH + v * 16, 16)
                dsl = pl.ds(v * 16, 16)
                idxs[ch, dsl] = (xcols[0, sl] * 1024 + xcols[1, sl] * 256
                                 + xcols[2, sl] * 64 + xcols[3, sl] * 16
                                 + xcols[4, sl] * 4 + xcols[5, sl])

        gathers = [pltpu.async_copy(tcomb_hbm.at[idxs.at[ch]], bufs.at[ch],
                                    sem_g[ch]) for ch in range(nch)]
        outs = []
        for ch in range(nch):
            gathers[ch].wait()
            outs.append(pltpu.async_copy(
                bufs.at[ch], out_hbm.at[pl.ds(base + ch * _CH, _CH), :],
                sem_o[ch % 2]))
        for cp in outs:
            cp.wait()

    return sc_gather


def _head_body(t_ref, w1_ref, b1_ref, w2_ref, b2_ref, o_ref):
    z = jnp.dot(t_ref[...].astype(jnp.bfloat16),
                w1_ref[...].astype(jnp.bfloat16),
                preferred_element_type=jnp.float32) + b1_ref[...]
    z = jnp.maximum(z, z * 0.01)
    o_ref[...] = lax.dot_general(
        w2_ref[...].astype(jnp.bfloat16), z.astype(jnp.bfloat16),
        (((0,), (1,)), ((), ())),
        preferred_element_type=jnp.float32) + b2_ref[...]


def _head_t(t, w1, b1, w2, b2t, block):
    batch = t.shape[0]
    fc1 = w1.shape[1]
    ncls = w2.shape[1]
    grid = batch // block
    out_t = pl.pallas_call(
        _head_body,
        grid=(grid,),
        in_specs=[
            pl.BlockSpec((block, t.shape[1]), lambda i: (i, 0)),
            pl.BlockSpec((w1.shape[0], fc1), lambda i: (0, 0)),
            pl.BlockSpec((1, fc1), lambda i: (0, 0)),
            pl.BlockSpec((w1.shape[1], ncls), lambda i: (0, 0)),
            pl.BlockSpec((ncls, 1), lambda i: (0, 0)),
        ],
        out_specs=pl.BlockSpec((ncls, block), lambda i: (0, i)),
        out_shape=jax.ShapeDtypeStruct((ncls, batch), jnp.float32),
    )(t, w1, b1, w2, b2t)
    return out_t


def kernel(X, tables, W_self, W_msg, b_g, W1, b1, W2, b2, src, dst):
    batch = X.shape[0]
    tcomb = _prep(tables.reshape(_N * _S, _D), W_self, W_msg,
                  b_g.reshape(1, -1), src.reshape(1, -1), dst.reshape(1, -1))
    xt = X[:, _LO:_LO + _NR].T
    t = _make_sc_gather(batch)(xt, tcomb)
    return _head_t(t, W1, b1.reshape(1, -1), W2,
                   b2.reshape(-1, 1), 8192).T

# --- scband reference (transcript-rebuilt; emitter-appended) ---
"""Pipeline reference for scband-bnnet-45054206935261 (READ-ONLY COPY).

The authoritative reference and input builder live on the scoring server;
editing this copy changes nothing except your own understanding.
"""

import jax, jax.numpy as jnp
import numpy as np

N = 32          # num_nodes
S = 4           # states per node
D = 32          # embedding_dim
GOUT = 32       # gnn_out_dim
FC1 = 256       # fc1_out_dim
NCLS = 8        # target classes
B = 16384       # batch
TERMINAL = np.array([28, 29, 30, 31], dtype=np.int32)


def setup_inputs(seed: int = 0) -> dict:
    key = jax.random.key(seed)
    ks = jax.random.split(key, 10)
    X = jax.random.randint(ks[0], (B, N), 0, S, dtype=jnp.int32)
    # stacked per-node embedding tables: tables[i] is nn.Embedding(S, D) for node i
    tables = jax.random.normal(ks[1], (N, S, D), dtype=jnp.float32) * 0.02
    W_self = jax.random.normal(ks[2], (D, GOUT), dtype=jnp.float32) * (1.0 / np.sqrt(D))
    W_msg = jax.random.normal(ks[3], (D, GOUT), dtype=jnp.float32) * (1.0 / np.sqrt(D))
    b_g = jnp.zeros((GOUT,), dtype=jnp.float32)
    W1 = jax.random.normal(ks[4], (GOUT * len(TERMINAL), FC1), dtype=jnp.float32) * (1.0 / np.sqrt(GOUT * len(TERMINAL)))
    b1 = jnp.zeros((FC1,), dtype=jnp.float32)
    W2 = jax.random.normal(ks[5], (FC1, NCLS), dtype=jnp.float32) * (1.0 / np.sqrt(FC1))
    b2 = jnp.zeros((NCLS,), dtype=jnp.float32)
    src = jnp.concatenate([jnp.arange(31, dtype=jnp.int32), jnp.arange(30, dtype=jnp.int32)])
    dst = jnp.concatenate([jnp.arange(1, 32, dtype=jnp.int32), jnp.arange(2, 32, dtype=jnp.int32)])
    return {"X": X, "tables": tables, "W_self": W_self, "W_msg": W_msg, "b_g": b_g,
            "W1": W1, "b1": b1, "W2": W2, "b2": b2, "src": src, "dst": dst}


def reference(X, tables, W_self, W_msg, b_g, W1, b1, W2, b2, src, dst):
    # per-node embedding lookup: x[b, i] = tables[i, X[b, i]]
    node_ids = jnp.arange(N, dtype=jnp.int32)[None, :]
    x = tables[node_ids, X]                         # [B, N, D] (gather)
    # one round of message passing on the BN DAG (mean aggregation over in-edges)
    msgs = x[:, src, :]                             # [B, E, D] gather by src
    agg = jnp.zeros((x.shape[0], N, D), dtype=x.dtype).at[:, dst, :].add(msgs)  # scatter-add by dst
    deg = jnp.zeros((N,), dtype=x.dtype).at[dst].add(1.0)
    deg = jnp.maximum(deg, 1.0)
    agg = agg / deg[None, :, None]
    h = jax.nn.leaky_relu(x @ W_self + agg @ W_msg + b_g, negative_slope=0.01)  # [B, N, GOUT]
    # terminal node readout + MLP head
    t = h[:, jnp.asarray(TERMINAL), :].reshape(x.shape[0], -1)                  # [B, 4*GOUT]
    z = jax.nn.leaky_relu(t @ W1 + b1, negative_slope=0.01)
    out = z @ W2 + b2                                                            # [B, NCLS]
    return out

if __name__ == "__main__":
    import jax
    _d = setup_inputs()
    print(jax.jit(kernel)(*tuple(_d.values())))

</pallas_src>

<mosaic_0001>
#map = affine_map<(d0, d1) -> (0, 0)>
module attributes {stable_mosaic.version = 14 : i64} {
  func.func @sc_gather(%arg0: i32, %arg1: i32, %arg2: memref<6x16384xi32, #tpu.memory_space<hbm>>, %arg3: memref<4096x128xf32, #tpu.memory_space<hbm>>, %arg4: memref<16384x128xf32, #tpu.memory_space<hbm>>, %arg5: memref<6x512xi32, #tpu.memory_space<vmem>>, %arg6: memref<4x128xi32, #tpu.memory_space<vmem>>, %arg7: memref<4x128x128xf32, #tpu.memory_space<vmem>>, %arg8: memref<!tpu.dma_semaphore, #tpu.memory_space<semaphore_mem>>, %arg9: memref<!tpu.dma_semaphore, #tpu.memory_space<semaphore_mem>>, %arg10: memref<!tpu.dma_semaphore, #tpu.memory_space<semaphore_mem>>, %arg11: memref<!tpu.dma_semaphore, #tpu.memory_space<semaphore_mem>>, %arg12: memref<!tpu.dma_semaphore, #tpu.memory_space<semaphore_mem>>, %arg13: memref<!tpu.dma_semaphore, #tpu.memory_space<semaphore_mem>>, %arg14: memref<!tpu.dma_semaphore, #tpu.memory_space<semaphore_mem>>) attributes {dimension_semantics = [#tpu.dimension_semantics<core_parallel>, #tpu.dimension_semantics<subcore_parallel>], iteration_bounds = array<i64: 2, 16>, scalar_prefetch = 0 : i64, scratch_operands = 10 : i64, tpu.core_type = #tpu.core_type<sc_vector_subcore>, window_params = [{transform_indices = #map}, {transform_indices = #map}, {transform_indices = #map}]} {
    %mul3A = arith.constant 2 : i32
    %mul3A_0 = arith.muli %arg1, %mul3A : i32
    %add3A = arith.addi %mul3A_0, %arg0 : i32
    %mul3A_1 = arith.constant 512 : i32
    %mul3A_2 = arith.muli %add3A, %mul3A_1 : i32
    %dma_start3A = arith.constant 0 : i32
    %dma_start3A_3 = arith.constant 0 : i32
    %dma_start3A_4 = arith.constant 0 : i32
    %dma_start3A_5 = tpu.memref_slice %arg5[%dma_start3A_3, %dma_start3A_4] : memref<6x512xi32, #tpu.memory_space<vmem>> -> memref<1x512xi32, #tpu.memory_space<vmem>>
    %dma_start3A_6 = tpu.memref_squeeze %dma_start3A_5 : memref<1x512xi32, #tpu.memory_space<vmem>> -> memref<512xi32, #tpu.memory_space<vmem>>
    %dma_start3A_7 = tpu.memref_slice %arg2[%dma_start3A, %mul3A_2] : memref<6x16384xi32, #tpu.memory_space<hbm>> -> memref<1x512xi32, #tpu.memory_space<hbm>>
    %dma_start3A_8 = tpu.memref_squeeze %dma_start3A_7 : memref<1x512xi32, #tpu.memory_space<hbm>> -> memref<512xi32, #tpu.memory_space<hbm>>
    %dma_start3A_9 = arith.constant 0 : i32
    %dma_start3A_10 = tpu.memref_slice %arg5[%dma_start3A_3, %dma_start3A_9] : memref<6x512xi32, #tpu.memory_space<vmem>> -> memref<1x512xi32, #tpu.memory_space<vmem>>
    %dma_start3A_11 = tpu.memref_squeeze %dma_start3A_10 : memref<1x512xi32, #tpu.memory_space<vmem>> -> memref<512xi32, #tpu.memory_space<vmem>>
    %dma_start3A_12 = tpu.memref_slice %arg2[%dma_start3A, %mul3A_2] : memref<6x16384xi32, #tpu.memory_space<hbm>> -> memref<1x512xi32, #tpu.memory_space<hbm>>
    %dma_start3A_13 = tpu.memref_squeeze %dma_start3A_12 : memref<1x512xi32, #tpu.memory_space<hbm>> -> memref<512xi32, #tpu.memory_space<hbm>>
    tpu.enqueue_dma source(%dma_start3A_13 : memref<512xi32, #tpu.memory_space<hbm>>) target(%dma_start3A_11 : memref<512xi32, #tpu.memory_space<vmem>>) target_semaphore(%arg8 : memref<!tpu.dma_semaphore, #tpu.memory_space<semaphore_mem>>)
    %dma_start3A_14 = arith.constant 1 : i32
    %dma_start3A_15 = arith.constant 1 : i32
    %dma_start3A_16 = arith.constant 0 : i32
    %dma_start3A_17 = tpu.memref_slice %arg5[%dma_start3A_15, %dma_start3A_16] : memref<6x512xi32, #tpu.memory_space<vmem>> -> memref<1x512xi32, #tpu.memory_space<vmem>>
    %dma_start3A_18 = tpu.memref_squeeze %dma_start3A_17 : memref<1x512xi32, #tpu.memory_space<vmem>> -> memref<512xi32, #tpu.memory_space<vmem>>
    %dma_start3A_19 = tpu.memref_slice %arg2[%dma_start3A_14, %mul3A_2] : memref<6x16384xi32, #tpu.memory_space<hbm>> -> memref<1x512xi32, #tpu.memory_space<hbm>>
    %dma_start3A_20 = tpu.memref_squeeze %dma_start3A_19 : memref<1x512xi32, #tpu.memory_space<hbm>> -> memref<512xi32, #tpu.memory_space<hbm>>
    %dma_start3A_21 = arith.constant 0 : i32
    %dma_start3A_22 = tpu.memref_slice %arg5[%dma_start3A_15, %dma_start3A_21] : memref<6x512xi32, #tpu.memory_space<vmem>> -> memref<1x512xi32, #tpu.memory_space<vmem>>
    %dma_start3A_23 = tpu.memref_squeeze %dma_start3A_22 : memref<1x512xi32, #tpu.memory_space<vmem>> -> memref<512xi32, #tpu.memory_space<vmem>>
    %dma_start3A_24 = tpu.memref_slice %arg2[%dma_start3A_14, %mul3A_2] : memref<6x16384xi32, #tpu.memory_space<hbm>> -> memref<1x512xi32, #tpu.memory_space<hbm>>
    %dma_start3A_25 = tpu.memref_squeeze %dma_start3A_24 : memref<1x512xi32, #tpu.memory_space<hbm>> -> memref<512xi32, #tpu.memory_space<hbm>>
    tpu.enqueue_dma source(%dma_start3A_25 : memref<512xi32, #tpu.memory_space<hbm>>) target(%dma_start3A_23 : memref<512xi32, #tpu.memory_space<vmem>>) target_semaphore(%arg8 : memref<!tpu.dma_semaphore, #tpu.memory_space<semaphore_mem>>)
    %dma_start3A_26 = arith.constant 2 : i32
    %dma_start3A_27 = arith.constant 2 : i32
    %dma_start3A_28 = arith.constant 0 : i32
    %dma_start3A_29 = tpu.memref_slice %arg5[%dma_start3A_27, %dma_start3A_28] : memref<6x512xi32, #tpu.memory_space<vmem>> -> memref<1x512xi32, #tpu.memory_space<vmem>>
    %dma_start3A_30 = tpu.memref_squeeze %dma_start3A_29 : memref<1x512xi32, #tpu.memory_space<vmem>> -> memref<512xi32, #tpu.memory_space<vmem>>
    %dma_start3A_31 = tpu.memref_slice %arg2[%dma_start3A_26, %mul3A_2] : memref<6x16384xi32, #tpu.memory_space<hbm>> -> memref<1x512xi32, #tpu.memory_space<hbm>>
    %dma_start3A_32 = tpu.memref_squeeze %dma_start3A_31 : memref<1x512xi32, #tpu.memory_space<hbm>> -> memref<512xi32, #tpu.memory_space<hbm>>
    %dma_start3A_33 = arith.constant 0 : i32
    %dma_start3A_34 = tpu.memref_slice %arg5[%dma_start3A_27, %dma_start3A_33] : memref<6x512xi32, #tpu.memory_space<vmem>> -> memref<1x512xi32, #tpu.memory_space<vmem>>
    %dma_start3A_35 = tpu.memref_squeeze %dma_start3A_34 : memref<1x512xi32, #tpu.memory_space<vmem>> -> memref<512xi32, #tpu.memory_space<vmem>>
    %dma_start3A_36 = tpu.memref_slice %arg2[%dma_start3A_26, %mul3A_2] : memref<6x16384xi32, #tpu.memory_space<hbm>> -> memref<1x512xi32, #tpu.memory_space<hbm>>
    %dma_start3A_37 = tpu.memref_squeeze %dma_start3A_36 : memref<1x512xi32, #tpu.memory_space<hbm>> -> memref<512xi32, #tpu.memory_space<hbm>>
    tpu.enqueue_dma source(%dma_start3A_37 : memref<512xi32, #tpu.memory_space<hbm>>) target(%dma_start3A_35 : memref<512xi32, #tpu.memory_space<vmem>>) target_semaphore(%arg8 : memref<!tpu.dma_semaphore, #tpu.memory_space<semaphore_mem>>)
    %dma_start3A_38 = arith.constant 3 : i32
    %dma_start3A_39 = arith.constant 3 : i32
    %dma_start3A_40 = arith.constant 0 : i32
    %dma_start3A_41 = tpu.memref_slice %arg5[%dma_start3A_39, %dma_start3A_40] : memref<6x512xi32, #tpu.memory_space<vmem>> -> memref<1x512xi32, #tpu.memory_space<vmem>>
    %dma_start3A_42 = tpu.memref_squeeze %dma_start3A_41 : memref<1x512xi32, #tpu.memory_space<vmem>> -> memref<512xi32, #tpu.memory_space<vmem>>
    %dma_start3A_43 = tpu.memref_slice %arg2[%dma_start3A_38, %mul3A_2] : memref<6x16384xi32, #tpu.memory_space<hbm>> -> memref<1x512xi32, #tpu.memory_space<hbm>>
    %dma_start3A_44 = tpu.memref_squeeze %dma_start3A_43 : memref<1x512xi32, #tpu.memory_space<hbm>> -> memref<512xi32, #tpu.memory_space<hbm>>
    %dma_start3A_45 = arith.constant 0 : i32
    %dma_start3A_46 = tpu.memref_slice %arg5[%dma_start3A_39, %dma_start3A_45] : memref<6x512xi32, #tpu.memory_space<vmem>> -> memref<1x512xi32, #tpu.memory_space<vmem>>
    %dma_start3A_47 = tpu.memref_squeeze %dma_start3A_46 : memref<1x512xi32, #tpu.memory_space<vmem>> -> memref<512xi32, #tpu.memory_space<vmem>>
    %dma_start3A_48 = tpu.memref_slice %arg2[%dma_start3A_38, %mul3A_2] : memref<6x16384xi32, #tpu.memory_space<hbm>> -> memref<1x512xi32, #tpu.memory_space<hbm>>
    %dma_start3A_49 = tpu.memref_squeeze %dma_start3A_48 : memref<1x512xi32, #tpu.memory_space<hbm>> -> memref<512xi32, #tpu.memory_space<hbm>>
    tpu.enqueue_dma source(%dma_start3A_49 : memref<512xi32, #tpu.memory_space<hbm>>) target(%dma_start3A_47 : memref<512xi32, #tpu.memory_space<vmem>>) target_semaphore(%arg8 : memref<!tpu.dma_semaphore, #tpu.memory_space<semaphore_mem>>)
    %dma_start3A_50 = arith.constant 4 : i32
    %dma_start3A_51 = arith.constant 4 : i32
    %dma_start3A_52 = arith.constant 0 : i32
    %dma_start3A_53 = tpu.memref_slice %arg5[%dma_start3A_51, %dma_start3A_52] : memref<6x512xi32, #tpu.memory_space<vmem>> -> memref<1x512xi32, #tpu.memory_space<vmem>>
    %dma_start3A_54 = tpu.memref_squeeze %dma_start3A_53 : memref<1x512xi32, #tpu.memory_space<vmem>> -> memref<512xi32, #tpu.memory_space<vmem>>
    %dma_start3A_55 = tpu.memref_slice %arg2[%dma_start3A_50, %mul3A_2] : memref<6x16384xi32, #tpu.memory_space<hbm>> -> memref<1x512xi32, #tpu.memory_space<hbm>>
    %dma_start3A_56 = tpu.memref_squeeze %dma_start3A_55 : memref<1x512xi32, #tpu.memory_space<hbm>> -> memref<512xi32, #tpu.memory_space<hbm>>
    %dma_start3A_57 = arith.constant 0 : i32
    %dma_start3A_58 = tpu.memref_slice %arg5[%dma_start3A_51, %dma_start3A_57] : memref<6x512xi32, #tpu.memory_space<vmem>> -> memref<1x512xi32, #tpu.memory_space<vmem>>
    %dma_start3A_59 = tpu.memref_squeeze %dma_start3A_58 : memref<1x512xi32, #tpu.memory_space<vmem>> -> memref<512xi32, #tpu.memory_space<vmem>>
    %dma_start3A_60 = tpu.memref_slice %arg2[%dma_start3A_50, %mul3A_2] : memref<6x16384xi32, #tpu.memory_space<hbm>> -> memref<1x512xi32, #tpu.memory_space<hbm>>
    %dma_start3A_61 = tpu.memref_squeeze %dma_start3A_60 : memref<1x512xi32, #tpu.memory_space<hbm>> -> memref<512xi32, #tpu.memory_space<hbm>>
    tpu.enqueue_dma source(%dma_start3A_61 : memref<512xi32, #tpu.memory_space<hbm>>) target(%dma_start3A_59 : memref<512xi32, #tpu.memory_space<vmem>>) target_semaphore(%arg8 : memref<!tpu.dma_semaphore, #tpu.memory_space<semaphore_mem>>)
    %dma_start3A_62 = arith.constant 5 : i32
    %dma_start3A_63 = arith.constant 5 : i32
    %dma_start3A_64 = arith.constant 0 : i32
    %dma_start3A_65 = tpu.memref_slice %arg5[%dma_start3A_63, %dma_start3A_64] : memref<6x512xi32, #tpu.memory_space<vmem>> -> memref<1x512xi32, #tpu.memory_space<vmem>>
    %dma_start3A_66 = tpu.memref_squeeze %dma_start3A_65 : memref<1x512xi32, #tpu.memory_space<vmem>> -> memref<512xi32, #tpu.memory_space<vmem>>
    %dma_start3A_67 = tpu.memref_slice %arg2[%dma_start3A_62, %mul3A_2] : memref<6x16384xi32, #tpu.memory_space<hbm>> -> memref<1x512xi32, #tpu.memory_space<hbm>>
    %dma_start3A_68 = tpu.memref_squeeze %dma_start3A_67 : memref<1x512xi32, #tpu.memory_space<hbm>> -> memref<512xi32, #tpu.memory_space<hbm>>
    %dma_start3A_69 = arith.constant 0 : i32
    %dma_start3A_70 = tpu.memref_slice %arg5[%dma_start3A_63, %dma_start3A_69] : memref<6x512xi32, #tpu.memory_space<vmem>> -> memref<1x512xi32, #tpu.memory_space<vmem>>
    %dma_start3A_71 = tpu.memref_squeeze %dma_start3A_70 : memref<1x512xi32, #tpu.memory_space<vmem>> -> memref<512xi32, #tpu.memory_space<vmem>>
    %dma_start3A_72 = tpu.memref_slice %arg2[%dma_start3A_62, %mul3A_2] : memref<6x16384xi32, #tpu.memory_space<hbm>> -> memref<1x512xi32, #tpu.memory_space<hbm>>
    %dma_start3A_73 = tpu.memref_squeeze %dma_start3A_72 : memref<1x512xi32, #tpu.memory_space<hbm>> -> memref<512xi32, #tpu.memory_space<hbm>>
    tpu.enqueue_dma source(%dma_start3A_73 : memref<512xi32, #tpu.memory_space<hbm>>) target(%dma_start3A_71 : memref<512xi32, #tpu.memory_space<vmem>>) target_semaphore(%arg8 : memref<!tpu.dma_semaphore, #tpu.memory_space<semaphore_mem>>)
    %dma_wait3A = arith.constant 0 : i32
    %dma_wait3A_74 = arith.constant 0 : i32
    %dma_wait3A_75 = arith.constant 0 : i32
    %dma_wait3A_76 = tpu.memref_slice %arg5[%dma_wait3A_74, %dma_wait3A_75] : memref<6x512xi32, #tpu.memory_space<vmem>> -> memref<1x512xi32, #tpu.memory_space<vmem>>
    %dma_wait3A_77 = tpu.memref_squeeze %dma_wait3A_76 : memref<1x512xi32, #tpu.memory_space<vmem>> -> memref<512xi32, #tpu.memory_space<vmem>>
    %dma_wait3A_78 = tpu.memref_slice %arg2[%dma_wait3A, %mul3A_2] : memref<6x16384xi32, #tpu.memory_space<hbm>> -> memref<1x512xi32, #tpu.memory_space<hbm>>
    %dma_wait3A_79 = tpu.memref_squeeze %dma_wait3A_78 : memref<1x512xi32, #tpu.memory_space<hbm>> -> memref<512xi32, #tpu.memory_space<hbm>>
    %dma_wait3A_80 = arith.constant 0 : i32
    %dma_wait3A_81 = tpu.memref_slice %arg5[%dma_wait3A_74, %dma_wait3A_80] : memref<6x512xi32, #tpu.memory_space<vmem>> -> memref<1x512xi32, #tpu.memory_space<vmem>>
    %dma_wait3A_82 = tpu.memref_squeeze %dma_wait3A_81 : memref<1x512xi32, #tpu.memory_space<vmem>> -> memref<512xi32, #tpu.memory_space<vmem>>
    %dma_wait3A_83 = tpu.memref_slice %arg2[%dma_wait3A, %mul3A_2] : memref<6x16384xi32, #tpu.memory_space<hbm>> -> memref<1x512xi32, #tpu.memory_space<hbm>>
    %dma_wait3A_84 = tpu.memref_squeeze %dma_wait3A_83 : memref<1x512xi32, #tpu.memory_space<hbm>> -> memref<512xi32, #tpu.memory_space<hbm>>
    tpu.wait_dma2 semaphore(%arg8 : memref<!tpu.dma_semaphore, #tpu.memory_space<semaphore_mem>>) src(%dma_wait3A_84 : memref<512xi32, #tpu.memory_space<hbm>>) dst(%dma_wait3A_82 : memref<512xi32, #tpu.memory_space<vmem>>)
    %dma_wait3A_85 = arith.constant 1 : i32
    %dma_wait3A_86 = arith.constant 1 : i32
    %dma_wait3A_87 = arith.constant 0 : i32
    %dma_wait3A_88 = tpu.memref_slice %arg5[%dma_wait3A_86, %dma_wait3A_87] : memref<6x512xi32, #tpu.memory_space<vmem>> -> memref<1x512xi32, #tpu.memory_space<vmem>>
    %dma_wait3A_89 = tpu.memref_squeeze %dma_wait3A_88 : memref<1x512xi32, #tpu.memory_space<vmem>> -> memref<512xi32, #tpu.memory_space<vmem>>
    %dma_wait3A_90 = tpu.memref_slice %arg2[%dma_wait3A_85, %mul3A_2] : memref<6x16384xi32, #tpu.memory_space<hbm>> -> memref<1x512xi32, #tpu.memory_space<hbm>>
    %dma_wait3A_91 = tpu.memref_squeeze %dma_wait3A_90 : memref<1x512xi32, #tpu.memory_space<hbm>> -> memref<512xi32, #tpu.memory_space<hbm>>
    %dma_wait3A_92 = arith.constant 0 : i32
    %dma_wait3A_93 = tpu.memref_slice %arg5[%dma_wait3A_86, %dma_wait3A_92] : memref<6x512xi32, #tpu.memory_space<vmem>> -> memref<1x512xi32, #tpu.memory_space<vmem>>
    %dma_wait3A_94 = tpu.memref_squeeze %dma_wait3A_93 : memref<1x512xi32, #tpu.memory_space<vmem>> -> memref<512xi32, #tpu.memory_space<vmem>>
    %dma_wait3A_95 = tpu.memref_slice %arg2[%dma_wait3A_85, %mul3A_2] : memref<6x16384xi32, #tpu.memory_space<hbm>> -> memref<1x512xi32, #tpu.memory_space<hbm>>
    %dma_wait3A_96 = tpu.memref_squeeze %dma_wait3A_95 : memref<1x512xi32, #tpu.memory_space<hbm>> -> memref<512xi32, #tpu.memory_space<hbm>>
    tpu.wait_dma2 semaphore(%arg8 : memref<!tpu.dma_semaphore, #tpu.memory_space<semaphore_mem>>) src(%dma_wait3A_96 : memref<512xi32, #tpu.memory_space<hbm>>) dst(%dma_wait3A_94 : memref<512xi32, #tpu.memory_space<vmem>>)
    %dma_wait3A_97 = arith.constant 2 : i32
    %dma_wait3A_98 = arith.constant 2 : i32
    %dma_wait3A_99 = arith.constant 0 : i32
    %dma_wait3A_100 = tpu.memref_slice %arg5[%dma_wait3A_98, %dma_wait3A_99] : memref<6x512xi32, #tpu.memory_space<vmem>> -> memref<1x512xi32, #tpu.memory_space<vmem>>
    %dma_wait3A_101 = tpu.memref_squeeze %dma_wait3A_100 : memref<1x512xi32, #tpu.memory_space<vmem>> -> memref<512xi32, #tpu.memory_space<vmem>>
    %dma_wait3A_102 = tpu.memref_slice %arg2[%dma_wait3A_97, %mul3A_2] : memref<6x16384xi32, #tpu.memory_space<hbm>> -> memref<1x512xi32, #tpu.memory_space<hbm>>
    %dma_wait3A_103 = tpu.memref_squeeze %dma_wait3A_102 : memref<1x512xi32, #tpu.memory_space<hbm>> -> memref<512xi32, #tpu.memory_space<hbm>>
    %dma_wait3A_104 = arith.constant 0 : i32
    %dma_wait3A_105 = tpu.memref_slice %arg5[%dma_wait3A_98, %dma_wait3A_104] : memref<6x512xi32, #tpu.memory_space<vmem>> -> memref<1x512xi32, #tpu.memory_space<vmem>>
    %dma_wait3A_106 = tpu.memref_squeeze %dma_wait3A_105 : memref<1x512xi32, #tpu.memory_space<vmem>> -> memref<512xi32, #tpu.memory_space<vmem>>
    %dma_wait3A_107 = tpu.memref_slice %arg2[%dma_wait3A_97, %mul3A_2] : memref<6x16384xi32, #tpu.memory_space<hbm>> -> memref<1x512xi32, #tpu.memory_space<hbm>>
    %dma_wait3A_108 = tpu.memref_squeeze %dma_wait3A_107 : memref<1x512xi32, #tpu.memory_space<hbm>> -> memref<512xi32, #tpu.memory_space<hbm>>
    tpu.wait_dma2 semaphore(%arg8 : memref<!tpu.dma_semaphore, #tpu.memory_space<semaphore_mem>>) src(%dma_wait3A_108 : memref<512xi32, #tpu.memory_space<hbm>>) dst(%dma_wait3A_106 : memref<512xi32, #tpu.memory_space<vmem>>)
    %dma_wait3A_109 = arith.constant 3 : i32
    %dma_wait3A_110 = arith.constant 3 : i32
    %dma_wait3A_111 = arith.constant 0 : i32
    %dma_wait3A_112 = tpu.memref_slice %arg5[%dma_wait3A_110, %dma_wait3A_111] : memref<6x512xi32, #tpu.memory_space<vmem>> -> memref<1x512xi32, #tpu.memory_space<vmem>>
    %dma_wait3A_113 = tpu.memref_squeeze %dma_wait3A_112 : memref<1x512xi32, #tpu.memory_space<vmem>> -> memref<512xi32, #tpu.memory_space<vmem>>
    %dma_wait3A_114 = tpu.memref_slice %arg2[%dma_wait3A_109, %mul3A_2] : memref<6x16384xi32, #tpu.memory_space<hbm>> -> memref<1x512xi32, #tpu.memory_space<hbm>>
    %dma_wait3A_115 = tpu.memref_squeeze %dma_wait3A_114 : memref<1x512xi32, #tpu.memory_space<hbm>> -> memref<512xi32, #tpu.memory_space<hbm>>
    %dma_wait3A_116 = arith.constant 0 : i32
    %dma_wait3A_117 = tpu.memref_slice %arg5[%dma_wait3A_110, %dma_wait3A_116] : memref<6x512xi32, #tpu.memory_space<vmem>> -> memref<1x512xi32, #tpu.memory_space<vmem>>
    %dma_wait3A_118 = tpu.memref_squeeze %dma_wait3A_117 : memref<1x512xi32, #tpu.memory_space<vmem>> -> memref<512xi32, #tpu.memory_space<vmem>>
    %dma_wait3A_119 = tpu.memref_slice %arg2[%dma_wait3A_109, %mul3A_2] : memref<6x16384xi32, #tpu.memory_space<hbm>> -> memref<1x512xi32, #tpu.memory_space<hbm>>
    %dma_wait3A_120 = tpu.memref_squeeze %dma_wait3A_119 : memref<1x512xi32, #tpu.memory_space<hbm>> -> memref<512xi32, #tpu.memory_space<hbm>>
    tpu.wait_dma2 semaphore(%arg8 : memref<!tpu.dma_semaphore, #tpu.memory_space<semaphore_mem>>) src(%dma_wait3A_120 : memref<512xi32, #tpu.memory_space<hbm>>) dst(%dma_wait3A_118 : memref<512xi32, #tpu.memory_space<vmem>>)
    %dma_wait3A_121 = arith.constant 4 : i32
    %dma_wait3A_122 = arith.constant 4 : i32
    %dma_wait3A_123 = arith.constant 0 : i32
    %dma_wait3A_124 = tpu.memref_slice %arg5[%dma_wait3A_122, %dma_wait3A_123] : memref<6x512xi32, #tpu.memory_space<vmem>> -> memref<1x512xi32, #tpu.memory_space<vmem>>
    %dma_wait3A_125 = tpu.memref_squeeze %dma_wait3A_124 : memref<1x512xi32, #tpu.memory_space<vmem>> -> memref<512xi32, #tpu.memory_space<vmem>>
    %dma_wait3A_126 = tpu.memref_slice %arg2[%dma_wait3A_121, %mul3A_2] : memref<6x16384xi32, #tpu.memory_space<hbm>> -> memref<1x512xi32, #tpu.memory_space<hbm>>
    %dma_wait3A_127 = tpu.memref_squeeze %dma_wait3A_126 : memref<1x512xi32, #tpu.memory_space<hbm>> -> memref<512xi32, #tpu.memory_space<hbm>>
    %dma_wait3A_128 = arith.constant 0 : i32
    %dma_wait3A_129 = tpu.memref_slice %arg5[%dma_wait3A_122, %dma_wait3A_128] : memref<6x512xi32, #tpu.memory_space<vmem>> -> memref<1x512xi32, #tpu.memory_space<vmem>>
    %dma_wait3A_130 = tpu.memref_squeeze %dma_wait3A_129 : memref<1x512xi32, #tpu.memory_space<vmem>> -> memref<512xi32, #tpu.memory_space<vmem>>
    %dma_wait3A_131 = tpu.memref_slice %arg2[%dma_wait3A_121, %mul3A_2] : memref<6x16384xi32, #tpu.memory_space<hbm>> -> memref<1x512xi32, #tpu.memory_space<hbm>>
    %dma_wait3A_132 = tpu.memref_squeeze %dma_wait3A_131 : memref<1x512xi32, #tpu.memory_space<hbm>> -> memref<512xi32, #tpu.memory_space<hbm>>
    tpu.wait_dma2 semaphore(%arg8 : memref<!tpu.dma_semaphore, #tpu.memory_space<semaphore_mem>>) src(%dma_wait3A_132 : memref<512xi32, #tpu.memory_space<hbm>>) dst(%dma_wait3A_130 : memref<512xi32, #tpu.memory_space<vmem>>)
    %dma_wait3A_133 = arith.constant 5 : i32
    %dma_wait3A_134 = arith.constant 5 : i32
    %dma_wait3A_135 = arith.constant 0 : i32
    %dma_wait3A_136 = tpu.memref_slice %arg5[%dma_wait3A_134, %dma_wait3A_135] : memref<6x512xi32, #tpu.memory_space<vmem>> -> memref<1x512xi32, #tpu.memory_space<vmem>>
    %dma_wait3A_137 = tpu.memref_squeeze %dma_wait3A_136 : memref<1x512xi32, #tpu.memory_space<vmem>> -> memref<512xi32, #tpu.memory_space<vmem>>
    %dma_wait3A_138 = tpu.memref_slice %arg2[%dma_wait3A_133, %mul3A_2] : memref<6x16384xi32, #tpu.memory_space<hbm>> -> memref<1x512xi32, #tpu.memory_space<hbm>>
    %dma_wait3A_139 = tpu.memref_squeeze %dma_wait3A_138 : memref<1x512xi32, #tpu.memory_space<hbm>> -> memref<512xi32, #tpu.memory_space<hbm>>
    %dma_wait3A_140 = arith.constant 0 : i32
    %dma_wait3A_141 = tpu.memref_slice %arg5[%dma_wait3A_134, %dma_wait3A_140] : memref<6x512xi32, #tpu.memory_space<vmem>> -> memref<1x512xi32, #tpu.memory_space<vmem>>
    %dma_wait3A_142 = tpu.memref_squeeze %dma_wait3A_141 : memref<1x512xi32, #tpu.memory_space<vmem>> -> memref<512xi32, #tpu.memory_space<vmem>>
    %dma_wait3A_143 = tpu.memref_slice %arg2[%dma_wait3A_133, %mul3A_2] : memref<6x16384xi32, #tpu.memory_space<hbm>> -> memref<1x512xi32, #tpu.memory_space<hbm>>
    %dma_wait3A_144 = tpu.memref_squeeze %dma_wait3A_143 : memref<1x512xi32, #tpu.memory_space<hbm>> -> memref<512xi32, #tpu.memory_space<hbm>>
    tpu.wait_dma2 semaphore(%arg8 : memref<!tpu.dma_semaphore, #tpu.memory_space<semaphore_mem>>) src(%dma_wait3A_144 : memref<512xi32, #tpu.memory_space<hbm>>) dst(%dma_wait3A_142 : memref<512xi32, #tpu.memory_space<vmem>>)
    %get3A = arith.constant 0 : i32
    %get3A_145 = arith.index_cast %get3A : i32 to index
    %get3A_146 = arith.constant 0 : index
    %get3A_147 = tpu.vector_load %arg5[%get3A_145, %get3A_146] {strides = array<i32>} : memref<6x512xi32, #tpu.memory_space<vmem>>, vector<1x16xi32>,
    %get3A_148 = vector.shape_cast %get3A_147 : vector<1x16xi32> to vector<16xi32>
    %mul3A_149 = arith.constant 1024 : i32
    %mul3A_150 = vector.broadcast %mul3A_149 : i32 to vector<16xi32>
    %mul3A_151 = arith.muli %get3A_148, %mul3A_150 : vector<16xi32>
    %get3A_152 = arith.constant 1 : i32
    %get3A_153 = arith.index_cast %get3A_152 : i32 to index
    %get3A_154 = arith.constant 0 : index
    %get3A_155 = tpu.vector_load %arg5[%get3A_153, %get3A_154] {strides = array<i32>} : memref<6x512xi32, #tpu.memory_space<vmem>>, vector<1x16xi32>,
    %get3A_156 = vector.shape_cast %get3A_155 : vector<1x16xi32> to vector<16xi32>
    %mul3A_157 = arith.constant 256 : i32
    %mul3A_158 = vector.broadcast %mul3A_157 : i32 to vector<16xi32>
    %mul3A_159 = arith.muli %get3A_156, %mul3A_158 : vector<16xi32>
    %add3A_160 = arith.addi %mul3A_151, %mul3A_159 : vector<16xi32>
    %get3A_161 = arith.constant 2 : i32
    %get3A_162 = arith.index_cast %get3A_161 : i32 to index
    %get3A_163 = arith.constant 0 : index
    %get3A_164 = tpu.vector_load %arg5[%get3A_162, %get3A_163] {strides = array<i32>} : memref<6x512xi32, #tpu.memory_space<vmem>>, vector<1x16xi32>,
    %get3A_165 = vector.shape_cast %get3A_164 : vector<1x16xi32> to vector<16xi32>
    %mul3A_166 = arith.constant 64 : i32
    %mul3A_167 = vector.broadcast %mul3A_166 : i32 to vector<16xi32>
    %mul3A_168 = arith.muli %get3A_165, %mul3A_167 : vector<16xi32>
    %add3A_169 = arith.addi %add3A_160, %mul3A_168 : vector<16xi32>
    %get3A_170 = arith.constant 3 : i32
    %get3A_171 = arith.index_cast %get3A_170 : i32 to index
    %get3A_172 = arith.constant 0 : index
    %get3A_173 = tpu.vector_load %arg5[%get3A_171, %get3A_172] {strides = array<i32>} : memref<6x512xi32, #tpu.memory_space<vmem>>, vector<1x16xi32>,
    %get3A_174 = vector.shape_cast %get3A_173 : vector<1x16xi32> to vector<16xi32>
    %mul3A_175 = arith.constant 16 : i32
    %mul3A_176 = vector.broadcast %mul3A_175 : i32 to vector<16xi32>
    %mul3A_177 = arith.muli %get3A_174, %mul3A_176 : vector<16xi32>
    %add3A_178 = arith.addi %add3A_169, %mul3A_177 : vector<16xi32>
    %get3A_179 = arith.constant 4 : i32
    %get3A_180 = arith.index_cast %get3A_179 : i32 to index
    %get3A_181 = arith.constant 0 : index
    %get3A_182 = tpu.vector_load %arg5[%get3A_180, %get3A_181] {strides = array<i32>} : memref<6x512xi32, #tpu.memory_space<vmem>>, vector<1x16xi32>,
    %get3A_183 = vector.shape_cast %get3A_182 : vector<1x16xi32> to vector<16xi32>
    %mul3A_184 = arith.constant 4 : i32
    %mul3A_185 = vector.broadcast %mul3A_184 : i32 to vector<16xi32>
    %mul3A_186 = arith.muli %get3A_183, %mul3A_185 : vector<16xi32>
    %add3A_187 = arith.addi %add3A_178, %mul3A_186 : vector<16xi32>
    %get3A_188 = arith.constant 5 : i32
    %get3A_189 = arith.index_cast %get3A_188 : i32 to index
    %get3A_190 = arith.constant 0 : index
    %get3A_191 = tpu.vector_load %arg5[%get3A_189, %get3A_190] {strides = array<i32>} : memref<6x512xi32, #tpu.memory_space<vmem>>, vector<1x16xi32>,
    %get3A_192 = vector.shape_cast %get3A_191 : vector<1x16xi32> to vector<16xi32>
    %add3A_193 = arith.addi %add3A_187, %get3A_192 : vector<16xi32>
    %swap3A = arith.constant 0 : i32
    %swap3A_194 = arith.index_cast %swap3A : i32 to index
    %swap3A_195 = arith.constant 0 : index
    %swap3A_196 = tpu.vector_load %arg6[%swap3A_194, %swap3A_195] {strides = array<i32>} : memref<4x128xi32, #tpu.memory_space<vmem>>, vector<1x16xi32>,
    %swap3A_197 = vector.shape_cast %swap3A_196 : vector<1x16xi32> to vector<16xi32>
    %swap3A_198 = vector.shape_cast %add3A_193 : vector<16xi32> to vector<1x16xi32>
    tpu.vector_store %arg6[%swap3A_194, %swap3A_195], %swap3A_198 {strides = array<i32>} : memref<4x128xi32, #tpu.memory_space<vmem>>, vector<1x16xi32>,
    %get3A_199 = arith.constant 0 : i32
    %get3A_200 = arith.index_cast %get3A_199 : i32 to index
    %get3A_201 = arith.constant 16 : index
    %get3A_202 = tpu.vector_load %arg5[%get3A_200, %get3A_201] {strides = array<i32>} : memref<6x512xi32, #tpu.memory_space<vmem>>, vector<1x16xi32>,
    %get3A_203 = vector.shape_cast %get3A_202 : vector<1x16xi32> to vector<16xi32>
    %mul3A_204 = arith.constant 1024 : i32
    %mul3A_205 = vector.broadcast %mul3A_204 : i32 to vector<16xi32>
    %mul3A_206 = arith.muli %get3A_203, %mul3A_205 : vector<16xi32>
    %get3A_207 = arith.constant 1 : i32
    %get3A_208 = arith.index_cast %get3A_207 : i32 to index
    %get3A_209 = arith.constant 16 : index
    %get3A_210 = tpu.vector_load %arg5[%get3A_208, %get3A_209] {strides = array<i32>} : memref<6x512xi32, #tpu.memory_space<vmem>>, vector<1x16xi32>,
    %get3A_211 = vector.shape_cast %get3A_210 : vector<1x16xi32> to vector<16xi32>
    %mul3A_212 = arith.constant 256 : i32
    %mul3A_213 = vector.broadcast %mul3A_212 : i32 to vector<16xi32>
    %mul3A_214 = arith.muli %get3A_211, %mul3A_213 : vector<16xi32>
    %add3A_215 = arith.addi %mul3A_206, %mul3A_214 : vector<16xi32>
    %get3A_216 = arith.constant 2 : i32
    %get3A_217 = arith.index_cast %get3A_216 : i32 to index
    %get3A_218 = arith.constant 16 : index
    %get3A_219 = tpu.vector_load %arg5[%get3A_217, %get3A_218] {strides = array<i32>} : memref<6x512xi32, #tpu.memory_space<vmem>>, vector<1x16xi32>,
    %get3A_220 = vector.shape_cast %get3A_219 : vector<1x16xi32> to vector<16xi32>
    %mul3A_221 = arith.constant 64 : i32
    %mul3A_222 = vector.broadcast %mul3A_221 : i32 to vector<16xi32>
    %mul3A_223 = arith.muli %get3A_220, %mul3A_222 : vector<16xi32>
    %add3A_224 = arith.addi %add3A_215, %mul3A_223 : vector<16xi32>
    %get3A_225 = arith.constant 3 : i32
    %get3A_226 = arith.index_cast %get3A_225 : i32 to index
    %get3A_227 = arith.constant 16 : index
    %get3A_228 = tpu.vector_load %arg5[%get3A_226, %get3A_227] {strides = array<i32>} : memref<6x512xi32, #tpu.memory_space<vmem>>, vector<1x16xi32>,
    %get3A_229 = vector.shape_cast %get3A_228 : vector<1x16xi32> to vector<16xi32>
    %mul3A_230 = arith.constant 16 : i32
    %mul3A_231 = vector.broadcast %mul3A_230 : i32 to vector<16xi32>
    %mul3A_232 = arith.muli %get3A_229, %mul3A_231 : vector<16xi32>
    %add3A_233 = arith.addi %add3A_224, %mul3A_232 : vector<16xi32>
    %get3A_234 = arith.constant 4 : i32
    %get3A_235 = arith.index_cast %get3A_234 : i32 to index
    %get3A_236 = arith.constant 16 : index
    %get3A_237 = tpu.vector_load %arg5[%get3A_235, %get3A_236] {strides = array<i32>} : memref<6x512xi32, #tpu.memory_space<vmem>>, vector<1x16xi32>,
    %get3A_238 = vector.shape_cast %get3A_237 : vector<1x16xi32> to vector<16xi32>
    %mul3A_239 = arith.constant 4 : i32
    %mul3A_240 = vector.broadcast %mul3A_239 : i32 to vector<16xi32>
    %mul3A_241 = arith.muli %get3A_238, %mul3A_240 : vector<16xi32>
    %add3A_242 = arith.addi %add3A_233, %mul3A_241 : vector<16xi32>
    %get3A_243 = arith.constant 5 : i32
    %get3A_244 = arith.index_cast %get3A_243 : i32 to index
    %get3A_245 = arith.constant 16 : index
    %get3A_246 = tpu.vector_load %arg5[%get3A_244, %get3A_245] {strides = array<i32>} : memref<6x512xi32, #tpu.memory_space<vmem>>, vector<1x16xi32>,
    %get3A_247 = vector.shape_cast %get3A_246 : vector<1x16xi32> to vector<16xi32>
    %add3A_248 = arith.addi %add3A_242, %get3A_247 : vector<16xi32>
    %swap3A_249 = arith.constant 0 : i32
    %swap3A_250 = arith.index_cast %swap3A_249 : i32 to index
    %swap3A_251 = arith.constant 16 : index
    %swap3A_252 = tpu.vector_load %arg6[%swap3A_250, %swap3A_251] {strides = array<i32>} : memref<4x128xi32, #tpu.memory_space<vmem>>, vector<1x16xi32>,
    %swap3A_253 = vector.shape_cast %swap3A_252 : vector<1x16xi32> to vector<16xi32>
    %swap3A_254 = vector.shape_cast %add3A_248 : vector<16xi32> to vector<1x16xi32>
    tpu.vector_store %arg6[%swap3A_250, %swap3A_251], %swap3A_254 {strides = array<i32>} : memref<4x128xi32, #tpu.memory_space<vmem>>, vector<1x16xi32>,
    %get3A_255 = arith.constant 0 : i32
    %get3A_256 = arith.index_cast %get3A_255 : i32 to index
    %get3A_257 = arith.constant 32 : index
    %get3A_258 = tpu.vector_load %arg5[%get3A_256, %get3A_257] {strides = array<i32>} : memref<6x512xi32, #tpu.memory_space<vmem>>, vector<1x16xi32>,
    %get3A_259 = vector.shape_cast %get3A_258 : vector<1x16xi32> to vector<16xi32>
    %mul3A_260 = arith.constant 1024 : i32
    %mul3A_261 = vector.broadcast %mul3A_260 : i32 to vector<16xi32>
    %mul3A_262 = arith.muli %get3A_259, %mul3A_261 : vector<16xi32>
    %get3A_263 = arith.constant 1 : i32
    %get3A_264 = arith.index_cast %get3A_263 : i32 to index
    %get3A_265 = arith.constant 32 : index
    %get3A_266 = tpu.vector_load %arg5[%get3A_264, %get3A_265] {strides = array<i32>} : memref<6x512xi32, #tpu.memory_space<vmem>>, vector<1x16xi32>,
    %get3A_267 = vector.shape_cast %get3A_266 : vector<1x16xi32> to vector<16xi32>
    %mul3A_268 = arith.constant 256 : i32
    %mul3A_269 = vector.broadcast %mul3A_268 : i32 to vector<16xi32>
    %mul3A_270 = arith.muli %get3A_267, %mul3A_269 : vector<16xi32>
    %add3A_271 = arith.addi %mul3A_262, %mul3A_270 : vector<16xi32>
    %get3A_272 = arith.constant 2 : i32
    %get3A_273 = arith.index_cast %get3A_272 : i32 to index
    %get3A_274 = arith.constant 32 : index
    %get3A_275 = tpu.vector_load %arg5[%get3A_273, %get3A_274] {strides = array<i32>} : memref<6x512xi32, #tpu.memory_space<vmem>>, vector<1x16xi32>,
    %get3A_276 = vector.shape_cast %get3A_275 : vector<1x16xi32> to vector<16xi32>
    %mul3A_277 = arith.constant 64 : i32
    %mul3A_278 = vector.broadcast %mul3A_277 : i32 to vector<16xi32>
    %mul3A_279 = arith.muli %get3A_276, %mul3A_278 : vector<16xi32>
    %add3A_280 = arith.addi %add3A_271, %mul3A_279 : vector<16xi32>
    %get3A_281 = arith.constant 3 : i32
    %get3A_282 = arith.index_cast %get3A_281 : i32 to index
    %get3A_283 = arith.constant 32 : index
    %get3A_284 = tpu.vector_load %arg5[%get3A_282, %get3A_283] {strides = array<i32>} : memref<6x512xi32, #tpu.memory_space<vmem>>, vector<1x16xi32>,
    %get3A_285 = vector.shape_cast %get3A_284 : vector<1x16xi32> to vector<16xi32>
    %mul3A_286 = arith.constant 16 : i32
    %mul3A_287 = vector.broadcast %mul3A_286 : i32 to vector<16xi32>
    %mul3A_288 = arith.muli %get3A_285, %mul3A_287 : vector<16xi32>
    %add3A_289 = arith.addi %add3A_280, %mul3A_288 : vector<16xi32>
    %get3A_290 = arith.constant 4 : i32
    %get3A_291 = arith.index_cast %get3A_290 : i32 to index
    %get3A_292 = arith.constant 32 : index
    %get3A_293 = tpu.vector_load %arg5[%get3A_291, %get3A_292] {strides = array<i32>} : memref<6x512xi32, #tpu.memory_space<vmem>>, vector<1x16xi32>,
    %get3A_294 = vector.shape_cast %get3A_293 : vector<1x16xi32> to vector<16xi32>
    %mul3A_295 = arith.constant 4 : i32
    %mul3A_296 = vector.broadcast %mul3A_295 : i32 to vector<16xi32>
    %mul3A_297 = arith.muli %get3A_294, %mul3A_296 : vector<16xi32>
    %add3A_298 = arith.addi %add3A_289, %mul3A_297 : vector<16xi32>
    %get3A_299 = arith.constant 5 : i32
    %get3A_300 = arith.index_cast %get3A_299 : i32 to index
    %get3A_301 = arith.constant 32 : index
    %get3A_302 = tpu.vector_load %arg5[%get3A_300, %get3A_301] {strides = array<i32>} : memref<6x512xi32, #tpu.memory_space<vmem>>, vector<1x16xi32>,
    %get3A_303 = vector.shape_cast %get3A_302 : vector<1x16xi32> to vector<16xi32>
    %add3A_304 = arith.addi %add3A_298, %get3A_303 : vector<16xi32>
    %swap3A_305 = arith.constant 0 : i32
    %swap3A_306 = arith.index_cast %swap3A_305 : i32 to index
    %swap3A_307 = arith.constant 32 : index
    %swap3A_308 = tpu.vector_load %arg6[%swap3A_306, %swap3A_307] {strides = array<i32>} : memref<4x128xi32, #tpu.memory_space<vmem>>, vector<1x16xi32>,
    %swap3A_309 = vector.shape_cast %swap3A_308 : vector<1x16xi32> to vector<16xi32>
    %swap3A_310 = vector.shape_cast %add3A_304 : vector<16xi32> to vector<1x16xi32>
    tpu.vector_store %arg6[%swap3A_306, %swap3A_307], %swap3A_310 {strides = array<i32>} : memref<4x128xi32, #tpu.memory_space<vmem>>, vector<1x16xi32>,
    %get3A_311 = arith.constant 0 : i32
    %get3A_312 = arith.index_cast %get3A_311 : i32 to index
    %get3A_313 = arith.constant 48 : index
    %get3A_314 = tpu.vector_load %arg5[%get3A_312, %get3A_313] {strides = array<i32>} : memref<6x512xi32, #tpu.memory_space<vmem>>, vector<1x16xi32>,
    %get3A_315 = vector.shape_cast %get3A_314 : vector<1x16xi32> to vector<16xi32>
    %mul3A_316 = arith.constant 1024 : i32
    %mul3A_317 = vector.broadcast %mul3A_316 : i32 to vector<16xi32>
    %mul3A_318 = arith.muli %get3A_315, %mul3A_317 : vector<16xi32>
    %get3A_319 = arith.constant 1 : i32
    %get3A_320 = arith.index_cast %get3A_319 : i32 to index
    %get3A_321 = arith.constant 48 : index
    %get3A_322 = tpu.vector_load %arg5[%get3A_320, %get3A_321] {strides = array<i32>} : memref<6x512xi32, #tpu.memory_space<vmem>>, vector<1x16xi32>,
    %get3A_323 = vector.shape_cast %get3A_322 : vector<1x16xi32> to vector<16xi32>
    %mul3A_324 = arith.constant 256 : i32
    %mul3A_325 = vector.broadcast %mul3A_324 : i32 to vector<16xi32>
    %mul3A_326 = arith.muli %get3A_323, %mul3A_325 : vector<16xi32>
    %add3A_327 = arith.addi %mul3A_318, %mul3A_326 : vector<16xi32>
    %get3A_328 = arith.constant 2 : i32
    %get3A_329 = arith.index_cast %get3A_328 : i32 to index
    %get3A_330 = arith.constant 48 : index
    %get3A_331 = tpu.vector_load %arg5[%get3A_329, %get3A_330] {strides = array<i32>} : memref<6x512xi32, #tpu.memory_space<vmem>>, vector<1x16xi32>,
    %get3A_332 = vector.shape_cast %get3A_331 : vector<1x16xi32> to vector<16xi32>
    %mul3A_333 = arith.constant 64 : i32
    %mul3A_334 = vector.broadcast %mul3A_333 : i32 to vector<16xi32>
    %mul3A_335 = arith.muli %get3A_332, %mul3A_334 : vector<16xi32>
    %add3A_336 = arith.addi %add3A_327, %mul3A_335 : vector<16xi32>
    %get3A_337 = arith.constant 3 : i32
    %get3A_338 = arith.index_cast %get3A_337 : i32 to index
    %get3A_339 = arith.constant 48 : index
    %get3A_340 = tpu.vector_load %arg5[%get3A_338, %get3A_339] {strides = array<i32>} : memref<6x512xi32, #tpu.memory_space<vmem>>, vector<1x16xi32>,
    %get3A_341 = vector.shape_cast %get3A_340 : vector<1x16xi32> to vector<16xi32>
    %mul3A_342 = arith.constant 16 : i32
    %mul3A_343 = vector.broadcast %mul3A_342 : i32 to vector<16xi32>
    %mul3A_344 = arith.muli %get3A_341, %mul3A_343 : vector<16xi32>
    %add3A_345 = arith.addi %add3A_336, %mul3A_344 : vector<16xi32>
    %get3A_346 = arith.constant 4 : i32
    %get3A_347 = arith.index_cast %get3A_346 : i32 to index
    %get3A_348 = arith.constant 48 : index
    %get3A_349 = tpu.vector_load %arg5[%get3A_347, %get3A_348] {strides = array<i32>} : memref<6x512xi32, #tpu.memory_space<vmem>>, vector<1x16xi32>,
    %get3A_350 = vector.shape_cast %get3A_349 : vector<1x16xi32> to vector<16xi32>
    %mul3A_351 = arith.constant 4 : i32
    %mul3A_352 = vector.broadcast %mul3A_351 : i32 to vector<16xi32>
    %mul3A_353 = arith.muli %get3A_350, %mul3A_352 : vector<16xi32>
    %add3A_354 = arith.addi %add3A_345, %mul3A_353 : vector<16xi32>
    %get3A_355 = arith.constant 5 : i32
    %get3A_356 = arith.index_cast %get3A_355 : i32 to index
    %get3A_357 = arith.constant 48 : index
    %get3A_358 = tpu.vector_load %arg5[%get3A_356, %get3A_357] {strides = array<i32>} : memref<6x512xi32, #tpu.memory_space<vmem>>, vector<1x16xi32>,
    %get3A_359 = vector.shape_cast %get3A_358 : vector<1x16xi32> to vector<16xi32>
    %add3A_360 = arith.addi %add3A_354, %get3A_359 : vector<16xi32>
    %swap3A_361 = arith.constant 0 : i32
    %swap3A_362 = arith.index_cast %swap3A_361 : i32 to index
    %swap3A_363 = arith.constant 48 : index
    %swap3A_364 = tpu.vector_load %arg6[%swap3A_362, %swap3A_363] {strides = array<i32>} : memref<4x128xi32, #tpu.memory_space<vmem>>, vector<1x16xi32>,
    %swap3A_365 = vector.shape_cast %swap3A_364 : vector<1x16xi32> to vector<16xi32>
    %swap3A_366 = vector.shape_cast %add3A_360 : vector<16xi32> to vector<1x16xi32>
    tpu.vector_store %arg6[%swap3A_362, %swap3A_363], %swap3A_366 {strides = array<i32>} : memref<4x128xi32, #tpu.memory_space<vmem>>, vector<1x16xi32>,
    %get3A_367 = arith.constant 0 : i32
    %get3A_368 = arith.index_cast %get3A_367 : i32 to index
    %get3A_369 = arith.constant 64 : index
    %get3A_370 = tpu.vector_load %arg5[%get3A_368, %get3A_369] {strides = array<i32>} : memref<6x512xi32, #tpu.memory_space<vmem>>, vector<1x16xi32>,
    %get3A_371 = vector.shape_cast %get3A_370 : vector<1x16xi32> to vector<16xi32>
    %mul3A_372 = arith.constant 1024 : i32
    %mul3A_373 = vector.broadcast %mul3A_372 : i32 to vector<16xi32>
    %mul3A_374 = arith.muli %get3A_371, %mul3A_373 : vector<16xi32>
    %get3A_375 = arith.constant 1 : i32
    %get3A_376 = arith.index_cast %get3A_375 : i32 to index
    %get3A_377 = arith.constant 64 : index
    %get3A_378 = tpu.vector_load %arg5[%get3A_376, %get3A_377] {strides = array<i32>} : memref<6x512xi32, #tpu.memory_space<vmem>>, vector<1x16xi32>,
    %get3A_379 = vector.shape_cast %get3A_378 : vector<1x16xi32> to vector<16xi32>
    %mul3A_380 = arith.constant 256 : i32
    %mul3A_381 = vector.broadcast %mul3A_380 : i32 to vector<16xi32>
    %mul3A_382 = arith.muli %get3A_379, %mul3A_381 : vector<16xi32>
    %add3A_383 = arith.addi %mul3A_374, %mul3A_382 : vector<16xi32>
    %get3A_384 = arith.constant 2 : i32
    %get3A_385 = arith.index_cast %get3A_384 : i32 to index
    %get3A_386 = arith.constant 64 : index
    %get3A_387 = tpu.vector_load %arg5[%get3A_385, %get3A_386] {strides = array<i32>} : memref<6x512xi32, #tpu.memory_space<vmem>>, vector<1x16xi32>,
    %get3A_388 = vector.shape_cast %get3A_387 : vector<1x16xi32> to vector<16xi32>
    %mul3A_389 = arith.constant 64 : i32
    %mul3A_390 = vector.broadcast %mul3A_389 : i32 to vector<16xi32>
    %mul3A_391 = arith.muli %get3A_388, %mul3A_390 : vector<16xi32>
    %add3A_392 = arith.addi %add3A_383, %mul3A_391 : vector<16xi32>
    %get3A_393 = arith.constant 3 : i32
    %get3A_394 = arith.index_cast %get3A_393 : i32 to index
    %get3A_395 = arith.constant 64 : index
    %get3A_396 = tpu.vector_load %arg5[%get3A_394, %get3A_395] {strides = array<i32>} : memref<6x512xi32, #tpu.memory_space<vmem>>, vector<1x16xi32>,
    %get3A_397 = vector.shape_cast %get3A_396 : vector<1x16xi32> to vector<16xi32>
    %mul3A_398 = arith.constant 16 : i32
    %mul3A_399 = vector.broadcast %mul3A_398 : i32 to vector<16xi32>
    %mul3A_400 = arith.muli %get3A_397, %mul3A_399 : vector<16xi32>
    %add3A_401 = arith.addi %add3A_392, %mul3A_400 : vector<16xi32>
    %get3A_402 = arith.constant 4 : i32
    %get3A_403 = arith.index_cast %get3A_402 : i32 to index
    %get3A_404 = arith.constant 64 : index
    %get3A_405 = tpu.vector_load %arg5[%get3A_403, %get3A_404] {strides = array<i32>} : memref<6x512xi32, #tpu.memory_space<vmem>>, vector<1x16xi32>,
    %get3A_406 = vector.shape_cast %get3A_405 : vector<1x16xi32> to vector<16xi32>
    %mul3A_407 = arith.constant 4 : i32
    %mul3A_408 = vector.broadcast %mul3A_407 : i32 to vector<16xi32>
    %mul3A_409 = arith.muli %get3A_406, %mul3A_408 : vector<16xi32>
    %add3A_410 = arith.addi %add3A_401, %mul3A_409 : vector<16xi32>
    %get3A_411 = arith.constant 5 : i32
    %get3A_412 = arith.index_cast %get3A_411 : i32 to index
    %get3A_413 = arith.constant 64 : index
    %get3A_414 = tpu.vector_load %arg5[%get3A_412, %get3A_413] {strides = array<i32>} : memref<6x512xi32, #tpu.memory_space<vmem>>, vector<1x16xi32>,
    %get3A_415 = vector.shape_cast %get3A_414 : vector<1x16xi32> to vector<16xi32>
    %add3A_416 = arith.addi %add3A_410, %get3A_415 : vector<16xi32>
    %swap3A_417 = arith.constant 0 : i32
    %swap3A_418 = arith.index_cast %swap3A_417 : i32 to index
    %swap3A_419 = arith.constant 64 : index
    %swap3A_420 = tpu.vector_load %arg6[%swap3A_418, %swap3A_419] {strides = array<i32>} : memref<4x128xi32, #tpu.memory_space<vmem>>, vector<1x16xi32>,
    %swap3A_421 = vector.shape_cast %swap3A_420 : vector<1x16xi32> to vector<16xi32>
    %swap3A_422 = vector.shape_cast %add3A_416 : vector<16xi32> to vector<1x16xi32>
    tpu.vector_store %arg6[%swap3A_418, %swap3A_419], %swap3A_422 {strides = array<i32>} : memref<4x128xi32, #tpu.memory_space<vmem>>, vector<1x16xi32>,
    %get3A_423 = arith.constant 0 : i32
    %get3A_424 = arith.index_cast %get3A_423 : i32 to index
    %get3A_425 = arith.constant 80 : index
    %get3A_426 = tpu.vector_load %arg5[%get3A_424, %get3A_425] {strides = array<i32>} : memref<6x512xi32, #tpu.memory_space<vmem>>, vector<1x16xi32>,
    %get3A_427 = vector.shape_cast %get3A_426 : vector<1x16xi32> to vector<16xi32>
    %mul3A_428 = arith.constant 1024 : i32
    %mul3A_429 = vector.broadcast %mul3A_428 : i32 to vector<16xi32>
    %mul3A_430 = arith.muli %get3A_427, %mul3A_429 : vector<16xi32>
    %get3A_431 = arith.constant 1 : i32
    %get3A_432 = arith.index_cast %get3A_431 : i32 to index
    %get3A_433 = arith.constant 80 : index
    %get3A_434 = tpu.vector_load %arg5[%get3A_432, %get3A_433] {strides = array<i32>} : memref<6x512xi32, #tpu.memory_space<vmem>>, vector<1x16xi32>,
    %get3A_435 = vector.shape_cast %get3A_434 : vector<1x16xi32> to vector<16xi32>
    %mul3A_436 = arith.constant 256 : i32
    %mul3A_437 = vector.broadcast %mul3A_436 : i32 to vector<16xi32>
    %mul3A_438 = arith.muli %get3A_435, %mul3A_437 : vector<16xi32>
    %add3A_439 = arith.addi %mul3A_430, %mul3A_438 : vector<16xi32>
    %get3A_440 = arith.constant 2 : i32
    %get3A_441 = arith.index_cast %get3A_440 : i32 to index
    %get3A_442 = arith.constant 80 : index
    %get3A_443 = tpu.vector_load %arg5[%get3A_441, %get3A_442] {strides = array<i32>} : memref<6x512xi32, #tpu.memory_space<vmem>>, vector<1x16xi32>,
    %get3A_444 = vector.shape_cast %get3A_443 : vector<1x16xi32> to vector<16xi32>
    %mul3A_445 = arith.constant 64 : i32
    %mul3A_446 = vector.broadcast %mul3A_445 : i32 to vector<16xi32>
    %mul3A_447 = arith.muli %get3A_444, %mul3A_446 : vector<16xi32>
    %add3A_448 = arith.addi %add3A_439, %mul3A_447 : vector<16xi32>
    %get3A_449 = arith.constant 3 : i32
    %get3A_450 = arith.index_cast %get3A_449 : i32 to index
    %get3A_451 = arith.constant 80 : index
    %get3A_452 = tpu.vector_load %arg5[%get3A_450, %get3A_451] {strides = array<i32>} : memref<6x512xi32, #tpu.memory_space<vmem>>, vector<1x16xi32>,
    %get3A_453 = vector.shape_cast %get3A_452 : vector<1x16xi32> to vector<16xi32>
    %mul3A_454 = arith.constant 16 : i32
    %mul3A_455 = vector.broadcast %mul3A_454 : i32 to vector<16xi32>
    %mul3A_456 = arith.muli %get3A_453, %mul3A_455 : vector<16xi32>
    %add3A_457 = arith.addi %add3A_448, %mul3A_456 : vector<16xi32>
    %get3A_458 = arith.constant 4 : i32
    %get3A_459 = arith.index_cast %get3A_458 : i32 to index
    %get3A_460 = arith.constant 80 : index
    %get3A_461 = tpu.vector_load %arg5[%get3A_459, %get3A_460] {strides = array<i32>} : memref<6x512xi32, #tpu.memory_space<vmem>>, vector<1x16xi32>,
    %get3A_462 = vector.shape_cast %get3A_461 : vector<1x16xi32> to vector<16xi32>
    %mul3A_463 = arith.constant 4 : i32
    %mul3A_464 = vector.broadcast %mul3A_463 : i32 to vector<16xi32>
    %mul3A_465 = arith.muli %get3A_462, %mul3A_464 : vector<16xi32>
    %add3A_466 = arith.addi %add3A_457, %mul3A_465 : vector<16xi32>
    %get3A_467 = arith.constant 5 : i32
    %get3A_468 = arith.index_cast %get3A_467 : i32 to index
    %get3A_469 = arith.constant 80 : index
    %get3A_470 = tpu.vector_load %arg5[%get3A_468, %get3A_469] {strides = array<i32>} : memref<6x512xi32, #tpu.memory_space<vmem>>, vector<1x16xi32>,
    %get3A_471 = vector.shape_cast %get3A_470 : vector<1x16xi32> to vector<16xi32>
    %add3A_472 = arith.addi %add3A_466, %get3A_471 : vector<16xi32>
    %swap3A_473 = arith.constant 0 : i32
    %swap3A_474 = arith.index_cast %swap3A_473 : i32 to index
    %swap3A_475 = arith.constant 80 : index
    %swap3A_476 = tpu.vector_load %arg6[%swap3A_474, %swap3A_475] {strides = array<i32>} : memref<4x128xi32, #tpu.memory_space<vmem>>, vector<1x16xi32>,
    %swap3A_477 = vector.shape_cast %swap3A_476 : vector<1x16xi32> to vector<16xi32>
    %swap3A_478 = vector.shape_cast %add3A_472 : vector<16xi32> to vector<1x16xi32>
    tpu.vector_store %arg6[%swap3A_474, %swap3A_475], %swap3A_478 {strides = array<i32>} : memref<4x128xi32, #tpu.memory_space<vmem>>, vector<1x16xi32>,
    %get3A_479 = arith.constant 0 : i32
    %get3A_480 = arith.index_cast %get3A_479 : i32 to index
    %get3A_481 = arith.constant 96 : index
    %get3A_482 = tpu.vector_load %arg5[%get3A_480, %get3A_481] {strides = array<i32>} : memref<6x512xi32, #tpu.memory_space<vmem>>, vector<1x16xi32>,
    %get3A_483 = vector.shape_cast %get3A_482 : vector<1x16xi32> to vector<16xi32>
    %mul3A_484 = arith.constant 1024 : i32
    %mul3A_485 = vector.broadcast %mul3A_484 : i32 to vector<16xi32>
    %mul3A_486 = arith.muli %get3A_483, %mul3A_485 : vector<16xi32>
    %get3A_487 = arith.constant 1 : i32
    %get3A_488 = arith.index_cast %get3A_487 : i32 to index
    %get3A_489 = arith.constant 96 : index
    %get3A_490 = tpu.vector_load %arg5[%get3A_488, %get3A_489] {strides = array<i32>} : memref<6x512xi32, #tpu.memory_space<vmem>>, vector<1x16xi32>,
    %get3A_491 = vector.shape_cast %get3A_490 : vector<1x16xi32> to vector<16xi32>
    %mul3A_492 = arith.constant 256 : i32
    %mul3A_493 = vector.broadcast %mul3A_492 : i32 to vector<16xi32>
    %mul3A_494 = arith.muli %get3A_491, %mul3A_493 : vector<16xi32>
    %add3A_495 = arith.addi %mul3A_486, %mul3A_494 : vector<16xi32>
    %get3A_496 = arith.constant 2 : i32
    %get3A_497 = arith.index_cast %get3A_496 : i32 to index
    %get3A_498 = arith.constant 96 : index
    %get3A_499 = tpu.vector_load %arg5[%get3A_497, %get3A_498] {strides = array<i32>} : memref<6x512xi32, #tpu.memory_space<vmem>>, vector<1x16xi32>,
    %get3A_500 = vector.shape_cast %get3A_499 : vector<1x16xi32> to vector<16xi32>
    %mul3A_501 = arith.constant 64 : i32
    %mul3A_502 = vector.broadcast %mul3A_501 : i32 to vector<16xi32>
    %mul3A_503 = arith.muli %get3A_500, %mul3A_502 : vector<16xi32>
    %add3A_504 = arith.addi %add3A_495, %mul3A_503 : vector<16xi32>
    %get3A_505 = arith.constant 3 : i32
    %get3A_506 = arith.index_cast %get3A_505 : i32 to index
    %get3A_507 = arith.constant 96 : index
    %get3A_508 = tpu.vector_load %arg5[%get3A_506, %get3A_507] {strides = array<i32>} : memref<6x512xi32, #tpu.memory_space<vmem>>, vector<1x16xi32>,
    %get3A_509 = vector.shape_cast %get3A_508 : vector<1x16xi32> to vector<16xi32>
    %mul3A_510 = arith.constant 16 : i32
    %mul3A_511 = vector.broadcast %mul3A_510 : i32 to vector<16xi32>
    %mul3A_512 = arith.muli %get3A_509, %mul3A_511 : vector<16xi32>
    %add3A_513 = arith.addi %add3A_504, %mul3A_512 : vector<16xi32>
    %get3A_514 = arith.constant 4 : i32
    %get3A_515 = arith.index_cast %get3A_514 : i32 to index
    %get3A_516 = arith.constant 96 : index
    %get3A_517 = tpu.vector_load %arg5[%get3A_515, %get3A_516] {strides = array<i32>} : memref<6x512xi32, #tpu.memory_space<vmem>>, vector<1x16xi32>,
    %get3A_518 = vector.shape_cast %get3A_517 : vector<1x16xi32> to vector<16xi32>
    %mul3A_519 = arith.constant 4 : i32
    %mul3A_520 = vector.broadcast %mul3A_519 : i32 to vector<16xi32>
    %mul3A_521 = arith.muli %get3A_518, %mul3A_520 : vector<16xi32>
    %add3A_522 = arith.addi %add3A_513, %mul3A_521 : vector<16xi32>
    %get3A_523 = arith.constant 5 : i32
    %get3A_524 = arith.index_cast %get3A_523 : i32 to index
    %get3A_525 = arith.constant 96 : index
    %get3A_526 = tpu.vector_load %arg5[%get3A_524, %get3A_525] {strides = array<i32>} : memref<6x512xi32, #tpu.memory_space<vmem>>, vector<1x16xi32>,
    %get3A_527 = vector.shape_cast %get3A_526 : vector<1x16xi32> to vector<16xi32>
    %add3A_528 = arith.addi %add3A_522, %get3A_527 : vector<16xi32>
    %swap3A_529 = arith.constant 0 : i32
    %swap3A_530 = arith.index_cast %swap3A_529 : i32 to index
    %swap3A_531 = arith.constant 96 : index
    %swap3A_532 = tpu.vector_load %arg6[%swap3A_530, %swap3A_531] {strides = array<i32>} : memref<4x128xi32, #tpu.memory_space<vmem>>, vector<1x16xi32>,
    %swap3A_533 = vector.shape_cast %swap3A_532 : vector<1x16xi32> to vector<16xi32>
    %swap3A_534 = vector.shape_cast %add3A_528 : vector<16xi32> to vector<1x16xi32>
    tpu.vector_store %arg6[%swap3A_530, %swap3A_531], %swap3A_534 {strides = array<i32>} : memref<4x128xi32, #tpu.memory_space<vmem>>, vector<1x16xi32>,
    %get3A_535 = arith.constant 0 : i32
    %get3A_536 = arith.index_cast %get3A_535 : i32 to index
    %get3A_537 = arith.constant 112 : index
    %get3A_538 = tpu.vector_load %arg5[%get3A_536, %get3A_537] {strides = array<i32>} : memref<6x512xi32, #tpu.memory_space<vmem>>, vector<1x16xi32>,
    %get3A_539 = vector.shape_cast %get3A_538 : vector<1x16xi32> to vector<16xi32>
    %mul3A_540 = arith.constant 1024 : i32
    %mul3A_541 = vector.broadcast %mul3A_540 : i32 to vector<16xi32>
    %mul3A_542 = arith.muli %get3A_539, %mul3A_541 : vector<16xi32>
    %get3A_543 = arith.constant 1 : i32
    %get3A_544 = arith.index_cast %get3A_543 : i32 to index
    %get3A_545 = arith.constant 112 : index
    %get3A_546 = tpu.vector_load %arg5[%get3A_544, %get3A_545] {strides = array<i32>} : memref<6x512xi32, #tpu.memory_space<vmem>>, vector<1x16xi32>,
    %get3A_547 = vector.shape_cast %get3A_546 : vector<1x16xi32> to vector<16xi32>
    %mul3A_548 = arith.constant 256 : i32
    %mul3A_549 = vector.broadcast %mul3A_548 : i32 to vector<16xi32>
    %mul3A_550 = arith.muli %get3A_547, %mul3A_549 : vector<16xi32>
    %add3A_551 = arith.addi %mul3A_542, %mul3A_550 : vector<16xi32>
    %get3A_552 = arith.constant 2 : i32
    %get3A_553 = arith.index_cast %get3A_552 : i32 to index
    %get3A_554 = arith.constant 112 : index
    %get3A_555 = tpu.vector_load %arg5[%get3A_553, %get3A_554] {strides = array<i32>} : memref<6x512xi32, #tpu.memory_space<vmem>>, vector<1x16xi32>,
    %get3A_556 = vector.shape_cast %get3A_555 : vector<1x16xi32> to vector<16xi32>
    %mul3A_557 = arith.constant 64 : i32
    %mul3A_558 = vector.broadcast %mul3A_557 : i32 to vector<16xi32>
    %mul3A_559 = arith.muli %get3A_556, %mul3A_558 : vector<16xi32>
    %add3A_560 = arith.addi %add3A_551, %mul3A_559 : vector<16xi32>
    %get3A_561 = arith.constant 3 : i32
    %get3A_562 = arith.index_cast %get3A_561 : i32 to index
    %get3A_563 = arith.constant 112 : index
    %get3A_564 = tpu.vector_load %arg5[%get3A_562, %get3A_563] {strides = array<i32>} : memref<6x512xi32, #tpu.memory_space<vmem>>, vector<1x16xi32>,
    %get3A_565 = vector.shape_cast %get3A_564 : vector<1x16xi32> to vector<16xi32>
    %mul3A_566 = arith.constant 16 : i32
    %mul3A_567 = vector.broadcast %mul3A_566 : i32 to vector<16xi32>
    %mul3A_568 = arith.muli %get3A_565, %mul3A_567 : vector<16xi32>
    %add3A_569 = arith.addi %add3A_560, %mul3A_568 : vector<16xi32>
    %get3A_570 = arith.constant 4 : i32
    %get3A_571 = arith.index_cast %get3A_570 : i32 to index
    %get3A_572 = arith.constant 112 : index
    %get3A_573 = tpu.vector_load %arg5[%get3A_571, %get3A_572] {strides = array<i32>} : memref<6x512xi32, #tpu.memory_space<vmem>>, vector<1x16xi32>,
    %get3A_574 = vector.shape_cast %get3A_573 : vector<1x16xi32> to vector<16xi32>
    %mul3A_575 = arith.constant 4 : i32
    %mul3A_576 = vector.broadcast %mul3A_575 : i32 to vector<16xi32>
    %mul3A_577 = arith.muli %get3A_574, %mul3A_576 : vector<16xi32>
    %add3A_578 = arith.addi %add3A_569, %mul3A_577 : vector<16xi32>
    %get3A_579 = arith.constant 5 : i32
    %get3A_580 = arith.index_cast %get3A_579 : i32 to index
    %get3A_581 = arith.constant 112 : index
    %get3A_582 = tpu.vector_load %arg5[%get3A_580, %get3A_581] {strides = array<i32>} : memref<6x512xi32, #tpu.memory_space<vmem>>, vector<1x16xi32>,
    %get3A_583 = vector.shape_cast %get3A_582 : vector<1x16xi32> to vector<16xi32>
    %add3A_584 = arith.addi %add3A_578, %get3A_583 : vector<16xi32>
    %swap3A_585 = arith.constant 0 : i32
    %swap3A_586 = arith.index_cast %swap3A_585 : i32 to index
    %swap3A_587 = arith.constant 112 : index
    %swap3A_588 = tpu.vector_load %arg6[%swap3A_586, %swap3A_587] {strides = array<i32>} : memref<4x128xi32, #tpu.memory_space<vmem>>, vector<1x16xi32>,
    %swap3A_589 = vector.shape_cast %swap3A_588 : vector<1x16xi32> to vector<16xi32>
    %swap3A_590 = vector.shape_cast %add3A_584 : vector<16xi32> to vector<1x16xi32>
    tpu.vector_store %arg6[%swap3A_586, %swap3A_587], %swap3A_590 {strides = array<i32>} : memref<4x128xi32, #tpu.memory_space<vmem>>, vector<1x16xi32>,
    %get3A_591 = arith.constant 0 : i32
    %get3A_592 = arith.index_cast %get3A_591 : i32 to index
    %get3A_593 = arith.constant 128 : index
    %get3A_594 = tpu.vector_load %arg5[%get3A_592, %get3A_593] {strides = array<i32>} : memref<6x512xi32, #tpu.memory_space<vmem>>, vector<1x16xi32>,
    %get3A_595 = vector.shape_cast %get3A_594 : vector<1x16xi32> to vector<16xi32>
    %mul3A_596 = arith.constant 1024 : i32
    %mul3A_597 = vector.broadcast %mul3A_596 : i32 to vector<16xi32>
    %mul3A_598 = arith.muli %get3A_595, %mul3A_597 : vector<16xi32>
    %get3A_599 = arith.constant 1 : i32
    %get3A_600 = arith.index_cast %get3A_599 : i32 to index
    %get3A_601 = arith.constant 128 : index
    %get3A_602 = tpu.vector_load %arg5[%get3A_600, %get3A_601] {strides = array<i32>} : memref<6x512xi32, #tpu.memory_space<vmem>>, vector<1x16xi32>,
    %get3A_603 = vector.shape_cast %get3A_602 : vector<1x16xi32> to vector<16xi32>
    %mul3A_604 = arith.constant 256 : i32
    %mul3A_605 = vector.broadcast %mul3A_604 : i32 to vector<16xi32>
    %mul3A_606 = arith.muli %get3A_603, %mul3A_605 : vector<16xi32>
    %add3A_607 = arith.addi %mul3A_598, %mul3A_606 : vector<16xi32>
    %get3A_608 = arith.constant 2 : i32
    %get3A_609 = arith.index_cast %get3A_608 : i32 to index
    %get3A_610 = arith.constant 128 : index
    %get3A_611 = tpu.vector_load %arg5[%get3A_609, %get3A_610] {strides = array<i32>} : memref<6x512xi32, #tpu.memory_space<vmem>>, vector<1x16xi32>,
    %get3A_612 = vector.shape_cast %get3A_611 : vector<1x16xi32> to vector<16xi32>
    %mul3A_613 = arith.constant 64 : i32
    %mul3A_614 = vector.broadcast %mul3A_613 : i32 to vector<16xi32>
    %mul3A_615 = arith.muli %get3A_612, %mul3A_614 : vector<16xi32>
    %add3A_616 = arith.addi %add3A_607, %mul3A_615 : vector<16xi32>
    %get3A_617 = arith.constant 3 : i32
    %get3A_618 = arith.index_cast %get3A_617 : i32 to index
    %get3A_619 = arith.constant 128 : index
    %get3A_620 = tpu.vector_load %arg5[%get3A_618, %get3A_619] {strides = array<i32>} : memref<6x512xi32, #tpu.memory_space<vmem>>, vector<1x16xi32>,
    %get3A_621 = vector.shape_cast %get3A_620 : vector<1x16xi32> to vector<16xi32>
    %mul3A_622 = arith.constant 16 : i32
    %mul3A_623 = vector.broadcast %mul3A_622 : i32 to vector<16xi32>
    %mul3A_624 = arith.muli %get3A_621, %mul3A_623 : vector<16xi32>
    %add3A_625 = arith.addi %add3A_616, %mul3A_624 : vector<16xi32>
    %get3A_626 = arith.constant 4 : i32
    %get3A_627 = arith.index_cast %get3A_626 : i32 to index
    %get3A_628 = arith.constant 128 : index
    %get3A_629 = tpu.vector_load %arg5[%get3A_627, %get3A_628] {strides = array<i32>} : memref<6x512xi32, #tpu.memory_space<vmem>>, vector<1x16xi32>,
    %get3A_630 = vector.shape_cast %get3A_629 : vector<1x16xi32> to vector<16xi32>
    %mul3A_631 = arith.constant 4 : i32
    %mul3A_632 = vector.broadcast %mul3A_631 : i32 to vector<16xi32>
    %mul3A_633 = arith.muli %get3A_630, %mul3A_632 : vector<16xi32>
    %add3A_634 = arith.addi %add3A_625, %mul3A_633 : vector<16xi32>
    %get3A_635 = arith.constant 5 : i32
    %get3A_636 = arith.index_cast %get3A_635 : i32 to index
    %get3A_637 = arith.constant 128 : index
    %get3A_638 = tpu.vector_load %arg5[%get3A_636, %get3A_637] {strides = array<i32>} : memref<6x512xi32, #tpu.memory_space<vmem>>, vector<1x16xi32>,
    %get3A_639 = vector.shape_cast %get3A_638 : vector<1x16xi32> to vector<16xi32>
    %add3A_640 = arith.addi %add3A_634, %get3A_639 : vector<16xi32>
    %swap3A_641 = arith.constant 1 : i32
    %swap3A_642 = arith.index_cast %swap3A_641 : i32 to index
    %swap3A_643 = arith.constant 0 : index
    %swap3A_644 = tpu.vector_load %arg6[%swap3A_642, %swap3A_643] {strides = array<i32>} : memref<4x128xi32, #tpu.memory_space<vmem>>, vector<1x16xi32>,
    %swap3A_645 = vector.shape_cast %swap3A_644 : vector<1x16xi32> to vector<16xi32>
    %swap3A_646 = vector.shape_cast %add3A_640 : vector<16xi32> to vector<1x16xi32>
    tpu.vector_store %arg6[%swap3A_642, %swap3A_643], %swap3A_646 {strides = array<i32>} : memref<4x128xi32, #tpu.memory_space<vmem>>, vector<1x16xi32>,
    %get3A_647 = arith.constant 0 : i32
    %get3A_648 = arith.index_cast %get3A_647 : i32 to index
    %get3A_649 = arith.constant 144 : index
    %get3A_650 = tpu.vector_load %arg5[%get3A_648, %get3A_649] {strides = array<i32>} : memref<6x512xi32, #tpu.memory_space<vmem>>, vector<1x16xi32>,
    %get3A_651 = vector.shape_cast %get3A_650 : vector<1x16xi32> to vector<16xi32>
    %mul3A_652 = arith.constant 1024 : i32
    %mul3A_653 = vector.broadcast %mul3A_652 : i32 to vector<16xi32>
    %mul3A_654 = arith.muli %get3A_651, %mul3A_653 : vector<16xi32>
    %get3A_655 = arith.constant 1 : i32
    %get3A_656 = arith.index_cast %get3A_655 : i32 to index
    %get3A_657 = arith.constant 144 : index
    %get3A_658 = tpu.vector_load %arg5[%get3A_656, %get3A_657] {strides = array<i32>} : memref<6x512xi32, #tpu.memory_space<vmem>>, vector<1x16xi32>,
    %get3A_659 = vector.shape_cast %get3A_658 : vector<1x16xi32> to vector<16xi32>
    %mul3A_660 = arith.constant 256 : i32
    %mul3A_661 = vector.broadcast %mul3A_660 : i32 to vector<16xi32>
    %mul3A_662 = arith.muli %get3A_659, %mul3A_661 : vector<16xi32>
    %add3A_663 = arith.addi %mul3A_654, %mul3A_662 : vector<16xi32>
    %get3A_664 = arith.constant 2 : i32
    %get3A_665 = arith.index_cast %get3A_664 : i32 to index
    %get3A_666 = arith.constant 144 : index
    %get3A_667 = tpu.vector_load %arg5[%get3A_665, %get3A_666] {strides = array<i32>} : memref<6x512xi32, #tpu.memory_space<vmem>>, vector<1x16xi32>,
    %get3A_668 = vector.shape_cast %get3A_667 : vector<1x16xi32> to vector<16xi32>
    %mul3A_669 = arith.constant 64 : i32
    %mul3A_670 = vector.broadcast %mul3A_669 : i32 to vector<16xi32>
    %mul3A_671 = arith.muli %get3A_668, %mul3A_670 : vector<16xi32>
    %add3A_672 = arith.addi %add3A_663, %mul3A_671 : vector<16xi32>
    %get3A_673 = arith.constant 3 : i32
    %get3A_674 = arith.index_cast %get3A_673 : i32 to index
    %get3A_675 = arith.constant 144 : index
    %get3A_676 = tpu.vector_load %arg5[%get3A_674, %get3A_675] {strides = array<i32>} : memref<6x512xi32, #tpu.memory_space<vmem>>, vector<1x16xi32>,
    %get3A_677 = vector.shape_cast %get3A_676 : vector<1x16xi32> to vector<16xi32>
    %mul3A_678 = arith.constant 16 : i32
    %mul3A_679 = vector.broadcast %mul3A_678 : i32 to vector<16xi32>
    %mul3A_680 = arith.muli %get3A_677, %mul3A_679 : vector<16xi32>
    %add3A_681 = arith.addi %add3A_672, %mul3A_680 : vector<16xi32>
    %get3A_682 = arith.constant 4 : i32
    %get3A_683 = arith.index_cast %get3A_682 : i32 to index
    %get3A_684 = arith.constant 144 : index
    %get3A_685 = tpu.vector_load %arg5[%get3A_683, %get3A_684] {strides = array<i32>} : memref<6x512xi32, #tpu.memory_space<vmem>>, vector<1x16xi32>,
    %get3A_686 = vector.shape_cast %get3A_685 : vector<1x16xi32> to vector<16xi32>
    %mul3A_687 = arith.constant 4 : i32
    %mul3A_688 = vector.broadcast %mul3A_687 : i32 to vector<16xi32>
    %mul3A_689 = arith.muli %get3A_686, %mul3A_688 : vector<16xi32>
    %add3A_690 = arith.addi %add3A_681, %mul3A_689 : vector<16xi32>
    %get3A_691 = arith.constant 5 : i32
    %get3A_692 = arith.index_cast %get3A_691 : i32 to index
    %get3A_693 = arith.constant 144 : index
    %get3A_694 = tpu.vector_load %arg5[%get3A_692, %get3A_693] {strides = array<i32>} : memref<6x512xi32, #tpu.memory_space<vmem>>, vector<1x16xi32>,
    %get3A_695 = vector.shape_cast %get3A_694 : vector<1x16xi32> to vector<16xi32>
    %add3A_696 = arith.addi %add3A_690, %get3A_695 : vector<16xi32>
    %swap3A_697 = arith.constant 1 : i32
    %swap3A_698 = arith.index_cast %swap3A_697 : i32 to index
    %swap3A_699 = arith.constant 16 : index
    %swap3A_700 = tpu.vector_load %arg6[%swap3A_698, %swap3A_699] {strides = array<i32>} : memref<4x128xi32, #tpu.memory_space<vmem>>, vector<1x16xi32>,
    %swap3A_701 = vector.shape_cast %swap3A_700 : vector<1x16xi32> to vector<16xi32>
    %swap3A_702 = vector.shape_cast %add3A_696 : vector<16xi32> to vector<1x16xi32>
    tpu.vector_store %arg6[%swap3A_698, %swap3A_699], %swap3A_702 {strides = array<i32>} : memref<4x128xi32, #tpu.memory_space<vmem>>, vector<1x16xi32>,
    %get3A_703 = arith.constant 0 : i32
    %get3A_704 = arith.index_cast %get3A_703 : i32 to index
    %get3A_705 = arith.constant 160 : index
    %get3A_706 = tpu.vector_load %arg5[%get3A_704, %get3A_705] {strides = array<i32>} : memref<6x512xi32, #tpu.memory_space<vmem>>, vector<1x16xi32>,
    %get3A_707 = vector.shape_cast %get3A_706 : vector<1x16xi32> to vector<16xi32>
    %mul3A_708 = arith.constant 1024 : i32
    %mul3A_709 = vector.broadcast %mul3A_708 : i32 to vector<16xi32>
    %mul3A_710 = arith.muli %get3A_707, %mul3A_709 : vector<16xi32>
    %get3A_711 = arith.constant 1 : i32
    %get3A_712 = arith.index_cast %get3A_711 : i32 to index
    %get3A_713 = arith.constant 160 : index
    %get3A_714 = tpu.vector_load %arg5[%get3A_712, %get3A_713] {strides = array<i32>} : memref<6x512xi32, #tpu.memory_space<vmem>>, vector<1x16xi32>,
    %get3A_715 = vector.shape_cast %get3A_714 : vector<1x16xi32> to vector<16xi32>
    %mul3A_716 = arith.constant 256 : i32
    %mul3A_717 = vector.broadcast %mul3A_716 : i32 to vector<16xi32>
    %mul3A_718 = arith.muli %get3A_715, %mul3A_717 : vector<16xi32>
    %add3A_719 = arith.addi %mul3A_710, %mul3A_718 : vector<16xi32>
    %get3A_720 = arith.constant 2 : i32
    %get3A_721 = arith.index_cast %get3A_720 : i32 to index
    %get3A_722 = arith.constant 160 : index
    %get3A_723 = tpu.vector_load %arg5[%get3A_721, %get3A_722] {strides = array<i32>} : memref<6x512xi32, #tpu.memory_space<vmem>>, vector<1x16xi32>,
    %get3A_724 = vector.shape_cast %get3A_723 : vector<1x16xi32> to vector<16xi32>
    %mul3A_725 = arith.constant 64 : i32
    %mul3A_726 = vector.broadcast %mul3A_725 : i32 to vector<16xi32>
    %mul3A_727 = arith.muli %get3A_724, %mul3A_726 : vector<16xi32>
    %add3A_728 = arith.addi %add3A_719, %mul3A_727 : vector<16xi32>
    %get3A_729 = arith.constant 3 : i32
    %get3A_730 = arith.index_cast %get3A_729 : i32 to index
    %get3A_731 = arith.constant 160 : index
    %get3A_732 = tpu.vector_load %arg5[%get3A_730, %get3A_731] {strides = array<i32>} : memref<6x512xi32, #tpu.memory_space<vmem>>, vector<1x16xi32>,
    %get3A_733 = vector.shape_cast %get3A_732 : vector<1x16xi32> to vector<16xi32>
    %mul3A_734 = arith.constant 16 : i32
    %mul3A_735 = vector.broadcast %mul3A_734 : i32 to vector<16xi32>
    %mul3A_736 = arith.muli %get3A_733, %mul3A_735 : vector<16xi32>
    %add3A_737 = arith.addi %add3A_728, %mul3A_736 : vector<16xi32>
    %get3A_738 = arith.constant 4 : i32
    %get3A_739 = arith.index_cast %get3A_738 : i32 to index
    %get3A_740 = arith.constant 160 : index
    %get3A_741 = tpu.vector_load %arg5[%get3A_739, %get3A_740] {strides = array<i32>} : memref<6x512xi32, #tpu.memory_space<vmem>>, vector<1x16xi32>,
    %get3A_742 = vector.shape_cast %get3A_741 : vector<1x16xi32> to vector<16xi32>
    %mul3A_743 = arith.constant 4 : i32
    %mul3A_744 = vector.broadcast %mul3A_743 : i32 to vector<16xi32>
    %mul3A_745 = arith.muli %get3A_742, %mul3A_744 : vector<16xi32>
    %add3A_746 = arith.addi %add3A_737, %mul3A_745 : vector<16xi32>
    %get3A_747 = arith.constant 5 : i32
    %get3A_748 = arith.index_cast %get3A_747 : i32 to index
    %get3A_749 = arith.constant 160 : index
    %get3A_750 = tpu.vector_load %arg5[%get3A_748, %get3A_749] {strides = array<i32>} : memref<6x512xi32, #tpu.memory_space<vmem>>, vector<1x16xi32>,
    %get3A_751 = vector.shape_cast %get3A_750 : vector<1x16xi32> to vector<16xi32>
    %add3A_752 = arith.addi %add3A_746, %get3A_751 : vector<16xi32>
    %swap3A_753 = arith.constant 1 : i32
    %swap3A_754 = arith.index_cast %swap3A_753 : i32 to index
    %swap3A_755 = arith.constant 32 : index
    %swap3A_756 = tpu.vector_load %arg6[%swap3A_754, %swap3A_755] {strides = array<i32>} : memref<4x128xi32, #tpu.memory_space<vmem>>, vector<1x16xi32>,
    %swap3A_757 = vector.shape_cast %swap3A_756 : vector<1x16xi32> to vector<16xi32>
    %swap3A_758 = vector.shape_cast %add3A_752 : vector<16xi32> to vector<1x16xi32>
    tpu.vector_store %arg6[%swap3A_754, %swap3A_755], %swap3A_758 {strides = array<i32>} : memref<4x128xi32, #tpu.memory_space<vmem>>, vector<1x16xi32>,
    %get3A_759 = arith.constant 0 : i32
    %get3A_760 = arith.index_cast %get3A_759 : i32 to index
    %get3A_761 = arith.constant 176 : index
    %get3A_762 = tpu.vector_load %arg5[%get3A_760, %get3A_761] {strides = array<i32>} : memref<6x512xi32, #tpu.memory_space<vmem>>, vector<1x16xi32>,
    %get3A_763 = vector.shape_cast %get3A_762 : vector<1x16xi32> to vector<16xi32>
    %mul3A_764 = arith.constant 1024 : i32
    %mul3A_765 = vector.broadcast %mul3A_764 : i32 to vector<16xi32>
    %mul3A_766 = arith.muli %get3A_763, %mul3A_765 : vector<16xi32>
    %get3A_767 = arith.constant 1 : i32
    %get3A_768 = arith.index_cast %get3A_767 : i32 to index
    %get3A_769 = arith.constant 176 : index
    %get3A_770 = tpu.vector_load %arg5[%get3A_768, %get3A_769] {strides = array<i32>} : memref<6x512xi32, #tpu.memory_space<vmem>>, vector<1x16xi32>,
    %get3A_771 = vector.shape_cast %get3A_770 : vector<1x16xi32> to vector<16xi32>
    %mul3A_772 = arith.constant 256 : i32
    %mul3A_773 = vector.broadcast %mul3A_772 : i32 to vector<16xi32>
    %mul3A_774 = arith.muli %get3A_771, %mul3A_773 : vector<16xi32>
    %add3A_775 = arith.addi %mul3A_766, %mul3A_774 : vector<16xi32>
    %get3A_776 = arith.constant 2 : i32
    %get3A_777 = arith.index_cast %get3A_776 : i32 to index
    %get3A_778 = arith.constant 176 : index
    %get3A_779 = tpu.vector_load %arg5[%get3A_777, %get3A_778] {strides = array<i32>} : memref<6x512xi32, #tpu.memory_space<vmem>>, vector<1x16xi32>,
    %get3A_780 = vector.shape_cast %get3A_779 : vector<1x16xi32> to vector<16xi32>
    %mul3A_781 = arith.constant 64 : i32
    %mul3A_782 = vector.broadcast %mul3A_781 : i32 to vector<16xi32>
    %mul3A_783 = arith.muli %get3A_780, %mul3A_782 : vector<16xi32>
    %add3A_784 = arith.addi %add3A_775, %mul3A_783 : vector<16xi32>
    %get3A_785 = arith.constant 3 : i32
    %get3A_786 = arith.index_cast %get3A_785 : i32 to index
    %get3A_787 = arith.constant 176 : index
    %get3A_788 = tpu.vector_load %arg5[%get3A_786, %get3A_787] {strides = array<i32>} : memref<6x512xi32, #tpu.memory_space<vmem>>, vector<1x16xi32>,
    %get3A_789 = vector.shape_cast %get3A_788 : vector<1x16xi32> to vector<16xi32>
    %mul3A_790 = arith.constant 16 : i32
    %mul3A_791 = vector.broadcast %mul3A_790 : i32 to vector<16xi32>
    %mul3A_792 = arith.muli %get3A_789, %mul3A_791 : vector<16xi32>
    %add3A_793 = arith.addi %add3A_784, %mul3A_792 : vector<16xi32>
    %get3A_794 = arith.constant 4 : i32
    %get3A_795 = arith.index_cast %get3A_794 : i32 to index
    %get3A_796 = arith.constant 176 : index
    %get3A_797 = tpu.vector_load %arg5[%get3A_795, %get3A_796] {strides = array<i32>} : memref<6x512xi32, #tpu.memory_space<vmem>>, vector<1x16xi32>,
    %get3A_798 = vector.shape_cast %get3A_797 : vector<1x16xi32> to vector<16xi32>
    %mul3A_799 = arith.constant 4 : i32
    %mul3A_800 = vector.broadcast %mul3A_799 : i32 to vector<16xi32>
    %mul3A_801 = arith.muli %get3A_798, %mul3A_800 : vector<16xi32>
    %add3A_802 = arith.addi %add3A_793, %mul3A_801 : vector<16xi32>
    %get3A_803 = arith.constant 5 : i32
    %get3A_804 = arith.index_cast %get3A_803 : i32 to index
    %get3A_805 = arith.constant 176 : index
    %get3A_806 = tpu.vector_load %arg5[%get3A_804, %get3A_805] {strides = array<i32>} : memref<6x512xi32, #tpu.memory_space<vmem>>, vector<1x16xi32>,
    %get3A_807 = vector.shape_cast %get3A_806 : vector<1x16xi32> to vector<16xi32>
    %add3A_808 = arith.addi %add3A_802, %get3A_807 : vector<16xi32>
    %swap3A_809 = arith.constant 1 : i32
    %swap3A_810 = arith.index_cast %swap3A_809 : i32 to index
    %swap3A_811 = arith.constant 48 : index
    %swap3A_812 = tpu.vector_load %arg6[%swap3A_810, %swap3A_811] {strides = array<i32>} : memref<4x128xi32, #tpu.memory_space<vmem>>, vector<1x16xi32>,
    %swap3A_813 = vector.shape_cast %swap3A_812 : vector<1x16xi32> to vector<16xi32>
    %swap3A_814 = vector.shape_cast %add3A_808 : vector<16xi32> to vector<1x16xi32>
    tpu.vector_store %arg6[%swap3A_810, %swap3A_811], %swap3A_814 {strides = array<i32>} : memref<4x128xi32, #tpu.memory_space<vmem>>, vector<1x16xi32>,
    %get3A_815 = arith.constant 0 : i32
    %get3A_816 = arith.index_cast %get3A_815 : i32 to index
    %get3A_817 = arith.constant 192 : index
    %get3A_818 = tpu.vector_load %arg5[%get3A_816, %get3A_817] {strides = array<i32>} : memref<6x512xi32, #tpu.memory_space<vmem>>, vector<1x16xi32>,
    %get3A_819 = vector.shape_cast %get3A_818 : vector<1x16xi32> to vector<16xi32>
    %mul3A_820 = arith.constant 1024 : i32
    %mul3A_821 = vector.broadcast %mul3A_820 : i32 to vector<16xi32>
    %mul3A_822 = arith.muli %get3A_819, %mul3A_821 : vector<16xi32>
    %get3A_823 = arith.constant 1 : i32
    %get3A_824 = arith.index_cast %get3A_823 : i32 to index
    %get3A_825 = arith.constant 192 : index
    %get3A_826 = tpu.vector_load %arg5[%get3A_824, %get3A_825] {strides = array<i32>} : memref<6x512xi32, #tpu.memory_space<vmem>>, vector<1x16xi32>,
    %get3A_827 = vector.shape_cast %get3A_826 : vector<1x16xi32> to vector<16xi32>
    %mul3A_828 = arith.constant 256 : i32
    %mul3A_829 = vector.broadcast %mul3A_828 : i32 to vector<16xi32>
    %mul3A_830 = arith.muli %get3A_827, %mul3A_829 : vector<16xi32>
    %add3A_831 = arith.addi %mul3A_822, %mul3A_830 : vector<16xi32>
    %get3A_832 = arith.constant 2 : i32
    %get3A_833 = arith.index_cast %get3A_832 : i32 to index
    %get3A_834 = arith.constant 192 : index
    %get3A_835 = tpu.vector_load %arg5[%get3A_833, %get3A_834] {strides = array<i32>} : memref<6x512xi32, #tpu.memory_space<vmem>>, vector<1x16xi32>,
    %get3A_836 = vector.shape_cast %get3A_835 : vector<1x16xi32> to vector<16xi32>
    %mul3A_837 = arith.constant 64 : i32
    %mul3A_838 = vector.broadcast %mul3A_837 : i32 to vector<16xi32>
    %mul3A_839 = arith.muli %get3A_836, %mul3A_838 : vector<16xi32>
    %add3A_840 = arith.addi %add3A_831, %mul3A_839 : vector<16xi32>
    %get3A_841 = arith.constant 3 : i32
    %get3A_842 = arith.index_cast %get3A_841 : i32 to index
    %get3A_843 = arith.constant 192 : index
    %get3A_844 = tpu.vector_load %arg5[%get3A_842, %get3A_843] {strides = array<i32>} : memref<6x512xi32, #tpu.memory_space<vmem>>, vector<1x16xi32>,
    %get3A_845 = vector.shape_cast %get3A_844 : vector<1x16xi32> to vector<16xi32>
    %mul3A_846 = arith.constant 16 : i32
    %mul3A_847 = vector.broadcast %mul3A_846 : i32 to vector<16xi32>
    %mul3A_848 = arith.muli %get3A_845, %mul3A_847 : vector<16xi32>
    %add3A_849 = arith.addi %add3A_840, %mul3A_848 : vector<16xi32>
    %get3A_850 = arith.constant 4 : i32
    %get3A_851 = arith.index_cast %get3A_850 : i32 to index
    %get3A_852 = arith.constant 192 : index
    %get3A_853 = tpu.vector_load %arg5[%get3A_851, %get3A_852] {strides = array<i32>} : memref<6x512xi32, #tpu.memory_space<vmem>>, vector<1x16xi32>,
    %get3A_854 = vector.shape_cast %get3A_853 : vector<1x16xi32> to vector<16xi32>
    %mul3A_855 = arith.constant 4 : i32
    %mul3A_856 = vector.broadcast %mul3A_855 : i32 to vector<16xi32>
    %mul3A_857 = arith.muli %get3A_854, %mul3A_856 : vector<16xi32>
    %add3A_858 = arith.addi %add3A_849, %mul3A_857 : vector<16xi32>
    %get3A_859 = arith.constant 5 : i32
    %get3A_860 = arith.index_cast %get3A_859 : i32 to index
    %get3A_861 = arith.constant 192 : index
    %get3A_862 = tpu.vector_load %arg5[%get3A_860, %get3A_861] {strides = array<i32>} : memref<6x512xi32, #tpu.memory_space<vmem>>, vector<1x16xi32>,
    %get3A_863 = vector.shape_cast %get3A_862 : vector<1x16xi32> to vector<16xi32>
    %add3A_864 = arith.addi %add3A_858, %get3A_863 : vector<16xi32>
    %swap3A_865 = arith.constant 1 : i32
    %swap3A_866 = arith.index_cast %swap3A_865 : i32 to index
    %swap3A_867 = arith.constant 64 : index
    %swap3A_868 = tpu.vector_load %arg6[%swap3A_866, %swap3A_867] {strides = array<i32>} : memref<4x128xi32, #tpu.memory_space<vmem>>, vector<1x16xi32>,
    %swap3A_869 = vector.shape_cast %swap3A_868 : vector<1x16xi32> to vector<16xi32>
    %swap3A_870 = vector.shape_cast %add3A_864 : vector<16xi32> to vector<1x16xi32>
    tpu.vector_store %arg6[%swap3A_866, %swap3A_867], %swap3A_870 {strides = array<i32>} : memref<4x128xi32, #tpu.memory_space<vmem>>, vector<1x16xi32>,
    %get3A_871 = arith.constant 0 : i32
    %get3A_872 = arith.index_cast %get3A_871 : i32 to index
    %get3A_873 = arith.constant 208 : index
    %get3A_874 = tpu.vector_load %arg5[%get3A_872, %get3A_873] {strides = array<i32>} : memref<6x512xi32, #tpu.memory_space<vmem>>, vector<1x16xi32>,
    %get3A_875 = vector.shape_cast %get3A_874 : vector<1x16xi32> to vector<16xi32>
    %mul3A_876 = arith.constant 1024 : i32
    %mul3A_877 = vector.broadcast %mul3A_876 : i32 to vector<16xi32>
    %mul3A_878 = arith.muli %get3A_875, %mul3A_877 : vector<16xi32>
    %get3A_879 = arith.constant 1 : i32
    %get3A_880 = arith.index_cast %get3A_879 : i32 to index
    %get3A_881 = arith.constant 208 : index
    %get3A_882 = tpu.vector_load %arg5[%get3A_880, %get3A_881] {strides = array<i32>} : memref<6x512xi32, #tpu.memory_space<vmem>>, vector<1x16xi32>,
    %get3A_883 = vector.shape_cast %get3A_882 : vector<1x16xi32> to vector<16xi32>
    %mul3A_884 = arith.constant 256 : i32
    %mul3A_885 = vector.broadcast %mul3A_884 : i32 to vector<16xi32>
    %mul3A_886 = arith.muli %get3A_883, %mul3A_885 : vector<16xi32>
    %add3A_887 = arith.addi %mul3A_878, %mul3A_886 : vector<16xi32>
    %get3A_888 = arith.constant 2 : i32
    %get3A_889 = arith.index_cast %get3A_888 : i32 to index
    %get3A_890 = arith.constant 208 : index
    %get3A_891 = tpu.vector_load %arg5[%get3A_889, %get3A_890] {strides = array<i32>} : memref<6x512xi32, #tpu.memory_space<vmem>>, vector<1x16xi32>,
    %get3A_892 = vector.shape_cast %get3A_891 : vector<1x16xi32> to vector<16xi32>
    %mul3A_893 = arith.constant 64 : i32
    %mul3A_894 = vector.broadcast %mul3A_893 : i32 to vector<16xi32>
    %mul3A_895 = arith.muli %get3A_892, %mul3A_894 : vector<16xi32>
    %add3A_896 = arith.addi %add3A_887, %mul3A_895 : vector<16xi32>
    %get3A_897 = arith.constant 3 : i32
    %get3A_898 = arith.index_cast %get3A_897 : i32 to index
    %get3A_899 = arith.constant 208 : index
    %get3A_900 = tpu.vector_load %arg5[%get3A_898, %get3A_899] {strides = array<i32>} : memref<6x512xi32, #tpu.memory_space<vmem>>, vector<1x16xi32>,
    %get3A_901 = vector.shape_cast %get3A_900 : vector<1x16xi32> to vector<16xi32>
    %mul3A_902 = arith.constant 16 : i32
    %mul3A_903 = vector.broadcast %mul3A_902 : i32 to vector<16xi32>
    %mul3A_904 = arith.muli %get3A_901, %mul3A_903 : vector<16xi32>
    %add3A_905 = arith.addi %add3A_896, %mul3A_904 : vector<16xi32>
    %get3A_906 = arith.constant 4 : i32
    %get3A_907 = arith.index_cast %get3A_906 : i32 to index
    %get3A_908 = arith.constant 208 : index
    %get3A_909 = tpu.vector_load %arg5[%get3A_907, %get3A_908] {strides = array<i32>} : memref<6x512xi32, #tpu.memory_space<vmem>>, vector<1x16xi32>,
    %get3A_910 = vector.shape_cast %get3A_909 : vector<1x16xi32> to vector<16xi32>
    %mul3A_911 = arith.constant 4 : i32
    %mul3A_912 = vector.broadcast %mul3A_911 : i32 to vector<16xi32>
    %mul3A_913 = arith.muli %get3A_910, %mul3A_912 : vector<16xi32>
    %add3A_914 = arith.addi %add3A_905, %mul3A_913 : vector<16xi32>
    %get3A_915 = arith.constant 5 : i32
    %get3A_916 = arith.index_cast %get3A_915 : i32 to index
    %get3A_917 = arith.constant 208 : index
    %get3A_918 = tpu.vector_load %arg5[%get3A_916, %get3A_917] {strides = array<i32>} : memref<6x512xi32, #tpu.memory_space<vmem>>, vector<1x16xi32>,
    %get3A_919 = vector.shape_cast %get3A_918 : vector<1x16xi32> to vector<16xi32>
    %add3A_920 = arith.addi %add3A_914, %get3A_919 : vector<16xi32>
    %swap3A_921 = arith.constant 1 : i32
    %swap3A_922 = arith.index_cast %swap3A_921 : i32 to index
    %swap3A_923 = arith.constant 80 : index
    %swap3A_924 = tpu.vector_load %arg6[%swap3A_922, %swap3A_923] {strides = array<i32>} : memref<4x128xi32, #tpu.memory_space<vmem>>, vector<1x16xi32>,
    %swap3A_925 = vector.shape_cast %swap3A_924 : vector<1x16xi32> to vector<16xi32>
    %swap3A_926 = vector.shape_cast %add3A_920 : vector<16xi32> to vector<1x16xi32>
    tpu.vector_store %arg6[%swap3A_922, %swap3A_923], %swap3A_926 {strides = array<i32>} : memref<4x128xi32, #tpu.memory_space<vmem>>, vector<1x16xi32>,
    %get3A_927 = arith.constant 0 : i32
    %get3A_928 = arith.index_cast %get3A_927 : i32 to index
    %get3A_929 = arith.constant 224 : index
    %get3A_930 = tpu.vector_load %arg5[%get3A_928, %get3A_929] {strides = array<i32>} : memref<6x512xi32, #tpu.memory_space<vmem>>, vector<1x16xi32>,
    %get3A_931 = vector.shape_cast %get3A_930 : vector<1x16xi32> to vector<16xi32>
    %mul3A_932 = arith.constant 1024 : i32
    %mul3A_933 = vector.broadcast %mul3A_932 : i32 to vector<16xi32>
    %mul3A_934 = arith.muli %get3A_931, %mul3A_933 : vector<16xi32>
    %get3A_935 = arith.constant 1 : i32
    %get3A_936 = arith.index_cast %get3A_935 : i32 to index
    %get3A_937 = arith.constant 224 : index
    %get3A_938 = tpu.vector_load %arg5[%get3A_936, %get3A_937] {strides = array<i32>} : memref<6x512xi32, #tpu.memory_space<vmem>>, vector<1x16xi32>,
    %get3A_939 = vector.shape_cast %get3A_938 : vector<1x16xi32> to vector<16xi32>
    %mul3A_940 = arith.constant 256 : i32
    %mul3A_941 = vector.broadcast %mul3A_940 : i32 to vector<16xi32>
    %mul3A_942 = arith.muli %get3A_939, %mul3A_941 : vector<16xi32>
    %add3A_943 = arith.addi %mul3A_934, %mul3A_942 : vector<16xi32>
    %get3A_944 = arith.constant 2 : i32
    %get3A_945 = arith.index_cast %get3A_944 : i32 to index
    %get3A_946 = arith.constant 224 : index
    %get3A_947 = tpu.vector_load %arg5[%get3A_945, %get3A_946] {strides = array<i32>} : memref<6x512xi32, #tpu.memory_space<vmem>>, vector<1x16xi32>,
    %get3A_948 = vector.shape_cast %get3A_947 : vector<1x16xi32> to vector<16xi32>
    %mul3A_949 = arith.constant 64 : i32
    %mul3A_950 = vector.broadcast %mul3A_949 : i32 to vector<16xi32>
    %mul3A_951 = arith.muli %get3A_948, %mul3A_950 : vector<16xi32>
    %add3A_952 = arith.addi %add3A_943, %mul3A_951 : vector<16xi32>
    %get3A_953 = arith.constant 3 : i32
    %get3A_954 = arith.index_cast %get3A_953 : i32 to index
    %get3A_955 = arith.constant 224 : index
    %get3A_956 = tpu.vector_load %arg5[%get3A_954, %get3A_955] {strides = array<i32>} : memref<6x512xi32, #tpu.memory_space<vmem>>, vector<1x16xi32>,
    %get3A_957 = vector.shape_cast %get3A_956 : vector<1x16xi32> to vector<16xi32>
    %mul3A_958 = arith.constant 16 : i32
    %mul3A_959 = vector.broadcast %mul3A_958 : i32 to vector<16xi32>
    %mul3A_960 = arith.muli %get3A_957, %mul3A_959 : vector<16xi32>
    %add3A_961 = arith.addi %add3A_952, %mul3A_960 : vector<16xi32>
    %get3A_962 = arith.constant 4 : i32
    %get3A_963 = arith.index_cast %get3A_962 : i32 to index
    %get3A_964 = arith.constant 224 : index
    %get3A_965 = tpu.vector_load %arg5[%get3A_963, %get3A_964] {strides = array<i32>} : memref<6x512xi32, #tpu.memory_space<vmem>>, vector<1x16xi32>,
    %get3A_966 = vector.shape_cast %get3A_965 : vector<1x16xi32> to vector<16xi32>
    %mul3A_967 = arith.constant 4 : i32
    %mul3A_968 = vector.broadcast %mul3A_967 : i32 to vector<16xi32>
    %mul3A_969 = arith.muli %get3A_966, %mul3A_968 : vector<16xi32>
    %add3A_970 = arith.addi %add3A_961, %mul3A_969 : vector<16xi32>
    %get3A_971 = arith.constant 5 : i32
    %get3A_972 = arith.index_cast %get3A_971 : i32 to index
    %get3A_973 = arith.constant 224 : index
    %get3A_974 = tpu.vector_load %arg5[%get3A_972, %get3A_973] {strides = array<i32>} : memref<6x512xi32, #tpu.memory_space<vmem>>, vector<1x16xi32>,
    %get3A_975 = vector.shape_cast %get3A_974 : vector<1x16xi32> to vector<16xi32>
    %add3A_976 = arith.addi %add3A_970, %get3A_975 : vector<16xi32>
    %swap3A_977 = arith.constant 1 : i32
    %swap3A_978 = arith.index_cast %swap3A_977 : i32 to index
    %swap3A_979 = arith.constant 96 : index
    %swap3A_980 = tpu.vector_load %arg6[%swap3A_978, %swap3A_979] {strides = array<i32>} : memref<4x128xi32, #tpu.memory_space<vmem>>, vector<1x16xi32>,
    %swap3A_981 = vector.shape_cast %swap3A_980 : vector<1x16xi32> to vector<16xi32>
    %swap3A_982 = vector.shape_cast %add3A_976 : vector<16xi32> to vector<1x16xi32>
    tpu.vector_store %arg6[%swap3A_978, %swap3A_979], %swap3A_982 {strides = array<i32>} : memref<4x128xi32, #tpu.memory_space<vmem>>, vector<1x16xi32>,
    %get3A_983 = arith.constant 0 : i32
    %get3A_984 = arith.index_cast %get3A_983 : i32 to index
    %get3A_985 = arith.constant 240 : index
    %get3A_986 = tpu.vector_load %arg5[%get3A_984, %get3A_985] {strides = array<i32>} : memref<6x512xi32, #tpu.memory_space<vmem>>, vector<1x16xi32>,
    %get3A_987 = vector.shape_cast %get3A_986 : vector<1x16xi32> to vector<16xi32>
    %mul3A_988 = arith.constant 1024 : i32
    %mul3A_989 = vector.broadcast %mul3A_988 : i32 to vector<16xi32>
    %mul3A_990 = arith.muli %get3A_987, %mul3A_989 : vector<16xi32>
    %get3A_991 = arith.constant 1 : i32
    %get3A_992 = arith.index_cast %get3A_991 : i32 to index
    %get3A_993 = arith.constant 240 : index
    %get3A_994 = tpu.vector_load %arg5[%get3A_992, %get3A_993] {strides = array<i32>} : memref<6x512xi32, #tpu.memory_space<vmem>>, vector<1x16xi32>,
    %get3A_995 = vector.shape_cast %get3A_994 : vector<1x16xi32> to vector<16xi32>
    %mul3A_996 = arith.constant 256 : i32
    %mul3A_997 = vector.broadcast %mul3A_996 : i32 to vector<16xi32>
    %mul3A_998 = arith.muli %get3A_995, %mul3A_997 : vector<16xi32>
    %add3A_999 = arith.addi %mul3A_990, %mul3A_998 : vector<16xi32>
    %get3A_1000 = arith.constant 2 : i32
    %get3A_1001 = arith.index_cast %get3A_1000 : i32 to index
    %get3A_1002 = arith.constant 240 : index
    %get3A_1003 = tpu.vector_load %arg5[%get3A_1001, %get3A_1002] {strides = array<i32>} : memref<6x512xi32, #tpu.memory_space<vmem>>, vector<1x16xi32>,
    %get3A_1004 = vector.shape_cast %get3A_1003 : vector<1x16xi32> to vector<16xi32>
    %mul3A_1005 = arith.constant 64 : i32
    %mul3A_1006 = vector.broadcast %mul3A_1005 : i32 to vector<16xi32>
    %mul3A_1007 = arith.muli %get3A_1004, %mul3A_1006 : vector<16xi32>
    %add3A_1008 = arith.addi %add3A_999, %mul3A_1007 : vector<16xi32>
    %get3A_1009 = arith.constant 3 : i32
    %get3A_1010 = arith.index_cast %get3A_1009 : i32 to index
    %get3A_1011 = arith.constant 240 : index
    %get3A_1012 = tpu.vector_load %arg5[%get3A_1010, %get3A_1011] {strides = array<i32>} : memref<6x512xi32, #tpu.memory_space<vmem>>, vector<1x16xi32>,
    %get3A_1013 = vector.shape_cast %get3A_1012 : vector<1x16xi32> to vector<16xi32>
    %mul3A_1014 = arith.constant 16 : i32
    %mul3A_1015 = vector.broadcast %mul3A_1014 : i32 to vector<16xi32>
    %mul3A_1016 = arith.muli %get3A_1013, %mul3A_1015 : vector<16xi32>
    %add3A_1017 = arith.addi %add3A_1008, %mul3A_1016 : vector<16xi32>
    %get3A_1018 = arith.constant 4 : i32
    %get3A_1019 = arith.index_cast %get3A_1018 : i32 to index
    %get3A_1020 = arith.constant 240 : index
    %get3A_1021 = tpu.vector_load %arg5[%get3A_1019, %get3A_1020] {strides = array<i32>} : memref<6x512xi32, #tpu.memory_space<vmem>>, vector<1x16xi32>,
    %get3A_1022 = vector.shape_cast %get3A_1021 : vector<1x16xi32> to vector<16xi32>
    %mul3A_1023 = arith.constant 4 : i32
    %mul3A_1024 = vector.broadcast %mul3A_1023 : i32 to vector<16xi32>
    %mul3A_1025 = arith.muli %get3A_1022, %mul3A_1024 : vector<16xi32>
    %add3A_1026 = arith.addi %add3A_1017, %mul3A_1025 : vector<16xi32>
    %get3A_1027 = arith.constant 5 : i32
    %get3A_1028 = arith.index_cast %get3A_1027 : i32 to index
    %get3A_1029 = arith.constant 240 : index
    %get3A_1030 = tpu.vector_load %arg5[%get3A_1028, %get3A_1029] {strides = array<i32>} : memref<6x512xi32, #tpu.memory_space<vmem>>, vector<1x16xi32>,
    %get3A_1031 = vector.shape_cast %get3A_1030 : vector<1x16xi32> to vector<16xi32>
    %add3A_1032 = arith.addi %add3A_1026, %get3A_1031 : vector<16xi32>
    %swap3A_1033 = arith.constant 1 : i32
    %swap3A_1034 = arith.index_cast %swap3A_1033 : i32 to index
    %swap3A_1035 = arith.constant 112 : index
    %swap3A_1036 = tpu.vector_load %arg6[%swap3A_1034, %swap3A_1035] {strides = array<i32>} : memref<4x128xi32, #tpu.memory_space<vmem>>, vector<1x16xi32>,
    %swap3A_1037 = vector.shape_cast %swap3A_1036 : vector<1x16xi32> to vector<16xi32>
    %swap3A_1038 = vector.shape_cast %add3A_1032 : vector<16xi32> to vector<1x16xi32>
    tpu.vector_store %arg6[%swap3A_1034, %swap3A_1035], %swap3A_1038 {strides = array<i32>} : memref<4x128xi32, #tpu.memory_space<vmem>>, vector<1x16xi32>,
    %get3A_1039 = arith.constant 0 : i32
    %get3A_1040 = arith.index_cast %get3A_1039 : i32 to index
    %get3A_1041 = arith.constant 256 : index
    %get3A_1042 = tpu.vector_load %arg5[%get3A_1040, %get3A_1041] {strides = array<i32>} : memref<6x512xi32, #tpu.memory_space<vmem>>, vector<1x16xi32>,
    %get3A_1043 = vector.shape_cast %get3A_1042 : vector<1x16xi32> to vector<16xi32>
    %mul3A_1044 = arith.constant 1024 : i32
    %mul3A_1045 = vector.broadcast %mul3A_1044 : i32 to vector<16xi32>
    %mul3A_1046 = arith.muli %get3A_1043, %mul3A_1045 : vector<16xi32>
    %get3A_1047 = arith.constant 1 : i32
    %get3A_1048 = arith.index_cast %get3A_1047 : i32 to index
    %get3A_1049 = arith.constant 256 : index
    %get3A_1050 = tpu.vector_load %arg5[%get3A_1048, %get3A_1049] {strides = array<i32>} : memref<6x512xi32, #tpu.memory_space<vmem>>, vector<1x16xi32>,
    %get3A_1051 = vector.shape_cast %get3A_1050 : vector<1x16xi32> to vector<16xi32>
    %mul3A_1052 = arith.constant 256 : i32
    %mul3A_1053 = vector.broadcast %mul3A_1052 : i32 to vector<16xi32>
    %mul3A_1054 = arith.muli %get3A_1051, %mul3A_1053 : vector<16xi32>
    %add3A_1055 = arith.addi %mul3A_1046, %mul3A_1054 : vector<16xi32>
    %get3A_1056 = arith.constant 2 : i32
    %get3A_1057 = arith.index_cast %get3A_1056 : i32 to index
    %get3A_1058 = arith.constant 256 : index
    %get3A_1059 = tpu.vector_load %arg5[%get3A_1057, %get3A_1058] {strides = array<i32>} : memref<6x512xi32, #tpu.memory_space<vmem>>, vector<1x16xi32>,
    %get3A_1060 = vector.shape_cast %get3A_1059 : vector<1x16xi32> to vector<16xi32>
    %mul3A_1061 = arith.constant 64 : i32
    %mul3A_1062 = vector.broadcast %mul3A_1061 : i32 to vector<16xi32>
    %mul3A_1063 = arith.muli %get3A_1060, %mul3A_1062 : vector<16xi32>
    %add3A_1064 = arith.addi %add3A_1055, %mul3A_1063 : vector<16xi32>
    %get3A_1065 = arith.constant 3 : i32
    %get3A_1066 = arith.index_cast %get3A_1065 : i32 to index
    %get3A_1067 = arith.constant 256 : index
    %get3A_1068 = tpu.vector_load %arg5[%get3A_1066, %get3A_1067] {strides = array<i32>} : memref<6x512xi32, #tpu.memory_space<vmem>>, vector<1x16xi32>,
    %get3A_1069 = vector.shape_cast %get3A_1068 : vector<1x16xi32> to vector<16xi32>
    %mul3A_1070 = arith.constant 16 : i32
    %mul3A_1071 = vector.broadcast %mul3A_1070 : i32 to vector<16xi32>
    %mul3A_1072 = arith.muli %get3A_1069, %mul3A_1071 : vector<16xi32>
    %add3A_1073 = arith.addi %add3A_1064, %mul3A_1072 : vector<16xi32>
    %get3A_1074 = arith.constant 4 : i32
    %get3A_1075 = arith.index_cast %get3A_1074 : i32 to index
    %get3A_1076 = arith.constant 256 : index
    %get3A_1077 = tpu.vector_load %arg5[%get3A_1075, %get3A_1076] {strides = array<i32>} : memref<6x512xi32, #tpu.memory_space<vmem>>, vector<1x16xi32>,
    %get3A_1078 = vector.shape_cast %get3A_1077 : vector<1x16xi32> to vector<16xi32>
    %mul3A_1079 = arith.constant 4 : i32
    %mul3A_1080 = vector.broadcast %mul3A_1079 : i32 to vector<16xi32>
    %mul3A_1081 = arith.muli %get3A_1078, %mul3A_1080 : vector<16xi32>
    %add3A_1082 = arith.addi %add3A_1073, %mul3A_1081 : vector<16xi32>
    %get3A_1083 = arith.constant 5 : i32
    %get3A_1084 = arith.index_cast %get3A_1083 : i32 to index
    %get3A_1085 = arith.constant 256 : index
    %get3A_1086 = tpu.vector_load %arg5[%get3A_1084, %get3A_1085] {strides = array<i32>} : memref<6x512xi32, #tpu.memory_space<vmem>>, vector<1x16xi32>,
    %get3A_1087 = vector.shape_cast %get3A_1086 : vector<1x16xi32> to vector<16xi32>
    %add3A_1088 = arith.addi %add3A_1082, %get3A_1087 : vector<16xi32>
    %swap3A_1089 = arith.constant 2 : i32
    %swap3A_1090 = arith.index_cast %swap3A_1089 : i32 to index
    %swap3A_1091 = arith.constant 0 : index
    %swap3A_1092 = tpu.vector_load %arg6[%swap3A_1090, %swap3A_1091] {strides = array<i32>} : memref<4x128xi32, #tpu.memory_space<vmem>>, vector<1x16xi32>,
    %swap3A_1093 = vector.shape_cast %swap3A_1092 : vector<1x16xi32> to vector<16xi32>
    %swap3A_1094 = vector.shape_cast %add3A_1088 : vector<16xi32> to vector<1x16xi32>
    tpu.vector_store %arg6[%swap3A_1090, %swap3A_1091], %swap3A_1094 {strides = array<i32>} : memref<4x128xi32, #tpu.memory_space<vmem>>, vector<1x16xi32>,
    %get3A_1095 = arith.constant 0 : i32
    %get3A_1096 = arith.index_cast %get3A_1095 : i32 to index
    %get3A_1097 = arith.constant 272 : index
    %get3A_1098 = tpu.vector_load %arg5[%get3A_1096, %get3A_1097] {strides = array<i32>} : memref<6x512xi32, #tpu.memory_space<vmem>>, vector<1x16xi32>,
    %get3A_1099 = vector.shape_cast %get3A_1098 : vector<1x16xi32> to vector<16xi32>
    %mul3A_1100 = arith.constant 1024 : i32
    %mul3A_1101 = vector.broadcast %mul3A_1100 : i32 to vector<16xi32>
    %mul3A_1102 = arith.muli %get3A_1099, %mul3A_1101 : vector<16xi32>
    %get3A_1103 = arith.constant 1 : i32
    %get3A_1104 = arith.index_cast %get3A_1103 : i32 to index
    %get3A_1105 = arith.constant 272 : index
    %get3A_1106 = tpu.vector_load %arg5[%get3A_1104, %get3A_1105] {strides = array<i32>} : memref<6x512xi32, #tpu.memory_space<vmem>>, vector<1x16xi32>,
    %get3A_1107 = vector.shape_cast %get3A_1106 : vector<1x16xi32> to vector<16xi32>
    %mul3A_1108 = arith.constant 256 : i32
    %mul3A_1109 = vector.broadcast %mul3A_1108 : i32 to vector<16xi32>
    %mul3A_1110 = arith.muli %get3A_1107, %mul3A_1109 : vector<16xi32>
    %add3A_1111 = arith.addi %mul3A_1102, %mul3A_1110 : vector<16xi32>
    %get3A_1112 = arith.constant 2 : i32
    %get3A_1113 = arith.index_cast %get3A_1112 : i32 to index
    %get3A_1114 = arith.constant 272 : index
    %get3A_1115 = tpu.vector_load %arg5[%get3A_1113, %get3A_1114] {strides = array<i32>} : memref<6x512xi32, #tpu.memory_space<vmem>>, vector<1x16xi32>,
    %get3A_1116 = vector.shape_cast %get3A_1115 : vector<1x16xi32> to vector<16xi32>
    %mul3A_1117 = arith.constant 64 : i32
    %mul3A_1118 = vector.broadcast %mul3A_1117 : i32 to vector<16xi32>
    %mul3A_1119 = arith.muli %get3A_1116, %mul3A_1118 : vector<16xi32>
    %add3A_1120 = arith.addi %add3A_1111, %mul3A_1119 : vector<16xi32>
    %get3A_1121 = arith.constant 3 : i32
    %get3A_1122 = arith.index_cast %get3A_1121 : i32 to index
    %get3A_1123 = arith.constant 272 : index
    %get3A_1124 = tpu.vector_load %arg5[%get3A_1122, %get3A_1123] {strides = array<i32>} : memref<6x512xi32, #tpu.memory_space<vmem>>, vector<1x16xi32>,
    %get3A_1125 = vector.shape_cast %get3A_1124 : vector<1x16xi32> to vector<16xi32>
    %mul3A_1126 = arith.constant 16 : i32
    %mul3A_1127 = vector.broadcast %mul3A_1126 : i32 to vector<16xi32>
    %mul3A_1128 = arith.muli %get3A_1125, %mul3A_1127 : vector<16xi32>
    %add3A_1129 = arith.addi %add3A_1120, %mul3A_1128 : vector<16xi32>
    %get3A_1130 = arith.constant 4 : i32
    %get3A_1131 = arith.index_cast %get3A_1130 : i32 to index
    %get3A_1132 = arith.constant 272 : index
    %get3A_1133 = tpu.vector_load %arg5[%get3A_1131, %get3A_1132] {strides = array<i32>} : memref<6x512xi32, #tpu.memory_space<vmem>>, vector<1x16xi32>,
    %get3A_1134 = vector.shape_cast %get3A_1133 : vector<1x16xi32> to vector<16xi32>
    %mul3A_1135 = arith.constant 4 : i32
    %mul3A_1136 = vector.broadcast %mul3A_1135 : i32 to vector<16xi32>
    %mul3A_1137 = arith.muli %get3A_1134, %mul3A_1136 : vector<16xi32>
    %add3A_1138 = arith.addi %add3A_1129, %mul3A_1137 : vector<16xi32>
    %get3A_1139 = arith.constant 5 : i32
    %get3A_1140 = arith.index_cast %get3A_1139 : i32 to index
    %get3A_1141 = arith.constant 272 : index
    %get3A_1142 = tpu.vector_load %arg5[%get3A_1140, %get3A_1141] {strides = array<i32>} : memref<6x512xi32, #tpu.memory_space<vmem>>, vector<1x16xi32>,
    %get3A_1143 = vector.shape_cast %get3A_1142 : vector<1x16xi32> to vector<16xi32>
    %add3A_1144 = arith.addi %add3A_1138, %get3A_1143 : vector<16xi32>
    %swap3A_1145 = arith.constant 2 : i32
    %swap3A_1146 = arith.index_cast %swap3A_1145 : i32 to index
    %swap3A_1147 = arith.constant 16 : index
    %swap3A_1148 = tpu.vector_load %arg6[%swap3A_1146, %swap3A_1147] {strides = array<i32>} : memref<4x128xi32, #tpu.memory_space<vmem>>, vector<1x16xi32>,
    %swap3A_1149 = vector.shape_cast %swap3A_1148 : vector<1x16xi32> to vector<16xi32>
    %swap3A_1150 = vector.shape_cast %add3A_1144 : vector<16xi32> to vector<1x16xi32>
    tpu.vector_store %arg6[%swap3A_1146, %swap3A_1147], %swap3A_1150 {strides = array<i32>} : memref<4x128xi32, #tpu.memory_space<vmem>>, vector<1x16xi32>,
    %get3A_1151 = arith.constant 0 : i32
    %get3A_1152 = arith.index_cast %get3A_1151 : i32 to index
    %get3A_1153 = arith.constant 288 : index
    %get3A_1154 = tpu.vector_load %arg5[%get3A_1152, %get3A_1153] {strides = array<i32>} : memref<6x512xi32, #tpu.memory_space<vmem>>, vector<1x16xi32>,
    %get3A_1155 = vector.shape_cast %get3A_1154 : vector<1x16xi32> to vector<16xi32>
    %mul3A_1156 = arith.constant 1024 : i32
    %mul3A_1157 = vector.broadcast %mul3A_1156 : i32 to vector<16xi32>
    %mul3A_1158 = arith.muli %get3A_1155, %mul3A_1157 : vector<16xi32>
    %get3A_1159 = arith.constant 1 : i32
    %get3A_1160 = arith.index_cast %get3A_1159 : i32 to index
    %get3A_1161 = arith.constant 288 : index
    %get3A_1162 = tpu.vector_load %arg5[%get3A_1160, %get3A_1161] {strides = array<i32>} : memref<6x512xi32, #tpu.memory_space<vmem>>, vector<1x16xi32>,
    %get3A_1163 = vector.shape_cast %get3A_1162 : vector<1x16xi32> to vector<16xi32>
    %mul3A_1164 = arith.constant 256 : i32
    %mul3A_1165 = vector.broadcast %mul3A_1164 : i32 to vector<16xi32>
    %mul3A_1166 = arith.muli %get3A_1163, %mul3A_1165 : vector<16xi32>
    %add3A_1167 = arith.addi %mul3A_1158, %mul3A_1166 : vector<16xi32>
    %get3A_1168 = arith.constant 2 : i32
    %get3A_1169 = arith.index_cast %get3A_1168 : i32 to index
    %get3A_1170 = arith.constant 288 : index
    %get3A_1171 = tpu.vector_load %arg5[%get3A_1169, %get3A_1170] {strides = array<i32>} : memref<6x512xi32, #tpu.memory_space<vmem>>, vector<1x16xi32>,
    %get3A_1172 = vector.shape_cast %get3A_1171 : vector<1x16xi32> to vector<16xi32>
    %mul3A_1173 = arith.constant 64 : i32
    %mul3A_1174 = vector.broadcast %mul3A_1173 : i32 to vector<16xi32>
    %mul3A_1175 = arith.muli %get3A_1172, %mul3A_1174 : vector<16xi32>
    %add3A_1176 = arith.addi %add3A_1167, %mul3A_1175 : vector<16xi32>
    %get3A_1177 = arith.constant 3 : i32
    %get3A_1178 = arith.index_cast %get3A_1177 : i32 to index
    %get3A_1179 = arith.constant 288 : index
    %get3A_1180 = tpu.vector_load %arg5[%get3A_1178, %get3A_1179] {strides = array<i32>} : memref<6x512xi32, #tpu.memory_space<vmem>>, vector<1x16xi32>,
    %get3A_1181 = vector.shape_cast %get3A_1180 : vector<1x16xi32> to vector<16xi32>
    %mul3A_1182 = arith.constant 16 : i32
    %mul3A_1183 = vector.broadcast %mul3A_1182 : i32 to vector<16xi32>
    %mul3A_1184 = arith.muli %get3A_1181, %mul3A_1183 : vector<16xi32>
    %add3A_1185 = arith.addi %add3A_1176, %mul3A_1184 : vector<16xi32>
    %get3A_1186 = arith.constant 4 : i32
    %get3A_1187 = arith.index_cast %get3A_1186 : i32 to index
    %get3A_1188 = arith.constant 288 : index
    %get3A_1189 = tpu.vector_load %arg5[%get3A_1187, %get3A_1188] {strides = array<i32>} : memref<6x512xi32, #tpu.memory_space<vmem>>, vector<1x16xi32>,
    %get3A_1190 = vector.shape_cast %get3A_1189 : vector<1x16xi32> to vector<16xi32>
    %mul3A_1191 = arith.constant 4 : i32
    %mul3A_1192 = vector.broadcast %mul3A_1191 : i32 to vector<16xi32>
    %mul3A_1193 = arith.muli %get3A_1190, %mul3A_1192 : vector<16xi32>
    %add3A_1194 = arith.addi %add3A_1185, %mul3A_1193 : vector<16xi32>
    %get3A_1195 = arith.constant 5 : i32
    %get3A_1196 = arith.index_cast %get3A_1195 : i32 to index
    %get3A_1197 = arith.constant 288 : index
    %get3A_1198 = tpu.vector_load %arg5[%get3A_1196, %get3A_1197] {strides = array<i32>} : memref<6x512xi32, #tpu.memory_space<vmem>>, vector<1x16xi32>,
    %get3A_1199 = vector.shape_cast %get3A_1198 : vector<1x16xi32> to vector<16xi32>
    %add3A_1200 = arith.addi %add3A_1194, %get3A_1199 : vector<16xi32>
    %swap3A_1201 = arith.constant 2 : i32
    %swap3A_1202 = arith.index_cast %swap3A_1201 : i32 to index
    %swap3A_1203 = arith.constant 32 : index
    %swap3A_1204 = tpu.vector_load %arg6[%swap3A_1202, %swap3A_1203] {strides = array<i32>} : memref<4x128xi32, #tpu.memory_space<vmem>>, vector<1x16xi32>,
    %swap3A_1205 = vector.shape_cast %swap3A_1204 : vector<1x16xi32> to vector<16xi32>
    %swap3A_1206 = vector.shape_cast %add3A_1200 : vector<16xi32> to vector<1x16xi32>
    tpu.vector_store %arg6[%swap3A_1202, %swap3A_1203], %swap3A_1206 {strides = array<i32>} : memref<4x128xi32, #tpu.memory_space<vmem>>, vector<1x16xi32>,
    %get3A_1207 = arith.constant 0 : i32
    %get3A_1208 = arith.index_cast %get3A_1207 : i32 to index
    %get3A_1209 = arith.constant 304 : index
    %get3A_1210 = tpu.vector_load %arg5[%get3A_1208, %get3A_1209] {strides = array<i32>} : memref<6x512xi32, #tpu.memory_space<vmem>>, vector<1x16xi32>,
    %get3A_1211 = vector.shape_cast %get3A_1210 : vector<1x16xi32> to vector<16xi32>
    %mul3A_1212 = arith.constant 1024 : i32
    %mul3A_1213 = vector.broadcast %mul3A_1212 : i32 to vector<16xi32>
    %mul3A_1214 = arith.muli %get3A_1211, %mul3A_1213 : vector<16xi32>
    %get3A_1215 = arith.constant 1 : i32
    %get3A_1216 = arith.index_cast %get3A_1215 : i32 to index
    %get3A_1217 = arith.constant 304 : index
    %get3A_1218 = tpu.vector_load %arg5[%get3A_1216, %get3A_1217] {strides = array<i32>} : memref<6x512xi32, #tpu.memory_space<vmem>>, vector<1x16xi32>,
    %get3A_1219 = vector.shape_cast %get3A_1218 : vector<1x16xi32> to vector<16xi32>
    %mul3A_1220 = arith.constant 256 : i32
    %mul3A_1221 = vector.broadcast %mul3A_1220 : i32 to vector<16xi32>
    %mul3A_1222 = arith.muli %get3A_1219, %mul3A_1221 : vector<16xi32>
    %add3A_1223 = arith.addi %mul3A_1214, %mul3A_1222 : vector<16xi32>
    %get3A_1224 = arith.constant 2 : i32
    %get3A_1225 = arith.index_cast %get3A_1224 : i32 to index
    %get3A_1226 = arith.constant 304 : index
    %get3A_1227 = tpu.vector_load %arg5[%get3A_1225, %get3A_1226] {strides = array<i32>} : memref<6x512xi32, #tpu.memory_space<vmem>>, vector<1x16xi32>,
    %get3A_1228 = vector.shape_cast %get3A_1227 : vector<1x16xi32> to vector<16xi32>
    %mul3A_1229 = arith.constant 64 : i32
    %mul3A_1230 = vector.broadcast %mul3A_1229 : i32 to vector<16xi32>
    %mul3A_1231 = arith.muli %get3A_1228, %mul3A_1230 : vector<16xi32>
    %add3A_1232 = arith.addi %add3A_1223, %mul3A_1231 : vector<16xi32>
    %get3A_1233 = arith.constant 3 : i32
    %get3A_1234 = arith.index_cast %get3A_1233 : i32 to index
    %get3A_1235 = arith.constant 304 : index
    %get3A_1236 = tpu.vector_load %arg5[%get3A_1234, %get3A_1235] {strides = array<i32>} : memref<6x512xi32, #tpu.memory_space<vmem>>, vector<1x16xi32>,
    %get3A_1237 = vector.shape_cast %get3A_1236 : vector<1x16xi32> to vector<16xi32>
    %mul3A_1238 = arith.constant 16 : i32
    %mul3A_1239 = vector.broadcast %mul3A_1238 : i32 to vector<16xi32>
    %mul3A_1240 = arith.muli %get3A_1237, %mul3A_1239 : vector<16xi32>
    %add3A_1241 = arith.addi %add3A_1232, %mul3A_1240 : vector<16xi32>
    %get3A_1242 = arith.constant 4 : i32
    %get3A_1243 = arith.index_cast %get3A_1242 : i32 to index
    %get3A_1244 = arith.constant 304 : index
    %get3A_1245 = tpu.vector_load %arg5[%get3A_1243, %get3A_1244] {strides = array<i32>} : memref<6x512xi32, #tpu.memory_space<vmem>>, vector<1x16xi32>,
    %get3A_1246 = vector.shape_cast %get3A_1245 : vector<1x16xi32> to vector<16xi32>
    %mul3A_1247 = arith.constant 4 : i32
    %mul3A_1248 = vector.broadcast %mul3A_1247 : i32 to vector<16xi32>
    %mul3A_1249 = arith.muli %get3A_1246, %mul3A_1248 : vector<16xi32>
    %add3A_1250 = arith.addi %add3A_1241, %mul3A_1249 : vector<16xi32>
    %get3A_1251 = arith.constant 5 : i32
    %get3A_1252 = arith.index_cast %get3A_1251 : i32 to index
    %get3A_1253 = arith.constant 304 : index
    %get3A_1254 = tpu.vector_load %arg5[%get3A_1252, %get3A_1253] {strides = array<i32>} : memref<6x512xi32, #tpu.memory_space<vmem>>, vector<1x16xi32>,
    %get3A_1255 = vector.shape_cast %get3A_1254 : vector<1x16xi32> to vector<16xi32>
    %add3A_1256 = arith.addi %add3A_1250, %get3A_1255 : vector<16xi32>
    %swap3A_1257 = arith.constant 2 : i32
    %swap3A_1258 = arith.index_cast %swap3A_1257 : i32 to index
    %swap3A_1259 = arith.constant 48 : index
    %swap3A_1260 = tpu.vector_load %arg6[%swap3A_1258, %swap3A_1259] {strides = array<i32>} : memref<4x128xi32, #tpu.memory_space<vmem>>, vector<1x16xi32>,
    %swap3A_1261 = vector.shape_cast %swap3A_1260 : vector<1x16xi32> to vector<16xi32>
    %swap3A_1262 = vector.shape_cast %add3A_1256 : vector<16xi32> to vector<1x16xi32>
    tpu.vector_store %arg6[%swap3A_1258, %swap3A_1259], %swap3A_1262 {strides = array<i32>} : memref<4x128xi32, #tpu.memory_space<vmem>>, vector<1x16xi32>,
    %get3A_1263 = arith.constant 0 : i32
    %get3A_1264 = arith.index_cast %get3A_1263 : i32 to index
    %get3A_1265 = arith.constant 320 : index
    %get3A_1266 = tpu.vector_load %arg5[%get3A_1264, %get3A_1265] {strides = array<i32>} : memref<6x512xi32, #tpu.memory_space<vmem>>, vector<1x16xi32>,
    %get3A_1267 = vector.shape_cast %get3A_1266 : vector<1x16xi32> to vector<16xi32>
    %mul3A_1268 = arith.constant 1024 : i32
    %mul3A_1269 = vector.broadcast %mul3A_1268 : i32 to vector<16xi32>
    %mul3A_1270 = arith.muli %get3A_1267, %mul3A_1269 : vector<16xi32>
    %get3A_1271 = arith.constant 1 : i32
    %get3A_1272 = arith.index_cast %get3A_1271 : i32 to index
    %get3A_1273 = arith.constant 320 : index
    %get3A_1274 = tpu.vector_load %arg5[%get3A_1272, %get3A_1273] {strides = array<i32>} : memref<6x512xi32, #tpu.memory_space<vmem>>, vector<1x16xi32>,
    %get3A_1275 = vector.shape_cast %get3A_1274 : vector<1x16xi32> to vector<16xi32>
    %mul3A_1276 = arith.constant 256 : i32
    %mul3A_1277 = vector.broadcast %mul3A_1276 : i32 to vector<16xi32>
    %mul3A_1278 = arith.muli %get3A_1275, %mul3A_1277 : vector<16xi32>
    %add3A_1279 = arith.addi %mul3A_1270, %mul3A_1278 : vector<16xi32>
    %get3A_1280 = arith.constant 2 : i32
    %get3A_1281 = arith.index_cast %get3A_1280 : i32 to index
    %get3A_1282 = arith.constant 320 : index
    %get3A_1283 = tpu.vector_load %arg5[%get3A_1281, %get3A_1282] {strides = array<i32>} : memref<6x512xi32, #tpu.memory_space<vmem>>, vector<1x16xi32>,
    %get3A_1284 = vector.shape_cast %get3A_1283 : vector<1x16xi32> to vector<16xi32>
    %mul3A_1285 = arith.constant 64 : i32
    %mul3A_1286 = vector.broadcast %mul3A_1285 : i32 to vector<16xi32>
    %mul3A_1287 = arith.muli %get3A_1284, %mul3A_1286 : vector<16xi32>
    %add3A_1288 = arith.addi %add3A_1279, %mul3A_1287 : vector<16xi32>
    %get3A_1289 = arith.constant 3 : i32
    %get3A_1290 = arith.index_cast %get3A_1289 : i32 to index
    %get3A_1291 = arith.constant 320 : index
    %get3A_1292 = tpu.vector_load %arg5[%get3A_1290, %get3A_1291] {strides = array<i32>} : memref<6x512xi32, #tpu.memory_space<vmem>>, vector<1x16xi32>,
    %get3A_1293 = vector.shape_cast %get3A_1292 : vector<1x16xi32> to vector<16xi32>
    %mul3A_1294 = arith.constant 16 : i32
    %mul3A_1295 = vector.broadcast %mul3A_1294 : i32 to vector<16xi32>
    %mul3A_1296 = arith.muli %get3A_1293, %mul3A_1295 : vector<16xi32>
    %add3A_1297 = arith.addi %add3A_1288, %mul3A_1296 : vector<16xi32>
    %get3A_1298 = arith.constant 4 : i32
    %get3A_1299 = arith.index_cast %get3A_1298 : i32 to index
    %get3A_1300 = arith.constant 320 : index
    %get3A_1301 = tpu.vector_load %arg5[%get3A_1299, %get3A_1300] {strides = array<i32>} : memref<6x512xi32, #tpu.memory_space<vmem>>, vector<1x16xi32>,
    %get3A_1302 = vector.shape_cast %get3A_1301 : vector<1x16xi32> to vector<16xi32>
    %mul3A_1303 = arith.constant 4 : i32
    %mul3A_1304 = vector.broadcast %mul3A_1303 : i32 to vector<16xi32>
    %mul3A_1305 = arith.muli %get3A_1302, %mul3A_1304 : vector<16xi32>
    %add3A_1306 = arith.addi %add3A_1297, %mul3A_1305 : vector<16xi32>
    %get3A_1307 = arith.constant 5 : i32
    %get3A_1308 = arith.index_cast %get3A_1307 : i32 to index
    %get3A_1309 = arith.constant 320 : index
    %get3A_1310 = tpu.vector_load %arg5[%get3A_1308, %get3A_1309] {strides = array<i32>} : memref<6x512xi32, #tpu.memory_space<vmem>>, vector<1x16xi32>,
    %get3A_1311 = vector.shape_cast %get3A_1310 : vector<1x16xi32> to vector<16xi32>
    %add3A_1312 = arith.addi %add3A_1306, %get3A_1311 : vector<16xi32>
    %swap3A_1313 = arith.constant 2 : i32
    %swap3A_1314 = arith.index_cast %swap3A_1313 : i32 to index
    %swap3A_1315 = arith.constant 64 : index
    %swap3A_1316 = tpu.vector_load %arg6[%swap3A_1314, %swap3A_1315] {strides = array<i32>} : memref<4x128xi32, #tpu.memory_space<vmem>>, vector<1x16xi32>,
    %swap3A_1317 = vector.shape_cast %swap3A_1316 : vector<1x16xi32> to vector<16xi32>
    %swap3A_1318 = vector.shape_cast %add3A_1312 : vector<16xi32> to vector<1x16xi32>
    tpu.vector_store %arg6[%swap3A_1314, %swap3A_1315], %swap3A_1318 {strides = array<i32>} : memref<4x128xi32, #tpu.memory_space<vmem>>, vector<1x16xi32>,
    %get3A_1319 = arith.constant 0 : i32
    %get3A_1320 = arith.index_cast %get3A_1319 : i32 to index
    %get3A_1321 = arith.constant 336 : index
    %get3A_1322 = tpu.vector_load %arg5[%get3A_1320, %get3A_1321] {strides = array<i32>} : memref<6x512xi32, #tpu.memory_space<vmem>>, vector<1x16xi32>,
    %get3A_1323 = vector.shape_cast %get3A_1322 : vector<1x16xi32> to vector<16xi32>
    %mul3A_1324 = arith.constant 1024 : i32
    %mul3A_1325 = vector.broadcast %mul3A_1324 : i32 to vector<16xi32>
    %mul3A_1326 = arith.muli %get3A_1323, %mul3A_1325 : vector<16xi32>
    %get3A_1327 = arith.constant 1 : i32
    %get3A_1328 = arith.index_cast %get3A_1327 : i32 to index
    %get3A_1329 = arith.constant 336 : index
    %get3A_1330 = tpu.vector_load %arg5[%get3A_1328, %get3A_1329] {strides = array<i32>} : memref<6x512xi32, #tpu.memory_space<vmem>>, vector<1x16xi32>,
    %get3A_1331 = vector.shape_cast %get3A_1330 : vector<1x16xi32> to vector<16xi32>
    %mul3A_1332 = arith.constant 256 : i32
    %mul3A_1333 = vector.broadcast %mul3A_1332 : i32 to vector<16xi32>
    %mul3A_1334 = arith.muli %get3A_1331, %mul3A_1333 : vector<16xi32>
    %add3A_1335 = arith.addi %mul3A_1326, %mul3A_1334 : vector<16xi32>
    %get3A_1336 = arith.constant 2 : i32
    %get3A_1337 = arith.index_cast %get3A_1336 : i32 to index
    %get3A_1338 = arith.constant 336 : index
    %get3A_1339 = tpu.vector_load %arg5[%get3A_1337, %get3A_1338] {strides = array<i32>} : memref<6x512xi32, #tpu.memory_space<vmem>>, vector<1x16xi32>,
    %get3A_1340 = vector.shape_cast %get3A_1339 : vector<1x16xi32> to vector<16xi32>
    %mul3A_1341 = arith.constant 64 : i32
    %mul3A_1342 = vector.broadcast %mul3A_1341 : i32 to vector<16xi32>
    %mul3A_1343 = arith.muli %get3A_1340, %mul3A_1342 : vector<16xi32>
    %add3A_1344 = arith.addi %add3A_1335, %mul3A_1343 : vector<16xi32>
    %get3A_1345 = arith.constant 3 : i32
    %get3A_1346 = arith.index_cast %get3A_1345 : i32 to index
    %get3A_1347 = arith.constant 336 : index
    %get3A_1348 = tpu.vector_load %arg5[%get3A_1346, %get3A_1347] {strides = array<i32>} : memref<6x512xi32, #tpu.memory_space<vmem>>, vector<1x16xi32>,
    %get3A_1349 = vector.shape_cast %get3A_1348 : vector<1x16xi32> to vector<16xi32>
    %mul3A_1350 = arith.constant 16 : i32
    %mul3A_1351 = vector.broadcast %mul3A_1350 : i32 to vector<16xi32>
    %mul3A_1352 = arith.muli %get3A_1349, %mul3A_1351 : vector<16xi32>
    %add3A_1353 = arith.addi %add3A_1344, %mul3A_1352 : vector<16xi32>
    %get3A_1354 = arith.constant 4 : i32
    %get3A_1355 = arith.index_cast %get3A_1354 : i32 to index
    %get3A_1356 = arith.constant 336 : index
    %get3A_1357 = tpu.vector_load %arg5[%get3A_1355, %get3A_1356] {strides = array<i32>} : memref<6x512xi32, #tpu.memory_space<vmem>>, vector<1x16xi32>,
    %get3A_1358 = vector.shape_cast %get3A_1357 : vector<1x16xi32> to vector<16xi32>
    %mul3A_1359 = arith.constant 4 : i32
    %mul3A_1360 = vector.broadcast %mul3A_1359 : i32 to vector<16xi32>
    %mul3A_1361 = arith.muli %get3A_1358, %mul3A_1360 : vector<16xi32>
    %add3A_1362 = arith.addi %add3A_1353, %mul3A_1361 : vector<16xi32>
    %get3A_1363 = arith.constant 5 : i32
    %get3A_1364 = arith.index_cast %get3A_1363 : i32 to index
    %get3A_1365 = arith.constant 336 : index
    %get3A_1366 = tpu.vector_load %arg5[%get3A_1364, %get3A_1365] {strides = array<i32>} : memref<6x512xi32, #tpu.memory_space<vmem>>, vector<1x16xi32>,
    %get3A_1367 = vector.shape_cast %get3A_1366 : vector<1x16xi32> to vector<16xi32>
    %add3A_1368 = arith.addi %add3A_1362, %get3A_1367 : vector<16xi32>
    %swap3A_1369 = arith.constant 2 : i32
    %swap3A_1370 = arith.index_cast %swap3A_1369 : i32 to index
    %swap3A_1371 = arith.constant 80 : index
    %swap3A_1372 = tpu.vector_load %arg6[%swap3A_1370, %swap3A_1371] {strides = array<i32>} : memref<4x128xi32, #tpu.memory_space<vmem>>, vector<1x16xi32>,
    %swap3A_1373 = vector.shape_cast %swap3A_1372 : vector<1x16xi32> to vector<16xi32>
    %swap3A_1374 = vector.shape_cast %add3A_1368 : vector<16xi32> to vector<1x16xi32>
    tpu.vector_store %arg6[%swap3A_1370, %swap3A_1371], %swap3A_1374 {strides = array<i32>} : memref<4x128xi32, #tpu.memory_space<vmem>>, vector<1x16xi32>,
    %get3A_1375 = arith.constant 0 : i32
    %get3A_1376 = arith.index_cast %get3A_1375 : i32 to index
    %get3A_1377 = arith.constant 352 : index
    %get3A_1378 = tpu.vector_load %arg5[%get3A_1376, %get3A_1377] {strides = array<i32>} : memref<6x512xi32, #tpu.memory_space<vmem>>, vector<1x16xi32>,
    %get3A_1379 = vector.shape_cast %get3A_1378 : vector<1x16xi32> to vector<16xi32>
    %mul3A_1380 = arith.constant 1024 : i32
    %mul3A_1381 = vector.broadcast %mul3A_1380 : i32 to vector<16xi32>
    %mul3A_1382 = arith.muli %get3A_1379, %mul3A_1381 : vector<16xi32>
    %get3A_1383 = arith.constant 1 : i32
    %get3A_1384 = arith.index_cast %get3A_1383 : i32 to index
    %get3A_1385 = arith.constant 352 : index
    %get3A_1386 = tpu.vector_load %arg5[%get3A_1384, %get3A_1385] {strides = array<i32>} : memref<6x512xi32, #tpu.memory_space<vmem>>, vector<1x16xi32>,
    %get3A_1387 = vector.shape_cast %get3A_1386 : vector<1x16xi32> to vector<16xi32>
    %mul3A_1388 = arith.constant 256 : i32
    %mul3A_1389 = vector.broadcast %mul3A_1388 : i32 to vector<16xi32>
    %mul3A_1390 = arith.muli %get3A_1387, %mul3A_1389 : vector<16xi32>
    %add3A_1391 = arith.addi %mul3A_1382, %mul3A_1390 : vector<16xi32>
    %get3A_1392 = arith.constant 2 : i32
    %get3A_1393 = arith.index_cast %get3A_1392 : i32 to index
    %get3A_1394 = arith.constant 352 : index
    %get3A_1395 = tpu.vector_load %arg5[%get3A_1393, %get3A_1394] {strides = array<i32>} : memref<6x512xi32, #tpu.memory_space<vmem>>, vector<1x16xi32>,
    %get3A_1396 = vector.shape_cast %get3A_1395 : vector<1x16xi32> to vector<16xi32>
    %mul3A_1397 = arith.constant 64 : i32
    %mul3A_1398 = vector.broadcast %mul3A_1397 : i32 to vector<16xi32>
    %mul3A_1399 = arith.muli %get3A_1396, %mul3A_1398 : vector<16xi32>
    %add3A_1400 = arith.addi %add3A_1391, %mul3A_1399 : vector<16xi32>
    %get3A_1401 = arith.constant 3 : i32
    %get3A_1402 = arith.index_cast %get3A_1401 : i32 to index
    %get3A_1403 = arith.constant 352 : index
    %get3A_1404 = tpu.vector_load %arg5[%get3A_1402, %get3A_1403] {strides = array<i32>} : memref<6x512xi32, #tpu.memory_space<vmem>>, vector<1x16xi32>,
    %get3A_1405 = vector.shape_cast %get3A_1404 : vector<1x16xi32> to vector<16xi32>
    %mul3A_1406 = arith.constant 16 : i32
    %mul3A_1407 = vector.broadcast %mul3A_1406 : i32 to vector<16xi32>
    %mul3A_1408 = arith.muli %get3A_1405, %mul3A_1407 : vector<16xi32>
    %add3A_1409 = arith.addi %add3A_1400, %mul3A_1408 : vector<16xi32>
    %get3A_1410 = arith.constant 4 : i32
    %get3A_1411 = arith.index_cast %get3A_1410 : i32 to index
    %get3A_1412 = arith.constant 352 : index
    %get3A_1413 = tpu.vector_load %arg5[%get3A_1411, %get3A_1412] {strides = array<i32>} : memref<6x512xi32, #tpu.memory_space<vmem>>, vector<1x16xi32>,
    %get3A_1414 = vector.shape_cast %get3A_1413 : vector<1x16xi32> to vector<16xi32>
    %mul3A_1415 = arith.constant 4 : i32
    %mul3A_1416 = vector.broadcast %mul3A_1415 : i32 to vector<16xi32>
    %mul3A_1417 = arith.muli %get3A_1414, %mul3A_1416 : vector<16xi32>
    %add3A_1418 = arith.addi %add3A_1409, %mul3A_1417 : vector<16xi32>
    %get3A_1419 = arith.constant 5 : i32
    %get3A_1420 = arith.index_cast %get3A_1419 : i32 to index
    %get3A_1421 = arith.constant 352 : index
    %get3A_1422 = tpu.vector_load %arg5[%get3A_1420, %get3A_1421] {strides = array<i32>} : memref<6x512xi32, #tpu.memory_space<vmem>>, vector<1x16xi32>,
    %get3A_1423 = vector.shape_cast %get3A_1422 : vector<1x16xi32> to vector<16xi32>
    %add3A_1424 = arith.addi %add3A_1418, %get3A_1423 : vector<16xi32>
    %swap3A_1425 = arith.constant 2 : i32
    %swap3A_1426 = arith.index_cast %swap3A_1425 : i32 to index
    %swap3A_1427 = arith.constant 96 : index
    %swap3A_1428 = tpu.vector_load %arg6[%swap3A_1426, %swap3A_1427] {strides = array<i32>} : memref<4x128xi32, #tpu.memory_space<vmem>>, vector<1x16xi32>,
    %swap3A_1429 = vector.shape_cast %swap3A_1428 : vector<1x16xi32> to vector<16xi32>
    %swap3A_1430 = vector.shape_cast %add3A_1424 : vector<16xi32> to vector<1x16xi32>
    tpu.vector_store %arg6[%swap3A_1426, %swap3A_1427], %swap3A_1430 {strides = array<i32>} : memref<4x128xi32, #tpu.memory_space<vmem>>, vector<1x16xi32>,
    %get3A_1431 = arith.constant 0 : i32
    %get3A_1432 = arith.index_cast %get3A_1431 : i32 to index
    %get3A_1433 = arith.constant 368 : index
    %get3A_1434 = tpu.vector_load %arg5[%get3A_1432, %get3A_1433] {strides = array<i32>} : memref<6x512xi32, #tpu.memory_space<vmem>>, vector<1x16xi32>,
    %get3A_1435 = vector.shape_cast %get3A_1434 : vector<1x16xi32> to vector<16xi32>
    %mul3A_1436 = arith.constant 1024 : i32
    %mul3A_1437 = vector.broadcast %mul3A_1436 : i32 to vector<16xi32>
    %mul3A_1438 = arith.muli %get3A_1435, %mul3A_1437 : vector<16xi32>
    %get3A_1439 = arith.constant 1 : i32
    %get3A_1440 = arith.index_cast %get3A_1439 : i32 to index
    %get3A_1441 = arith.constant 368 : index
    %get3A_1442 = tpu.vector_load %arg5[%get3A_1440, %get3A_1441] {strides = array<i32>} : memref<6x512xi32, #tpu.memory_space<vmem>>, vector<1x16xi32>,
    %get3A_1443 = vector.shape_cast %get3A_1442 : vector<1x16xi32> to vector<16xi32>
    %mul3A_1444 = arith.constant 256 : i32
    %mul3A_1445 = vector.broadcast %mul3A_1444 : i32 to vector<16xi32>
    %mul3A_1446 = arith.muli %get3A_1443, %mul3A_1445 : vector<16xi32>
    %add3A_1447 = arith.addi %mul3A_1438, %mul3A_1446 : vector<16xi32>
    %get3A_1448 = arith.constant 2 : i32
    %get3A_1449 = arith.index_cast %get3A_1448 : i32 to index
    %get3A_1450 = arith.constant 368 : index
    %get3A_1451 = tpu.vector_load %arg5[%get3A_1449, %get3A_1450] {strides = array<i32>} : memref<6x512xi32, #tpu.memory_space<vmem>>, vector<1x16xi32>,
    %get3A_1452 = vector.shape_cast %get3A_1451 : vector<1x16xi32> to vector<16xi32>
    %mul3A_1453 = arith.constant 64 : i32
    %mul3A_1454 = vector.broadcast %mul3A_1453 : i32 to vector<16xi32>
    %mul3A_1455 = arith.muli %get3A_1452, %mul3A_1454 : vector<16xi32>
    %add3A_1456 = arith.addi %add3A_1447, %mul3A_1455 : vector<16xi32>
    %get3A_1457 = arith.constant 3 : i32
    %get3A_1458 = arith.index_cast %get3A_1457 : i32 to index
    %get3A_1459 = arith.constant 368 : index
    %get3A_1460 = tpu.vector_load %arg5[%get3A_1458, %get3A_1459] {strides = array<i32>} : memref<6x512xi32, #tpu.memory_space<vmem>>, vector<1x16xi32>,
    %get3A_1461 = vector.shape_cast %get3A_1460 : vector<1x16xi32> to vector<16xi32>
    %mul3A_1462 = arith.constant 16 : i32
    %mul3A_1463 = vector.broadcast %mul3A_1462 : i32 to vector<16xi32>
    %mul3A_1464 = arith.muli %get3A_1461, %mul3A_1463 : vector<16xi32>
    %add3A_1465 = arith.addi %add3A_1456, %mul3A_1464 : vector<16xi32>
    %get3A_1466 = arith.constant 4 : i32
    %get3A_1467 = arith.index_cast %get3A_1466 : i32 to index
    %get3A_1468 = arith.constant 368 : index
    %get3A_1469 = tpu.vector_load %arg5[%get3A_1467, %get3A_1468] {strides = array<i32>} : memref<6x512xi32, #tpu.memory_space<vmem>>, vector<1x16xi32>,
    %get3A_1470 = vector.shape_cast %get3A_1469 : vector<1x16xi32> to vector<16xi32>
    %mul3A_1471 = arith.constant 4 : i32
    %mul3A_1472 = vector.broadcast %mul3A_1471 : i32 to vector<16xi32>
    %mul3A_1473 = arith.muli %get3A_1470, %mul3A_1472 : vector<16xi32>
    %add3A_1474 = arith.addi %add3A_1465, %mul3A_1473 : vector<16xi32>
    %get3A_1475 = arith.constant 5 : i32
    %get3A_1476 = arith.index_cast %get3A_1475 : i32 to index
    %get3A_1477 = arith.constant 368 : index
    %get3A_1478 = tpu.vector_load %arg5[%get3A_1476, %get3A_1477] {strides = array<i32>} : memref<6x512xi32, #tpu.memory_space<vmem>>, vector<1x16xi32>,
    %get3A_1479 = vector.shape_cast %get3A_1478 : vector<1x16xi32> to vector<16xi32>
    %add3A_1480 = arith.addi %add3A_1474, %get3A_1479 : vector<16xi32>
    %swap3A_1481 = arith.constant 2 : i32
    %swap3A_1482 = arith.index_cast %swap3A_1481 : i32 to index
    %swap3A_1483 = arith.constant 112 : index
    %swap3A_1484 = tpu.vector_load %arg6[%swap3A_1482, %swap3A_1483] {strides = array<i32>} : memref<4x128xi32, #tpu.memory_space<vmem>>, vector<1x16xi32>,
    %swap3A_1485 = vector.shape_cast %swap3A_1484 : vector<1x16xi32> to vector<16xi32>
    %swap3A_1486 = vector.shape_cast %add3A_1480 : vector<16xi32> to vector<1x16xi32>
    tpu.vector_store %arg6[%swap3A_1482, %swap3A_1483], %swap3A_1486 {strides = array<i32>} : memref<4x128xi32, #tpu.memory_space<vmem>>, vector<1x16xi32>,
    %get3A_1487 = arith.constant 0 : i32
    %get3A_1488 = arith.index_cast %get3A_1487 : i32 to index
    %get3A_1489 = arith.constant 384 : index
    %get3A_1490 = tpu.vector_load %arg5[%get3A_1488, %get3A_1489] {strides = array<i32>} : memref<6x512xi32, #tpu.memory_space<vmem>>, vector<1x16xi32>,
    %get3A_1491 = vector.shape_cast %get3A_1490 : vector<1x16xi32> to vector<16xi32>
    %mul3A_1492 = arith.constant 1024 : i32
    %mul3A_1493 = vector.broadcast %mul3A_1492 : i32 to vector<16xi32>
    %mul3A_1494 = arith.muli %get3A_1491, %mul3A_1493 : vector<16xi32>
    %get3A_1495 = arith.constant 1 : i32
    %get3A_1496 = arith.index_cast %get3A_1495 : i32 to index
    %get3A_1497 = arith.constant 384 : index
    %get3A_1498 = tpu.vector_load %arg5[%get3A_1496, %get3A_1497] {strides = array<i32>} : memref<6x512xi32, #tpu.memory_space<vmem>>, vector<1x16xi32>,
    %get3A_1499 = vector.shape_cast %get3A_1498 : vector<1x16xi32> to vector<16xi32>
    %mul3A_1500 = arith.constant 256 : i32
    %mul3A_1501 = vector.broadcast %mul3A_1500 : i32 to vector<16xi32>
    %mul3A_1502 = arith.muli %get3A_1499, %mul3A_1501 : vector<16xi32>
    %add3A_1503 = arith.addi %mul3A_1494, %mul3A_1502 : vector<16xi32>
    %get3A_1504 = arith.constant 2 : i32
    %get3A_1505 = arith.index_cast %get3A_1504 : i32 to index
    %get3A_1506 = arith.constant 384 : index
    %get3A_1507 = tpu.vector_load %arg5[%get3A_1505, %get3A_1506] {strides = array<i32>} : memref<6x512xi32, #tpu.memory_space<vmem>>, vector<1x16xi32>,
    %get3A_1508 = vector.shape_cast %get3A_1507 : vector<1x16xi32> to vector<16xi32>
    %mul3A_1509 = arith.constant 64 : i32
    %mul3A_1510 = vector.broadcast %mul3A_1509 : i32 to vector<16xi32>
    %mul3A_1511 = arith.muli %get3A_1508, %mul3A_1510 : vector<16xi32>
    %add3A_1512 = arith.addi %add3A_1503, %mul3A_1511 : vector<16xi32>
    %get3A_1513 = arith.constant 3 : i32
    %get3A_1514 = arith.index_cast %get3A_1513 : i32 to index
    %get3A_1515 = arith.constant 384 : index
    %get3A_1516 = tpu.vector_load %arg5[%get3A_1514, %get3A_1515] {strides = array<i32>} : memref<6x512xi32, #tpu.memory_space<vmem>>, vector<1x16xi32>,
    %get3A_1517 = vector.shape_cast %get3A_1516 : vector<1x16xi32> to vector<16xi32>
    %mul3A_1518 = arith.constant 16 : i32
    %mul3A_1519 = vector.broadcast %mul3A_1518 : i32 to vector<16xi32>
    %mul3A_1520 = arith.muli %get3A_1517, %mul3A_1519 : vector<16xi32>
    %add3A_1521 = arith.addi %add3A_1512, %mul3A_1520 : vector<16xi32>
    %get3A_1522 = arith.constant 4 : i32
    %get3A_1523 = arith.index_cast %get3A_1522 : i32 to index
    %get3A_1524 = arith.constant 384 : index
    %get3A_1525 = tpu.vector_load %arg5[%get3A_1523, %get3A_1524] {strides = array<i32>} : memref<6x512xi32, #tpu.memory_space<vmem>>, vector<1x16xi32>,
    %get3A_1526 = vector.shape_cast %get3A_1525 : vector<1x16xi32> to vector<16xi32>
    %mul3A_1527 = arith.constant 4 : i32
    %mul3A_1528 = vector.broadcast %mul3A_1527 : i32 to vector<16xi32>
    %mul3A_1529 = arith.muli %get3A_1526, %mul3A_1528 : vector<16xi32>
    %add3A_1530 = arith.addi %add3A_1521, %mul3A_1529 : vector<16xi32>
    %get3A_1531 = arith.constant 5 : i32
    %get3A_1532 = arith.index_cast %get3A_1531 : i32 to index
    %get3A_1533 = arith.constant 384 : index
    %get3A_1534 = tpu.vector_load %arg5[%get3A_1532, %get3A_1533] {strides = array<i32>} : memref<6x512xi32, #tpu.memory_space<vmem>>, vector<1x16xi32>,
    %get3A_1535 = vector.shape_cast %get3A_1534 : vector<1x16xi32> to vector<16xi32>
    %add3A_1536 = arith.addi %add3A_1530, %get3A_1535 : vector<16xi32>
    %swap3A_1537 = arith.constant 3 : i32
    %swap3A_1538 = arith.index_cast %swap3A_1537 : i32 to index
    %swap3A_1539 = arith.constant 0 : index
    %swap3A_1540 = tpu.vector_load %arg6[%swap3A_1538, %swap3A_1539] {strides = array<i32>} : memref<4x128xi32, #tpu.memory_space<vmem>>, vector<1x16xi32>,
    %swap3A_1541 = vector.shape_cast %swap3A_1540 : vector<1x16xi32> to vector<16xi32>
    %swap3A_1542 = vector.shape_cast %add3A_1536 : vector<16xi32> to vector<1x16xi32>
    tpu.vector_store %arg6[%swap3A_1538, %swap3A_1539], %swap3A_1542 {strides = array<i32>} : memref<4x128xi32, #tpu.memory_space<vmem>>, vector<1x16xi32>,
    %get3A_1543 = arith.constant 0 : i32
    %get3A_1544 = arith.index_cast %get3A_1543 : i32 to index
    %get3A_1545 = arith.constant 400 : index
    %get3A_1546 = tpu.vector_load %arg5[%get3A_1544, %get3A_1545] {strides = array<i32>} : memref<6x512xi32, #tpu.memory_space<vmem>>, vector<1x16xi32>,
    %get3A_1547 = vector.shape_cast %get3A_1546 : vector<1x16xi32> to vector<16xi32>
    %mul3A_1548 = arith.constant 1024 : i32
    %mul3A_1549 = vector.broadcast %mul3A_1548 : i32 to vector<16xi32>
    %mul3A_1550 = arith.muli %get3A_1547, %mul3A_1549 : vector<16xi32>
    %get3A_1551 = arith.constant 1 : i32
    %get3A_1552 = arith.index_cast %get3A_1551 : i32 to index
    %get3A_1553 = arith.constant 400 : index
    %get3A_1554 = tpu.vector_load %arg5[%get3A_1552, %get3A_1553] {strides = array<i32>} : memref<6x512xi32, #tpu.memory_space<vmem>>, vector<1x16xi32>,
    %get3A_1555 = vector.shape_cast %get3A_1554 : vector<1x16xi32> to vector<16xi32>
    %mul3A_1556 = arith.constant 256 : i32
    %mul3A_1557 = vector.broadcast %mul3A_1556 : i32 to vector<16xi32>
    %mul3A_1558 = arith.muli %get3A_1555, %mul3A_1557 : vector<16xi32>
    %add3A_1559 = arith.addi %mul3A_1550, %mul3A_1558 : vector<16xi32>
    %get3A_1560 = arith.constant 2 : i32
    %get3A_1561 = arith.index_cast %get3A_1560 : i32 to index
    %get3A_1562 = arith.constant 400 : index
    %get3A_1563 = tpu.vector_load %arg5[%get3A_1561, %get3A_1562] {strides = array<i32>} : memref<6x512xi32, #tpu.memory_space<vmem>>, vector<1x16xi32>,
    %get3A_1564 = vector.shape_cast %get3A_1563 : vector<1x16xi32> to vector<16xi32>
    %mul3A_1565 = arith.constant 64 : i32
    %mul3A_1566 = vector.broadcast %mul3A_1565 : i32 to vector<16xi32>
    %mul3A_1567 = arith.muli %get3A_1564, %mul3A_1566 : vector<16xi32>
    %add3A_1568 = arith.addi %add3A_1559, %mul3A_1567 : vector<16xi32>
    %get3A_1569 = arith.constant 3 : i32
    %get3A_1570 = arith.index_cast %get3A_1569 : i32 to index
    %get3A_1571 = arith.constant 400 : index
    %get3A_1572 = tpu.vector_load %arg5[%get3A_1570, %get3A_1571] {strides = array<i32>} : memref<6x512xi32, #tpu.memory_space<vmem>>, vector<1x16xi32>,
    %get3A_1573 = vector.shape_cast %get3A_1572 : vector<1x16xi32> to vector<16xi32>
    %mul3A_1574 = arith.constant 16 : i32
    %mul3A_1575 = vector.broadcast %mul3A_1574 : i32 to vector<16xi32>
    %mul3A_1576 = arith.muli %get3A_1573, %mul3A_1575 : vector<16xi32>
    %add3A_1577 = arith.addi %add3A_1568, %mul3A_1576 : vector<16xi32>
    %get3A_1578 = arith.constant 4 : i32
    %get3A_1579 = arith.index_cast %get3A_1578 : i32 to index
    %get3A_1580 = arith.constant 400 : index
    %get3A_1581 = tpu.vector_load %arg5[%get3A_1579, %get3A_1580] {strides = array<i32>} : memref<6x512xi32, #tpu.memory_space<vmem>>, vector<1x16xi32>,
    %get3A_1582 = vector.shape_cast %get3A_1581 : vector<1x16xi32> to vector<16xi32>
    %mul3A_1583 = arith.constant 4 : i32
    %mul3A_1584 = vector.broadcast %mul3A_1583 : i32 to vector<16xi32>
    %mul3A_1585 = arith.muli %get3A_1582, %mul3A_1584 : vector<16xi32>
    %add3A_1586 = arith.addi %add3A_1577, %mul3A_1585 : vector<16xi32>
    %get3A_1587 = arith.constant 5 : i32
    %get3A_1588 = arith.index_cast %get3A_1587 : i32 to index
    %get3A_1589 = arith.constant 400 : index
    %get3A_1590 = tpu.vector_load %arg5[%get3A_1588, %get3A_1589] {strides = array<i32>} : memref<6x512xi32, #tpu.memory_space<vmem>>, vector<1x16xi32>,
    %get3A_1591 = vector.shape_cast %get3A_1590 : vector<1x16xi32> to vector<16xi32>
    %add3A_1592 = arith.addi %add3A_1586, %get3A_1591 : vector<16xi32>
    %swap3A_1593 = arith.constant 3 : i32
    %swap3A_1594 = arith.index_cast %swap3A_1593 : i32 to index
    %swap3A_1595 = arith.constant 16 : index
    %swap3A_1596 = tpu.vector_load %arg6[%swap3A_1594, %swap3A_1595] {strides = array<i32>} : memref<4x128xi32, #tpu.memory_space<vmem>>, vector<1x16xi32>,
    %swap3A_1597 = vector.shape_cast %swap3A_1596 : vector<1x16xi32> to vector<16xi32>
    %swap3A_1598 = vector.shape_cast %add3A_1592 : vector<16xi32> to vector<1x16xi32>
    tpu.vector_store %arg6[%swap3A_1594, %swap3A_1595], %swap3A_1598 {strides = array<i32>} : memref<4x128xi32, #tpu.memory_space<vmem>>, vector<1x16xi32>,
    %get3A_1599 = arith.constant 0 : i32
    %get3A_1600 = arith.index_cast %get3A_1599 : i32 to index
    %get3A_1601 = arith.constant 416 : index
    %get3A_1602 = tpu.vector_load %arg5[%get3A_1600, %get3A_1601] {strides = array<i32>} : memref<6x512xi32, #tpu.memory_space<vmem>>, vector<1x16xi32>,
    %get3A_1603 = vector.shape_cast %get3A_1602 : vector<1x16xi32> to vector<16xi32>
    %mul3A_1604 = arith.constant 1024 : i32
    %mul3A_1605 = vector.broadcast %mul3A_1604 : i32 to vector<16xi32>
    %mul3A_1606 = arith.muli %get3A_1603, %mul3A_1605 : vector<16xi32>
    %get3A_1607 = arith.constant 1 : i32
    %get3A_1608 = arith.index_cast %get3A_1607 : i32 to index
    %get3A_1609 = arith.constant 416 : index
    %get3A_1610 = tpu.vector_load %arg5[%get3A_1608, %get3A_1609] {strides = array<i32>} : memref<6x512xi32, #tpu.memory_space<vmem>>, vector<1x16xi32>,
    %get3A_1611 = vector.shape_cast %get3A_1610 : vector<1x16xi32> to vector<16xi32>
    %mul3A_1612 = arith.constant 256 : i32
    %mul3A_1613 = vector.broadcast %mul3A_1612 : i32 to vector<16xi32>
    %mul3A_1614 = arith.muli %get3A_1611, %mul3A_1613 : vector<16xi32>
    %add3A_1615 = arith.addi %mul3A_1606, %mul3A_1614 : vector<16xi32>
    %get3A_1616 = arith.constant 2 : i32
    %get3A_1617 = arith.index_cast %get3A_1616 : i32 to index
    %get3A_1618 = arith.constant 416 : index
    %get3A_1619 = tpu.vector_load %arg5[%get3A_1617, %get3A_1618] {strides = array<i32>} : memref<6x512xi32, #tpu.memory_space<vmem>>, vector<1x16xi32>,
    %get3A_1620 = vector.shape_cast %get3A_1619 : vector<1x16xi32> to vector<16xi32>
    %mul3A_1621 = arith.constant 64 : i32
    %mul3A_1622 = vector.broadcast %mul3A_1621 : i32 to vector<16xi32>
    %mul3A_1623 = arith.muli %get3A_1620, %mul3A_1622 : vector<16xi32>
    %add3A_1624 = arith.addi %add3A_1615, %mul3A_1623 : vector<16xi32>
    %get3A_1625 = arith.constant 3 : i32
    %get3A_1626 = arith.index_cast %get3A_1625 : i32 to index
    %get3A_1627 = arith.constant 416 : index
    %get3A_1628 = tpu.vector_load %arg5[%get3A_1626, %get3A_1627] {strides = array<i32>} : memref<6x512xi32, #tpu.memory_space<vmem>>, vector<1x16xi32>,
    %get3A_1629 = vector.shape_cast %get3A_1628 : vector<1x16xi32> to vector<16xi32>
    %mul3A_1630 = arith.constant 16 : i32
    %mul3A_1631 = vector.broadcast %mul3A_1630 : i32 to vector<16xi32>
    %mul3A_1632 = arith.muli %get3A_1629, %mul3A_1631 : vector<16xi32>
    %add3A_1633 = arith.addi %add3A_1624, %mul3A_1632 : vector<16xi32>
    %get3A_1634 = arith.constant 4 : i32
    %get3A_1635 = arith.index_cast %get3A_1634 : i32 to index
    %get3A_1636 = arith.constant 416 : index
    %get3A_1637 = tpu.vector_load %arg5[%get3A_1635, %get3A_1636] {strides = array<i32>} : memref<6x512xi32, #tpu.memory_space<vmem>>, vector<1x16xi32>,
    %get3A_1638 = vector.shape_cast %get3A_1637 : vector<1x16xi32> to vector<16xi32>
    %mul3A_1639 = arith.constant 4 : i32
    %mul3A_1640 = vector.broadcast %mul3A_1639 : i32 to vector<16xi32>
    %mul3A_1641 = arith.muli %get3A_1638, %mul3A_1640 : vector<16xi32>
    %add3A_1642 = arith.addi %add3A_1633, %mul3A_1641 : vector<16xi32>
    %get3A_1643 = arith.constant 5 : i32
    %get3A_1644 = arith.index_cast %get3A_1643 : i32 to index
    %get3A_1645 = arith.constant 416 : index
    %get3A_1646 = tpu.vector_load %arg5[%get3A_1644, %get3A_1645] {strides = array<i32>} : memref<6x512xi32, #tpu.memory_space<vmem>>, vector<1x16xi32>,
    %get3A_1647 = vector.shape_cast %get3A_1646 : vector<1x16xi32> to vector<16xi32>
    %add3A_1648 = arith.addi %add3A_1642, %get3A_1647 : vector<16xi32>
    %swap3A_1649 = arith.constant 3 : i32
    %swap3A_1650 = arith.index_cast %swap3A_1649 : i32 to index
    %swap3A_1651 = arith.constant 32 : index
    %swap3A_1652 = tpu.vector_load %arg6[%swap3A_1650, %swap3A_1651] {strides = array<i32>} : memref<4x128xi32, #tpu.memory_space<vmem>>, vector<1x16xi32>,
    %swap3A_1653 = vector.shape_cast %swap3A_1652 : vector<1x16xi32> to vector<16xi32>
    %swap3A_1654 = vector.shape_cast %add3A_1648 : vector<16xi32> to vector<1x16xi32>
    tpu.vector_store %arg6[%swap3A_1650, %swap3A_1651], %swap3A_1654 {strides = array<i32>} : memref<4x128xi32, #tpu.memory_space<vmem>>, vector<1x16xi32>,
    %get3A_1655 = arith.constant 0 : i32
    %get3A_1656 = arith.index_cast %get3A_1655 : i32 to index
    %get3A_1657 = arith.constant 432 : index
    %get3A_1658 = tpu.vector_load %arg5[%get3A_1656, %get3A_1657] {strides = array<i32>} : memref<6x512xi32, #tpu.memory_space<vmem>>, vector<1x16xi32>,
    %get3A_1659 = vector.shape_cast %get3A_1658 : vector<1x16xi32> to vector<16xi32>
    %mul3A_1660 = arith.constant 1024 : i32
    %mul3A_1661 = vector.broadcast %mul3A_1660 : i32 to vector<16xi32>
    %mul3A_1662 = arith.muli %get3A_1659, %mul3A_1661 : vector<16xi32>
    %get3A_1663 = arith.constant 1 : i32
    %get3A_1664 = arith.index_cast %get3A_1663 : i32 to index
    %get3A_1665 = arith.constant 432 : index
    %get3A_1666 = tpu.vector_load %arg5[%get3A_1664, %get3A_1665] {strides = array<i32>} : memref<6x512xi32, #tpu.memory_space<vmem>>, vector<1x16xi32>,
    %get3A_1667 = vector.shape_cast %get3A_1666 : vector<1x16xi32> to vector<16xi32>
    %mul3A_1668 = arith.constant 256 : i32
    %mul3A_1669 = vector.broadcast %mul3A_1668 : i32 to vector<16xi32>
    %mul3A_1670 = arith.muli %get3A_1667, %mul3A_1669 : vector<16xi32>
    %add3A_1671 = arith.addi %mul3A_1662, %mul3A_1670 : vector<16xi32>
    %get3A_1672 = arith.constant 2 : i32
    %get3A_1673 = arith.index_cast %get3A_1672 : i32 to index
    %get3A_1674 = arith.constant 432 : index
    %get3A_1675 = tpu.vector_load %arg5[%get3A_1673, %get3A_1674] {strides = array<i32>} : memref<6x512xi32, #tpu.memory_space<vmem>>, vector<1x16xi32>,
    %get3A_1676 = vector.shape_cast %get3A_1675 : vector<1x16xi32> to vector<16xi32>
    %mul3A_1677 = arith.constant 64 : i32
    %mul3A_1678 = vector.broadcast %mul3A_1677 : i32 to vector<16xi32>
    %mul3A_1679 = arith.muli %get3A_1676, %mul3A_1678 : vector<16xi32>
    %add3A_1680 = arith.addi %add3A_1671, %mul3A_1679 : vector<16xi32>
    %get3A_1681 = arith.constant 3 : i32
    %get3A_1682 = arith.index_cast %get3A_1681 : i32 to index
    %get3A_1683 = arith.constant 432 : index
    %get3A_1684 = tpu.vector_load %arg5[%get3A_1682, %get3A_1683] {strides = array<i32>} : memref<6x512xi32, #tpu.memory_space<vmem>>, vector<1x16xi32>,
    %get3A_1685 = vector.shape_cast %get3A_1684 : vector<1x16xi32> to vector<16xi32>
    %mul3A_1686 = arith.constant 16 : i32
    %mul3A_1687 = vector.broadcast %mul3A_1686 : i32 to vector<16xi32>
    %mul3A_1688 = arith.muli %get3A_1685, %mul3A_1687 : vector<16xi32>
    %add3A_1689 = arith.addi %add3A_1680, %mul3A_1688 : vector<16xi32>
    %get3A_1690 = arith.constant 4 : i32
    %get3A_1691 = arith.index_cast %get3A_1690 : i32 to index
    %get3A_1692 = arith.constant 432 : index
    %get3A_1693 = tpu.vector_load %arg5[%get3A_1691, %get3A_1692] {strides = array<i32>} : memref<6x512xi32, #tpu.memory_space<vmem>>, vector<1x16xi32>,
    %get3A_1694 = vector.shape_cast %get3A_1693 : vector<1x16xi32> to vector<16xi32>
    %mul3A_1695 = arith.constant 4 : i32
    %mul3A_1696 = vector.broadcast %mul3A_1695 : i32 to vector<16xi32>
    %mul3A_1697 = arith.muli %get3A_1694, %mul3A_1696 : vector<16xi32>
    %add3A_1698 = arith.addi %add3A_1689, %mul3A_1697 : vector<16xi32>
    %get3A_1699 = arith.constant 5 : i32
    %get3A_1700 = arith.index_cast %get3A_1699 : i32 to index
    %get3A_1701 = arith.constant 432 : index
    %get3A_1702 = tpu.vector_load %arg5[%get3A_1700, %get3A_1701] {strides = array<i32>} : memref<6x512xi32, #tpu.memory_space<vmem>>, vector<1x16xi32>,
    %get3A_1703 = vector.shape_cast %get3A_1702 : vector<1x16xi32> to vector<16xi32>
    %add3A_1704 = arith.addi %add3A_1698, %get3A_1703 : vector<16xi32>
    %swap3A_1705 = arith.constant 3 : i32
    %swap3A_1706 = arith.index_cast %swap3A_1705 : i32 to index
    %swap3A_1707 = arith.constant 48 : index
    %swap3A_1708 = tpu.vector_load %arg6[%swap3A_1706, %swap3A_1707] {strides = array<i32>} : memref<4x128xi32, #tpu.memory_space<vmem>>, vector<1x16xi32>,
    %swap3A_1709 = vector.shape_cast %swap3A_1708 : vector<1x16xi32> to vector<16xi32>
    %swap3A_1710 = vector.shape_cast %add3A_1704 : vector<16xi32> to vector<1x16xi32>
    tpu.vector_store %arg6[%swap3A_1706, %swap3A_1707], %swap3A_1710 {strides = array<i32>} : memref<4x128xi32, #tpu.memory_space<vmem>>, vector<1x16xi32>,
    %get3A_1711 = arith.constant 0 : i32
    %get3A_1712 = arith.index_cast %get3A_1711 : i32 to index
    %get3A_1713 = arith.constant 448 : index
    %get3A_1714 = tpu.vector_load %arg5[%get3A_1712, %get3A_1713] {strides = array<i32>} : memref<6x512xi32, #tpu.memory_space<vmem>>, vector<1x16xi32>,
    %get3A_1715 = vector.shape_cast %get3A_1714 : vector<1x16xi32> to vector<16xi32>
    %mul3A_1716 = arith.constant 1024 : i32
    %mul3A_1717 = vector.broadcast %mul3A_1716 : i32 to vector<16xi32>
    %mul3A_1718 = arith.muli %get3A_1715, %mul3A_1717 : vector<16xi32>
    %get3A_1719 = arith.constant 1 : i32
    %get3A_1720 = arith.index_cast %get3A_1719 : i32 to index
    %get3A_1721 = arith.constant 448 : index
    %get3A_1722 = tpu.vector_load %arg5[%get3A_1720, %get3A_1721] {strides = array<i32>} : memref<6x512xi32, #tpu.memory_space<vmem>>, vector<1x16xi32>,
    %get3A_1723 = vector.shape_cast %get3A_1722 : vector<1x16xi32> to vector<16xi32>
    %mul3A_1724 = arith.constant 256 : i32
    %mul3A_1725 = vector.broadcast %mul3A_1724 : i32 to vector<16xi32>
    %mul3A_1726 = arith.muli %get3A_1723, %mul3A_1725 : vector<16xi32>
    %add3A_1727 = arith.addi %mul3A_1718, %mul3A_1726 : vector<16xi32>
    %get3A_1728 = arith.constant 2 : i32
    %get3A_1729 = arith.index_cast %get3A_1728 : i32 to index
    %get3A_1730 = arith.constant 448 : index
    %get3A_1731 = tpu.vector_load %arg5[%get3A_1729, %get3A_1730] {strides = array<i32>} : memref<6x512xi32, #tpu.memory_space<vmem>>, vector<1x16xi32>,
    %get3A_1732 = vector.shape_cast %get3A_1731 : vector<1x16xi32> to vector<16xi32>
    %mul3A_1733 = arith.constant 64 : i32
    %mul3A_1734 = vector.broadcast %mul3A_1733 : i32 to vector<16xi32>
    %mul3A_1735 = arith.muli %get3A_1732, %mul3A_1734 : vector<16xi32>
    %add3A_1736 = arith.addi %add3A_1727, %mul3A_1735 : vector<16xi32>
    %get3A_1737 = arith.constant 3 : i32
    %get3A_1738 = arith.index_cast %get3A_1737 : i32 to index
    %get3A_1739 = arith.constant 448 : index
    %get3A_1740 = tpu.vector_load %arg5[%get3A_1738, %get3A_1739] {strides = array<i32>} : memref<6x512xi32, #tpu.memory_space<vmem>>, vector<1x16xi32>,
    %get3A_1741 = vector.shape_cast %get3A_1740 : vector<1x16xi32> to vector<16xi32>
    %mul3A_1742 = arith.constant 16 : i32
    %mul3A_1743 = vector.broadcast %mul3A_1742 : i32 to vector<16xi32>
    %mul3A_1744 = arith.muli %get3A_1741, %mul3A_1743 : vector<16xi32>
    %add3A_1745 = arith.addi %add3A_1736, %mul3A_1744 : vector<16xi32>
    %get3A_1746 = arith.constant 4 : i32
    %get3A_1747 = arith.index_cast %get3A_1746 : i32 to index
    %get3A_1748 = arith.constant 448 : index
    %get3A_1749 = tpu.vector_load %arg5[%get3A_1747, %get3A_1748] {strides = array<i32>} : memref<6x512xi32, #tpu.memory_space<vmem>>, vector<1x16xi32>,
    %get3A_1750 = vector.shape_cast %get3A_1749 : vector<1x16xi32> to vector<16xi32>
    %mul3A_1751 = arith.constant 4 : i32
    %mul3A_1752 = vector.broadcast %mul3A_1751 : i32 to vector<16xi32>
    %mul3A_1753 = arith.muli %get3A_1750, %mul3A_1752 : vector<16xi32>
    %add3A_1754 = arith.addi %add3A_1745, %mul3A_1753 : vector<16xi32>
    %get3A_1755 = arith.constant 5 : i32
    %get3A_1756 = arith.index_cast %get3A_1755 : i32 to index
    %get3A_1757 = arith.constant 448 : index
    %get3A_1758 = tpu.vector_load %arg5[%get3A_1756, %get3A_1757] {strides = array<i32>} : memref<6x512xi32, #tpu.memory_space<vmem>>, vector<1x16xi32>,
    %get3A_1759 = vector.shape_cast %get3A_1758 : vector<1x16xi32> to vector<16xi32>
    %add3A_1760 = arith.addi %add3A_1754, %get3A_1759 : vector<16xi32>
    %swap3A_1761 = arith.constant 3 : i32
    %swap3A_1762 = arith.index_cast %swap3A_1761 : i32 to index
    %swap3A_1763 = arith.constant 64 : index
    %swap3A_1764 = tpu.vector_load %arg6[%swap3A_1762, %swap3A_1763] {strides = array<i32>} : memref<4x128xi32, #tpu.memory_space<vmem>>, vector<1x16xi32>,
    %swap3A_1765 = vector.shape_cast %swap3A_1764 : vector<1x16xi32> to vector<16xi32>
    %swap3A_1766 = vector.shape_cast %add3A_1760 : vector<16xi32> to vector<1x16xi32>
    tpu.vector_store %arg6[%swap3A_1762, %swap3A_1763], %swap3A_1766 {strides = array<i32>} : memref<4x128xi32, #tpu.memory_space<vmem>>, vector<1x16xi32>,
    %get3A_1767 = arith.constant 0 : i32
    %get3A_1768 = arith.index_cast %get3A_1767 : i32 to index
    %get3A_1769 = arith.constant 464 : index
    %get3A_1770 = tpu.vector_load %arg5[%get3A_1768, %get3A_1769] {strides = array<i32>} : memref<6x512xi32, #tpu.memory_space<vmem>>, vector<1x16xi32>,
    %get3A_1771 = vector.shape_cast %get3A_1770 : vector<1x16xi32> to vector<16xi32>
    %mul3A_1772 = arith.constant 1024 : i32
    %mul3A_1773 = vector.broadcast %mul3A_1772 : i32 to vector<16xi32>
    %mul3A_1774 = arith.muli %get3A_1771, %mul3A_1773 : vector<16xi32>
    %get3A_1775 = arith.constant 1 : i32
    %get3A_1776 = arith.index_cast %get3A_1775 : i32 to index
    %get3A_1777 = arith.constant 464 : index
    %get3A_1778 = tpu.vector_load %arg5[%get3A_1776, %get3A_1777] {strides = array<i32>} : memref<6x512xi32, #tpu.memory_space<vmem>>, vector<1x16xi32>,
    %get3A_1779 = vector.shape_cast %get3A_1778 : vector<1x16xi32> to vector<16xi32>
    %mul3A_1780 = arith.constant 256 : i32
    %mul3A_1781 = vector.broadcast %mul3A_1780 : i32 to vector<16xi32>
    %mul3A_1782 = arith.muli %get3A_1779, %mul3A_1781 : vector<16xi32>
    %add3A_1783 = arith.addi %mul3A_1774, %mul3A_1782 : vector<16xi32>
    %get3A_1784 = arith.constant 2 : i32
    %get3A_1785 = arith.index_cast %get3A_1784 : i32 to index
    %get3A_1786 = arith.constant 464 : index
    %get3A_1787 = tpu.vector_load %arg5[%get3A_1785, %get3A_1786] {strides = array<i32>} : memref<6x512xi32, #tpu.memory_space<vmem>>, vector<1x16xi32>,
    %get3A_1788 = vector.shape_cast %get3A_1787 : vector<1x16xi32> to vector<16xi32>
    %mul3A_1789 = arith.constant 64 : i32
    %mul3A_1790 = vector.broadcast %mul3A_1789 : i32 to vector<16xi32>
    %mul3A_1791 = arith.muli %get3A_1788, %mul3A_1790 : vector<16xi32>
    %add3A_1792 = arith.addi %add3A_1783, %mul3A_1791 : vector<16xi32>
    %get3A_1793 = arith.constant 3 : i32
    %get3A_1794 = arith.index_cast %get3A_1793 : i32 to index
    %get3A_1795 = arith.constant 464 : index
    %get3A_1796 = tpu.vector_load %arg5[%get3A_1794, %get3A_1795] {strides = array<i32>} : memref<6x512xi32, #tpu.memory_space<vmem>>, vector<1x16xi32>,
    %get3A_1797 = vector.shape_cast %get3A_1796 : vector<1x16xi32> to vector<16xi32>
    %mul3A_1798 = arith.constant 16 : i32
    %mul3A_1799 = vector.broadcast %mul3A_1798 : i32 to vector<16xi32>
    %mul3A_1800 = arith.muli %get3A_1797, %mul3A_1799 : vector<16xi32>
    %add3A_1801 = arith.addi %add3A_1792, %mul3A_1800 : vector<16xi32>
    %get3A_1802 = arith.constant 4 : i32
    %get3A_1803 = arith.index_cast %get3A_1802 : i32 to index
    %get3A_1804 = arith.constant 464 : index
    %get3A_1805 = tpu.vector_load %arg5[%get3A_1803, %get3A_1804] {strides = array<i32>} : memref<6x512xi32, #tpu.memory_space<vmem>>, vector<1x16xi32>,
    %get3A_1806 = vector.shape_cast %get3A_1805 : vector<1x16xi32> to vector<16xi32>
    %mul3A_1807 = arith.constant 4 : i32
    %mul3A_1808 = vector.broadcast %mul3A_1807 : i32 to vector<16xi32>
    %mul3A_1809 = arith.muli %get3A_1806, %mul3A_1808 : vector<16xi32>
    %add3A_1810 = arith.addi %add3A_1801, %mul3A_1809 : vector<16xi32>
    %get3A_1811 = arith.constant 5 : i32
    %get3A_1812 = arith.index_cast %get3A_1811 : i32 to index
    %get3A_1813 = arith.constant 464 : index
    %get3A_1814 = tpu.vector_load %arg5[%get3A_1812, %get3A_1813] {strides = array<i32>} : memref<6x512xi32, #tpu.memory_space<vmem>>, vector<1x16xi32>,
    %get3A_1815 = vector.shape_cast %get3A_1814 : vector<1x16xi32> to vector<16xi32>
    %add3A_1816 = arith.addi %add3A_1810, %get3A_1815 : vector<16xi32>
    %swap3A_1817 = arith.constant 3 : i32
    %swap3A_1818 = arith.index_cast %swap3A_1817 : i32 to index
    %swap3A_1819 = arith.constant 80 : index
    %swap3A_1820 = tpu.vector_load %arg6[%swap3A_1818, %swap3A_1819] {strides = array<i32>} : memref<4x128xi32, #tpu.memory_space<vmem>>, vector<1x16xi32>,
    %swap3A_1821 = vector.shape_cast %swap3A_1820 : vector<1x16xi32> to vector<16xi32>
    %swap3A_1822 = vector.shape_cast %add3A_1816 : vector<16xi32> to vector<1x16xi32>
    tpu.vector_store %arg6[%swap3A_1818, %swap3A_1819], %swap3A_1822 {strides = array<i32>} : memref<4x128xi32, #tpu.memory_space<vmem>>, vector<1x16xi32>,
    %get3A_1823 = arith.constant 0 : i32
    %get3A_1824 = arith.index_cast %get3A_1823 : i32 to index
    %get3A_1825 = arith.constant 480 : index
    %get3A_1826 = tpu.vector_load %arg5[%get3A_1824, %get3A_1825] {strides = array<i32>} : memref<6x512xi32, #tpu.memory_space<vmem>>, vector<1x16xi32>,
    %get3A_1827 = vector.shape_cast %get3A_1826 : vector<1x16xi32> to vector<16xi32>
    %mul3A_1828 = arith.constant 1024 : i32
    %mul3A_1829 = vector.broadcast %mul3A_1828 : i32 to vector<16xi32>
    %mul3A_1830 = arith.muli %get3A_1827, %mul3A_1829 : vector<16xi32>
    %get3A_1831 = arith.constant 1 : i32
    %get3A_1832 = arith.index_cast %get3A_1831 : i32 to index
    %get3A_1833 = arith.constant 480 : index
    %get3A_1834 = tpu.vector_load %arg5[%get3A_1832, %get3A_1833] {strides = array<i32>} : memref<6x512xi32, #tpu.memory_space<vmem>>, vector<1x16xi32>,
    %get3A_1835 = vector.shape_cast %get3A_1834 : vector<1x16xi32> to vector<16xi32>
    %mul3A_1836 = arith.constant 256 : i32
    %mul3A_1837 = vector.broadcast %mul3A_1836 : i32 to vector<16xi32>
    %mul3A_1838 = arith.muli %get3A_1835, %mul3A_1837 : vector<16xi32>
    %add3A_1839 = arith.addi %mul3A_1830, %mul3A_1838 : vector<16xi32>
    %get3A_1840 = arith.constant 2 : i32
    %get3A_1841 = arith.index_cast %get3A_1840 : i32 to index
    %get3A_1842 = arith.constant 480 : index
    %get3A_1843 = tpu.vector_load %arg5[%get3A_1841, %get3A_1842] {strides = array<i32>} : memref<6x512xi32, #tpu.memory_space<vmem>>, vector<1x16xi32>,
    %get3A_1844 = vector.shape_cast %get3A_1843 : vector<1x16xi32> to vector<16xi32>
    %mul3A_1845 = arith.constant 64 : i32
    %mul3A_1846 = vector.broadcast %mul3A_1845 : i32 to vector<16xi32>
    %mul3A_1847 = arith.muli %get3A_1844, %mul3A_1846 : vector<16xi32>
    %add3A_1848 = arith.addi %add3A_1839, %mul3A_1847 : vector<16xi32>
    %get3A_1849 = arith.constant 3 : i32
    %get3A_1850 = arith.index_cast %get3A_1849 : i32 to index
    %get3A_1851 = arith.constant 480 : index
    %get3A_1852 = tpu.vector_load %arg5[%get3A_1850, %get3A_1851] {strides = array<i32>} : memref<6x512xi32, #tpu.memory_space<vmem>>, vector<1x16xi32>,
    %get3A_1853 = vector.shape_cast %get3A_1852 : vector<1x16xi32> to vector<16xi32>
    %mul3A_1854 = arith.constant 16 : i32
    %mul3A_1855 = vector.broadcast %mul3A_1854 : i32 to vector<16xi32>
    %mul3A_1856 = arith.muli %get3A_1853, %mul3A_1855 : vector<16xi32>
    %add3A_1857 = arith.addi %add3A_1848, %mul3A_1856 : vector<16xi32>
    %get3A_1858 = arith.constant 4 : i32
    %get3A_1859 = arith.index_cast %get3A_1858 : i32 to index
    %get3A_1860 = arith.constant 480 : index
    %get3A_1861 = tpu.vector_load %arg5[%get3A_1859, %get3A_1860] {strides = array<i32>} : memref<6x512xi32, #tpu.memory_space<vmem>>, vector<1x16xi32>,
    %get3A_1862 = vector.shape_cast %get3A_1861 : vector<1x16xi32> to vector<16xi32>
    %mul3A_1863 = arith.constant 4 : i32
    %mul3A_1864 = vector.broadcast %mul3A_1863 : i32 to vector<16xi32>
    %mul3A_1865 = arith.muli %get3A_1862, %mul3A_1864 : vector<16xi32>
    %add3A_1866 = arith.addi %add3A_1857, %mul3A_1865 : vector<16xi32>
    %get3A_1867 = arith.constant 5 : i32
    %get3A_1868 = arith.index_cast %get3A_1867 : i32 to index
    %get3A_1869 = arith.constant 480 : index
    %get3A_1870 = tpu.vector_load %arg5[%get3A_1868, %get3A_1869] {strides = array<i32>} : memref<6x512xi32, #tpu.memory_space<vmem>>, vector<1x16xi32>,
    %get3A_1871 = vector.shape_cast %get3A_1870 : vector<1x16xi32> to vector<16xi32>
    %add3A_1872 = arith.addi %add3A_1866, %get3A_1871 : vector<16xi32>
    %swap3A_1873 = arith.constant 3 : i32
    %swap3A_1874 = arith.index_cast %swap3A_1873 : i32 to index
    %swap3A_1875 = arith.constant 96 : index
    %swap3A_1876 = tpu.vector_load %arg6[%swap3A_1874, %swap3A_1875] {strides = array<i32>} : memref<4x128xi32, #tpu.memory_space<vmem>>, vector<1x16xi32>,
    %swap3A_1877 = vector.shape_cast %swap3A_1876 : vector<1x16xi32> to vector<16xi32>
    %swap3A_1878 = vector.shape_cast %add3A_1872 : vector<16xi32> to vector<1x16xi32>
    tpu.vector_store %arg6[%swap3A_1874, %swap3A_1875], %swap3A_1878 {strides = array<i32>} : memref<4x128xi32, #tpu.memory_space<vmem>>, vector<1x16xi32>,
    %get3A_1879 = arith.constant 0 : i32
    %get3A_1880 = arith.index_cast %get3A_1879 : i32 to index
    %get3A_1881 = arith.constant 496 : index
    %get3A_1882 = tpu.vector_load %arg5[%get3A_1880, %get3A_1881] {strides = array<i32>} : memref<6x512xi32, #tpu.memory_space<vmem>>, vector<1x16xi32>,
    %get3A_1883 = vector.shape_cast %get3A_1882 : vector<1x16xi32> to vector<16xi32>
    %mul3A_1884 = arith.constant 1024 : i32
    %mul3A_1885 = vector.broadcast %mul3A_1884 : i32 to vector<16xi32>
    %mul3A_1886 = arith.muli %get3A_1883, %mul3A_1885 : vector<16xi32>
    %get3A_1887 = arith.constant 1 : i32
    %get3A_1888 = arith.index_cast %get3A_1887 : i32 to index
    %get3A_1889 = arith.constant 496 : index
    %get3A_1890 = tpu.vector_load %arg5[%get3A_1888, %get3A_1889] {strides = array<i32>} : memref<6x512xi32, #tpu.memory_space<vmem>>, vector<1x16xi32>,
    %get3A_1891 = vector.shape_cast %get3A_1890 : vector<1x16xi32> to vector<16xi32>
    %mul3A_1892 = arith.constant 256 : i32
    %mul3A_1893 = vector.broadcast %mul3A_1892 : i32 to vector<16xi32>
    %mul3A_1894 = arith.muli %get3A_1891, %mul3A_1893 : vector<16xi32>
    %add3A_1895 = arith.addi %mul3A_1886, %mul3A_1894 : vector<16xi32>
    %get3A_1896 = arith.constant 2 : i32
    %get3A_1897 = arith.index_cast %get3A_1896 : i32 to index
    %get3A_1898 = arith.constant 496 : index
    %get3A_1899 = tpu.vector_load %arg5[%get3A_1897, %get3A_1898] {strides = array<i32>} : memref<6x512xi32, #tpu.memory_space<vmem>>, vector<1x16xi32>,
    %get3A_1900 = vector.shape_cast %get3A_1899 : vector<1x16xi32> to vector<16xi32>
    %mul3A_1901 = arith.constant 64 : i32
    %mul3A_1902 = vector.broadcast %mul3A_1901 : i32 to vector<16xi32>
    %mul3A_1903 = arith.muli %get3A_1900, %mul3A_1902 : vector<16xi32>
    %add3A_1904 = arith.addi %add3A_1895, %mul3A_1903 : vector<16xi32>
    %get3A_1905 = arith.constant 3 : i32
    %get3A_1906 = arith.index_cast %get3A_1905 : i32 to index
    %get3A_1907 = arith.constant 496 : index
    %get3A_1908 = tpu.vector_load %arg5[%get3A_1906, %get3A_1907] {strides = array<i32>} : memref<6x512xi32, #tpu.memory_space<vmem>>, vector<1x16xi32>,
    %get3A_1909 = vector.shape_cast %get3A_1908 : vector<1x16xi32> to vector<16xi32>
    %mul3A_1910 = arith.constant 16 : i32
    %mul3A_1911 = vector.broadcast %mul3A_1910 : i32 to vector<16xi32>
    %mul3A_1912 = arith.muli %get3A_1909, %mul3A_1911 : vector<16xi32>
    %add3A_1913 = arith.addi %add3A_1904, %mul3A_1912 : vector<16xi32>
    %get3A_1914 = arith.constant 4 : i32
    %get3A_1915 = arith.index_cast %get3A_1914 : i32 to index
    %get3A_1916 = arith.constant 496 : index
    %get3A_1917 = tpu.vector_load %arg5[%get3A_1915, %get3A_1916] {strides = array<i32>} : memref<6x512xi32, #tpu.memory_space<vmem>>, vector<1x16xi32>,
    %get3A_1918 = vector.shape_cast %get3A_1917 : vector<1x16xi32> to vector<16xi32>
    %mul3A_1919 = arith.constant 4 : i32
    %mul3A_1920 = vector.broadcast %mul3A_1919 : i32 to vector<16xi32>
    %mul3A_1921 = arith.muli %get3A_1918, %mul3A_1920 : vector<16xi32>
    %add3A_1922 = arith.addi %add3A_1913, %mul3A_1921 : vector<16xi32>
    %get3A_1923 = arith.constant 5 : i32
    %get3A_1924 = arith.index_cast %get3A_1923 : i32 to index
    %get3A_1925 = arith.constant 496 : index
    %get3A_1926 = tpu.vector_load %arg5[%get3A_1924, %get3A_1925] {strides = array<i32>} : memref<6x512xi32, #tpu.memory_space<vmem>>, vector<1x16xi32>,
    %get3A_1927 = vector.shape_cast %get3A_1926 : vector<1x16xi32> to vector<16xi32>
    %add3A_1928 = arith.addi %add3A_1922, %get3A_1927 : vector<16xi32>
    %swap3A_1929 = arith.constant 3 : i32
    %swap3A_1930 = arith.index_cast %swap3A_1929 : i32 to index
    %swap3A_1931 = arith.constant 112 : index
    %swap3A_1932 = tpu.vector_load %arg6[%swap3A_1930, %swap3A_1931] {strides = array<i32>} : memref<4x128xi32, #tpu.memory_space<vmem>>, vector<1x16xi32>,
    %swap3A_1933 = vector.shape_cast %swap3A_1932 : vector<1x16xi32> to vector<16xi32>
    %swap3A_1934 = vector.shape_cast %add3A_1928 : vector<16xi32> to vector<1x16xi32>
    tpu.vector_store %arg6[%swap3A_1930, %swap3A_1931], %swap3A_1934 {strides = array<i32>} : memref<4x128xi32, #tpu.memory_space<vmem>>, vector<1x16xi32>,
    %dma_start3A_1935 = arith.constant 0 : i32
    %dma_start3A_1936 = arith.constant 0 : i32
    %dma_start3A_1937 = arith.constant 0 : i32
    %dma_start3A_1938 = arith.constant 0 : i32
    %dma_start3A_1939 = tpu.memref_slice %arg7[%dma_start3A_1936, %dma_start3A_1937, %dma_start3A_1938] : memref<4x128x128xf32, #tpu.memory_space<vmem>> -> memref<1x128x128xf32, #tpu.memory_space<vmem>>
    %dma_start3A_1940 = tpu.memref_squeeze %dma_start3A_1939 : memref<1x128x128xf32, #tpu.memory_space<vmem>> -> memref<128x128xf32, #tpu.memory_space<vmem>>
    %dma_start3A_1941 = arith.constant 0 : i32
    %dma_start3A_1942 = tpu.memref_slice %arg6[%dma_start3A_1935, %dma_start3A_1941] : memref<4x128xi32, #tpu.memory_space<vmem>> -> memref<1x128xi32, #tpu.memory_space<vmem>>
    %dma_start3A_1943 = tpu.memref_squeeze %dma_start3A_1942 : memref<1x128xi32, #tpu.memory_space<vmem>> -> memref<128xi32, #tpu.memory_space<vmem>>
    %dma_start3A_1944 = arith.constant 0 : i32
    %dma_start3A_1945 = arith.constant 0 : i32
    %dma_start3A_1946 = tpu.memref_slice %arg3[%dma_start3A_1944, %dma_start3A_1945] : memref<4096x128xf32, #tpu.memory_space<hbm>> -> memref<4096x128xf32, #tpu.memory_space<hbm>>
    tpu.enqueue_indirect_dma source(%dma_start3A_1946 : memref<4096x128xf32, #tpu.memory_space<hbm>>) target(%dma_start3A_1940 : memref<128x128xf32, #tpu.memory_space<vmem>>) offsets(%dma_start3A_1943 : memref<128xi32, #tpu.memory_space<vmem>>) semaphore(%arg11 : memref<!tpu.dma_semaphore, #tpu.memory_space<semaphore_mem>>)
    %dma_start3A_1947 = arith.constant 1 : i32
    %dma_start3A_1948 = arith.constant 1 : i32
    %dma_start3A_1949 = arith.constant 0 : i32
    %dma_start3A_1950 = arith.constant 0 : i32
    %dma_start3A_1951 = tpu.memref_slice %arg7[%dma_start3A_1948, %dma_start3A_1949, %dma_start3A_1950] : memref<4x128x128xf32, #tpu.memory_space<vmem>> -> memref<1x128x128xf32, #tpu.memory_space<vmem>>
    %dma_start3A_1952 = tpu.memref_squeeze %dma_start3A_1951 : memref<1x128x128xf32, #tpu.memory_space<vmem>> -> memref<128x128xf32, #tpu.memory_space<vmem>>
    %dma_start3A_1953 = arith.constant 0 : i32
    %dma_start3A_1954 = tpu.memref_slice %arg6[%dma_start3A_1947, %dma_start3A_1953] : memref<4x128xi32, #tpu.memory_space<vmem>> -> memref<1x128xi32, #tpu.memory_space<vmem>>
    %dma_start3A_1955 = tpu.memref_squeeze %dma_start3A_1954 : memref<1x128xi32, #tpu.memory_space<vmem>> -> memref<128xi32, #tpu.memory_space<vmem>>
    %dma_start3A_1956 = arith.constant 0 : i32
    %dma_start3A_1957 = arith.constant 0 : i32
    %dma_start3A_1958 = tpu.memref_slice %arg3[%dma_start3A_1956, %dma_start3A_1957] : memref<4096x128xf32, #tpu.memory_space<hbm>> -> memref<4096x128xf32, #tpu.memory_space<hbm>>
    tpu.enqueue_indirect_dma source(%dma_start3A_1958 : memref<4096x128xf32, #tpu.memory_space<hbm>>) target(%dma_start3A_1952 : memref<128x128xf32, #tpu.memory_space<vmem>>) offsets(%dma_start3A_1955 : memref<128xi32, #tpu.memory_space<vmem>>) semaphore(%arg12 : memref<!tpu.dma_semaphore, #tpu.memory_space<semaphore_mem>>)
    %dma_start3A_1959 = arith.constant 2 : i32
    %dma_start3A_1960 = arith.constant 2 : i32
    %dma_start3A_1961 = arith.constant 0 : i32
    %dma_start3A_1962 = arith.constant 0 : i32
    %dma_start3A_1963 = tpu.memref_slice %arg7[%dma_start3A_1960, %dma_start3A_1961, %dma_start3A_1962] : memref<4x128x128xf32, #tpu.memory_space<vmem>> -> memref<1x128x128xf32, #tpu.memory_space<vmem>>
    %dma_start3A_1964 = tpu.memref_squeeze %dma_start3A_1963 : memref<1x128x128xf32, #tpu.memory_space<vmem>> -> memref<128x128xf32, #tpu.memory_space<vmem>>
    %dma_start3A_1965 = arith.constant 0 : i32
    %dma_start3A_1966 = tpu.memref_slice %arg6[%dma_start3A_1959, %dma_start3A_1965] : memref<4x128xi32, #tpu.memory_space<vmem>> -> memref<1x128xi32, #tpu.memory_space<vmem>>
    %dma_start3A_1967 = tpu.memref_squeeze %dma_start3A_1966 : memref<1x128xi32, #tpu.memory_space<vmem>> -> memref<128xi32, #tpu.memory_space<vmem>>
    %dma_start3A_1968 = arith.constant 0 : i32
    %dma_start3A_1969 = arith.constant 0 : i32
    %dma_start3A_1970 = tpu.memref_slice %arg3[%dma_start3A_1968, %dma_start3A_1969] : memref<4096x128xf32, #tpu.memory_space<hbm>> -> memref<4096x128xf32, #tpu.memory_space<hbm>>
    tpu.enqueue_indirect_dma source(%dma_start3A_1970 : memref<4096x128xf32, #tpu.memory_space<hbm>>) target(%dma_start3A_1964 : memref<128x128xf32, #tpu.memory_space<vmem>>) offsets(%dma_start3A_1967 : memref<128xi32, #tpu.memory_space<vmem>>) semaphore(%arg13 : memref<!tpu.dma_semaphore, #tpu.memory_space<semaphore_mem>>)
    %dma_start3A_1971 = arith.constant 3 : i32
    %dma_start3A_1972 = arith.constant 3 : i32
    %dma_start3A_1973 = arith.constant 0 : i32
    %dma_start3A_1974 = arith.constant 0 : i32
    %dma_start3A_1975 = tpu.memref_slice %arg7[%dma_start3A_1972, %dma_start3A_1973, %dma_start3A_1974] : memref<4x128x128xf32, #tpu.memory_space<vmem>> -> memref<1x128x128xf32, #tpu.memory_space<vmem>>
    %dma_start3A_1976 = tpu.memref_squeeze %dma_start3A_1975 : memref<1x128x128xf32, #tpu.memory_space<vmem>> -> memref<128x128xf32, #tpu.memory_space<vmem>>
    %dma_start3A_1977 = arith.constant 0 : i32
    %dma_start3A_1978 = tpu.memref_slice %arg6[%dma_start3A_1971, %dma_start3A_1977] : memref<4x128xi32, #tpu.memory_space<vmem>> -> memref<1x128xi32, #tpu.memory_space<vmem>>
    %dma_start3A_1979 = tpu.memref_squeeze %dma_start3A_1978 : memref<1x128xi32, #tpu.memory_space<vmem>> -> memref<128xi32, #tpu.memory_space<vmem>>
    %dma_start3A_1980 = arith.constant 0 : i32
    %dma_start3A_1981 = arith.constant 0 : i32
    %dma_start3A_1982 = tpu.memref_slice %arg3[%dma_start3A_1980, %dma_start3A_1981] : memref<4096x128xf32, #tpu.memory_space<hbm>> -> memref<4096x128xf32, #tpu.memory_space<hbm>>
    tpu.enqueue_indirect_dma source(%dma_start3A_1982 : memref<4096x128xf32, #tpu.memory_space<hbm>>) target(%dma_start3A_1976 : memref<128x128xf32, #tpu.memory_space<vmem>>) offsets(%dma_start3A_1979 : memref<128xi32, #tpu.memory_space<vmem>>) semaphore(%arg14 : memref<!tpu.dma_semaphore, #tpu.memory_space<semaphore_mem>>)
    %dma_wait3A_1983 = arith.constant 0 : i32
    %dma_wait3A_1984 = arith.constant 0 : i32
    %dma_wait3A_1985 = arith.constant 0 : i32
    %dma_wait3A_1986 = arith.constant 0 : i32
    %dma_wait3A_1987 = tpu.memref_slice %arg7[%dma_wait3A_1984, %dma_wait3A_1985, %dma_wait3A_1986] : memref<4x128x128xf32, #tpu.memory_space<vmem>> -> memref<1x128x128xf32, #tpu.memory_space<vmem>>
    %dma_wait3A_1988 = tpu.memref_squeeze %dma_wait3A_1987 : memref<1x128x128xf32, #tpu.memory_space<vmem>> -> memref<128x128xf32, #tpu.memory_space<vmem>>
    %dma_wait3A_1989 = arith.constant 0 : i32
    %dma_wait3A_1990 = tpu.memref_slice %arg6[%dma_wait3A_1983, %dma_wait3A_1989] : memref<4x128xi32, #tpu.memory_space<vmem>> -> memref<1x128xi32, #tpu.memory_space<vmem>>
    %dma_wait3A_1991 = tpu.memref_squeeze %dma_wait3A_1990 : memref<1x128xi32, #tpu.memory_space<vmem>> -> memref<128xi32, #tpu.memory_space<vmem>>
    %dma_wait3A_1992 = arith.constant 0 : i32
    %dma_wait3A_1993 = arith.constant 0 : i32
    %dma_wait3A_1994 = tpu.memref_slice %arg3[%dma_wait3A_1992, %dma_wait3A_1993] : memref<4096x128xf32, #tpu.memory_space<hbm>> -> memref<4096x128xf32, #tpu.memory_space<hbm>>
    tpu.wait_indirect_dma semaphore(%arg11 : memref<!tpu.dma_semaphore, #tpu.memory_space<semaphore_mem>>) src(%dma_wait3A_1994 : memref<4096x128xf32, #tpu.memory_space<hbm>>) dst(%dma_wait3A_1988 : memref<128x128xf32, #tpu.memory_space<vmem>>)
    %add3A_1995 = arith.constant 0 : i32
    %add3A_1996 = arith.addi %mul3A_2, %add3A_1995 : i32
    %dma_start3A_1997 = arith.constant 0 : i32
    %dma_start3A_1998 = arith.constant 0 : i32
    %dma_start3A_1999 = arith.constant 0 : i32
    %dma_start3A_2000 = tpu.memref_slice %arg7[%dma_start3A_1997, %dma_start3A_1998, %dma_start3A_1999] : memref<4x128x128xf32, #tpu.memory_space<vmem>> -> memref<1x128x128xf32, #tpu.memory_space<vmem>>
    %dma_start3A_2001 = tpu.memref_squeeze %dma_start3A_2000 : memref<1x128x128xf32, #tpu.memory_space<vmem>> -> memref<128x128xf32, #tpu.memory_space<vmem>>
    %dma_start3A_2002 = arith.constant 0 : i32
    %dma_start3A_2003 = tpu.memref_slice %arg4[%add3A_1996, %dma_start3A_2002] : memref<16384x128xf32, #tpu.memory_space<hbm>> -> memref<128x128xf32, #tpu.memory_space<hbm>>
    %dma_start3A_2004 = arith.constant 0 : i32
    %dma_start3A_2005 = tpu.memref_slice %arg4[%add3A_1996, %dma_start3A_2004] : memref<16384x128xf32, #tpu.memory_space<hbm>> -> memref<128x128xf32, #tpu.memory_space<hbm>>
    %dma_start3A_2006 = arith.constant 0 : i32
    %dma_start3A_2007 = arith.constant 0 : i32
    %dma_start3A_2008 = tpu.memref_slice %arg7[%dma_start3A_1997, %dma_start3A_2006, %dma_start3A_2007] : memref<4x128x128xf32, #tpu.memory_space<vmem>> -> memref<1x128x128xf32, #tpu.memory_space<vmem>>
    %dma_start3A_2009 = tpu.memref_squeeze %dma_start3A_2008 : memref<1x128x128xf32, #tpu.memory_space<vmem>> -> memref<128x128xf32, #tpu.memory_space<vmem>>
    tpu.enqueue_dma source(%dma_start3A_2009 : memref<128x128xf32, #tpu.memory_space<vmem>>) target(%dma_start3A_2005 : memref<128x128xf32, #tpu.memory_space<hbm>>) target_semaphore(%arg9 : memref<!tpu.dma_semaphore, #tpu.memory_space<semaphore_mem>>)
    %dma_wait3A_2010 = arith.constant 1 : i32
    %dma_wait3A_2011 = arith.constant 1 : i32
    %dma_wait3A_2012 = arith.constant 0 : i32
    %dma_wait3A_2013 = arith.constant 0 : i32
    %dma_wait3A_2014 = tpu.memref_slice %arg7[%dma_wait3A_2011, %dma_wait3A_2012, %dma_wait3A_2013] : memref<4x128x128xf32, #tpu.memory_space<vmem>> -> memref<1x128x128xf32, #tpu.memory_space<vmem>>
    %dma_wait3A_2015 = tpu.memref_squeeze %dma_wait3A_2014 : memref<1x128x128xf32, #tpu.memory_space<vmem>> -> memref<128x128xf32, #tpu.memory_space<vmem>>
    %dma_wait3A_2016 = arith.constant 0 : i32
    %dma_wait3A_2017 = tpu.memref_slice %arg6[%dma_wait3A_2010, %dma_wait3A_2016] : memref<4x128xi32, #tpu.memory_space<vmem>> -> memref<1x128xi32, #tpu.memory_space<vmem>>
    %dma_wait3A_2018 = tpu.memref_squeeze %dma_wait3A_2017 : memref<1x128xi32, #tpu.memory_space<vmem>> -> memref<128xi32, #tpu.memory_space<vmem>>
    %dma_wait3A_2019 = arith.constant 0 : i32
    %dma_wait3A_2020 = arith.constant 0 : i32
    %dma_wait3A_2021 = tpu.memref_slice %arg3[%dma_wait3A_2019, %dma_wait3A_2020] : memref<4096x128xf32, #tpu.memory_space<hbm>> -> memref<4096x128xf32, #tpu.memory_space<hbm>>
    tpu.wait_indirect_dma semaphore(%arg12 : memref<!tpu.dma_semaphore, #tpu.memory_space<semaphore_mem>>) src(%dma_wait3A_2021 : memref<4096x128xf32, #tpu.memory_space<hbm>>) dst(%dma_wait3A_2015 : memref<128x128xf32, #tpu.memory_space<vmem>>)
    %add3A_2022 = arith.constant 128 : i32
    %add3A_2023 = arith.addi %mul3A_2, %add3A_2022 : i32
    %dma_start3A_2024 = arith.constant 1 : i32
    %dma_start3A_2025 = arith.constant 0 : i32
    %dma_start3A_2026 = arith.constant 0 : i32
    %dma_start3A_2027 = tpu.memref_slice %arg7[%dma_start3A_2024, %dma_start3A_2025, %dma_start3A_2026] : memref<4x128x128xf32, #tpu.memory_space<vmem>> -> memref<1x128x128xf32, #tpu.memory_space<vmem>>
    %dma_start3A_2028 = tpu.memref_squeeze %dma_start3A_2027 : memref<1x128x128xf32, #tpu.memory_space<vmem>> -> memref<128x128xf32, #tpu.memory_space<vmem>>
    %dma_start3A_2029 = arith.constant 0 : i32
    %dma_start3A_2030 = tpu.memref_slice %arg4[%add3A_2023, %dma_start3A_2029] : memref<16384x128xf32, #tpu.memory_space<hbm>> -> memref<128x128xf32, #tpu.memory_space<hbm>>
    %dma_start3A_2031 = arith.constant 0 : i32
    %dma_start3A_2032 = tpu.memref_slice %arg4[%add3A_2023, %dma_start3A_2031] : memref<16384x128xf32, #tpu.memory_space<hbm>> -> memref<128x128xf32, #tpu.memory_space<hbm>>
    %dma_start3A_2033 = arith.constant 0 : i32
    %dma_start3A_2034 = arith.constant 0 : i32
    %dma_start3A_2035 = tpu.memref_slice %arg7[%dma_start3A_2024, %dma_start3A_2033, %dma_start3A_2034] : memref<4x128x128xf32, #tpu.memory_space<vmem>> -> memref<1x128x128xf32, #tpu.memory_space<vmem>>
    %dma_start3A_2036 = tpu.memref_squeeze %dma_start3A_2035 : memref<1x128x128xf32, #tpu.memory_space<vmem>> -> memref<128x128xf32, #tpu.memory_space<vmem>>
    tpu.enqueue_dma source(%dma_start3A_2036 : memref<128x128xf32, #tpu.memory_space<vmem>>) target(%dma_start3A_2032 : memref<128x128xf32, #tpu.memory_space<hbm>>) target_semaphore(%arg10 : memref<!tpu.dma_semaphore, #tpu.memory_space<semaphore_mem>>)
    %dma_wait3A_2037 = arith.constant 2 : i32
    %dma_wait3A_2038 = arith.constant 2 : i32
    %dma_wait3A_2039 = arith.constant 0 : i32
    %dma_wait3A_2040 = arith.constant 0 : i32
    %dma_wait3A_2041 = tpu.memref_slice %arg7[%dma_wait3A_2038, %dma_wait3A_2039, %dma_wait3A_2040] : memref<4x128x128xf32, #tpu.memory_space<vmem>> -> memref<1x128x128xf32, #tpu.memory_space<vmem>>
    %dma_wait3A_2042 = tpu.memref_squeeze %dma_wait3A_2041 : memref<1x128x128xf32, #tpu.memory_space<vmem>> -> memref<128x128xf32, #tpu.memory_space<vmem>>
    %dma_wait3A_2043 = arith.constant 0 : i32
    %dma_wait3A_2044 = tpu.memref_slice %arg6[%dma_wait3A_2037, %dma_wait3A_2043] : memref<4x128xi32, #tpu.memory_space<vmem>> -> memref<1x128xi32, #tpu.memory_space<vmem>>
    %dma_wait3A_2045 = tpu.memref_squeeze %dma_wait3A_2044 : memref<1x128xi32, #tpu.memory_space<vmem>> -> memref<128xi32, #tpu.memory_space<vmem>>
    %dma_wait3A_2046 = arith.constant 0 : i32
    %dma_wait3A_2047 = arith.constant 0 : i32
    %dma_wait3A_2048 = tpu.memref_slice %arg3[%dma_wait3A_2046, %dma_wait3A_2047] : memref<4096x128xf32, #tpu.memory_space<hbm>> -> memref<4096x128xf32, #tpu.memory_space<hbm>>
    tpu.wait_indirect_dma semaphore(%arg13 : memref<!tpu.dma_semaphore, #tpu.memory_space<semaphore_mem>>) src(%dma_wait3A_2048 : memref<4096x128xf32, #tpu.memory_space<hbm>>) dst(%dma_wait3A_2042 : memref<128x128xf32, #tpu.memory_space<vmem>>)
    %add3A_2049 = arith.constant 256 : i32
    %add3A_2050 = arith.addi %mul3A_2, %add3A_2049 : i32
    %dma_start3A_2051 = arith.constant 2 : i32
    %dma_start3A_2052 = arith.constant 0 : i32
    %dma_start3A_2053 = arith.constant 0 : i32
    %dma_start3A_2054 = tpu.memref_slice %arg7[%dma_start3A_2051, %dma_start3A_2052, %dma_start3A_2053] : memref<4x128x128xf32, #tpu.memory_space<vmem>> -> memref<1x128x128xf32, #tpu.memory_space<vmem>>
    %dma_start3A_2055 = tpu.memref_squeeze %dma_start3A_2054 : memref<1x128x128xf32, #tpu.memory_space<vmem>> -> memref<128x128xf32, #tpu.memory_space<vmem>>
    %dma_start3A_2056 = arith.constant 0 : i32
    %dma_start3A_2057 = tpu.memref_slice %arg4[%add3A_2050, %dma_start3A_2056] : memref<16384x128xf32, #tpu.memory_space<hbm>> -> memref<128x128xf32, #tpu.memory_space<hbm>>
    %dma_start3A_2058 = arith.constant 0 : i32
    %dma_start3A_2059 = tpu.memref_slice %arg4[%add3A_2050, %dma_start3A_2058] : memref<16384x128xf32, #tpu.memory_space<hbm>> -> memref<128x128xf32, #tpu.memory_space<hbm>>
    %dma_start3A_2060 = arith.constant 0 : i32
    %dma_start3A_2061 = arith.constant 0 : i32
    %dma_start3A_2062 = tpu.memref_slice %arg7[%dma_start3A_2051, %dma_start3A_2060, %dma_start3A_2061] : memref<4x128x128xf32, #tpu.memory_space<vmem>> -> memref<1x128x128xf32, #tpu.memory_space<vmem>>
    %dma_start3A_2063 = tpu.memref_squeeze %dma_start3A_2062 : memref<1x128x128xf32, #tpu.memory_space<vmem>> -> memref<128x128xf32, #tpu.memory_space<vmem>>
    tpu.enqueue_dma source(%dma_start3A_2063 : memref<128x128xf32, #tpu.memory_space<vmem>>) target(%dma_start3A_2059 : memref<128x128xf32, #tpu.memory_space<hbm>>) target_semaphore(%arg9 : memref<!tpu.dma_semaphore, #tpu.memory_space<semaphore_mem>>)
    %dma_wait3A_2064 = arith.constant 3 : i32
    %dma_wait3A_2065 = arith.constant 3 : i32
    %dma_wait3A_2066 = arith.constant 0 : i32
    %dma_wait3A_2067 = arith.constant 0 : i32
    %dma_wait3A_2068 = tpu.memref_slice %arg7[%dma_wait3A_2065, %dma_wait3A_2066, %dma_wait3A_2067] : memref<4x128x128xf32, #tpu.memory_space<vmem>> -> memref<1x128x128xf32, #tpu.memory_space<vmem>>
    %dma_wait3A_2069 = tpu.memref_squeeze %dma_wait3A_2068 : memref<1x128x128xf32, #tpu.memory_space<vmem>> -> memref<128x128xf32, #tpu.memory_space<vmem>>
    %dma_wait3A_2070 = arith.constant 0 : i32
    %dma_wait3A_2071 = tpu.memref_slice %arg6[%dma_wait3A_2064, %dma_wait3A_2070] : memref<4x128xi32, #tpu.memory_space<vmem>> -> memref<1x128xi32, #tpu.memory_space<vmem>>
    %dma_wait3A_2072 = tpu.memref_squeeze %dma_wait3A_2071 : memref<1x128xi32, #tpu.memory_space<vmem>> -> memref<128xi32, #tpu.memory_space<vmem>>
    %dma_wait3A_2073 = arith.constant 0 : i32
    %dma_wait3A_2074 = arith.constant 0 : i32
    %dma_wait3A_2075 = tpu.memref_slice %arg3[%dma_wait3A_2073, %dma_wait3A_2074] : memref<4096x128xf32, #tpu.memory_space<hbm>> -> memref<4096x128xf32, #tpu.memory_space<hbm>>
    tpu.wait_indirect_dma semaphore(%arg14 : memref<!tpu.dma_semaphore, #tpu.memory_space<semaphore_mem>>) src(%dma_wait3A_2075 : memref<4096x128xf32, #tpu.memory_space<hbm>>) dst(%dma_wait3A_2069 : memref<128x128xf32, #tpu.memory_space<vmem>>)
    %add3A_2076 = arith.constant 384 : i32
    %add3A_2077 = arith.addi %mul3A_2, %add3A_2076 : i32
    %dma_start3A_2078 = arith.constant 3 : i32
    %dma_start3A_2079 = arith.constant 0 : i32
    %dma_start3A_2080 = arith.constant 0 : i32
    %dma_start3A_2081 = tpu.memref_slice %arg7[%dma_start3A_2078, %dma_start3A_2079, %dma_start3A_2080] : memref<4x128x128xf32, #tpu.memory_space<vmem>> -> memref<1x128x128xf32, #tpu.memory_space<vmem>>
    %dma_start3A_2082 = tpu.memref_squeeze %dma_start3A_2081 : memref<1x128x128xf32, #tpu.memory_space<vmem>> -> memref<128x128xf32, #tpu.memory_space<vmem>>
    %dma_start3A_2083 = arith.constant 0 : i32
    %dma_start3A_2084 = tpu.memref_slice %arg4[%add3A_2077, %dma_start3A_2083] : memref<16384x128xf32, #tpu.memory_space<hbm>> -> memref<128x128xf32, #tpu.memory_space<hbm>>
    %dma_start3A_2085 = arith.constant 0 : i32
    %dma_start3A_2086 = tpu.memref_slice %arg4[%add3A_2077, %dma_start3A_2085] : memref<16384x128xf32, #tpu.memory_space<hbm>> -> memref<128x128xf32, #tpu.memory_space<hbm>>
    %dma_start3A_2087 = arith.constant 0 : i32
    %dma_start3A_2088 = arith.constant 0 : i32
    %dma_start3A_2089 = tpu.memref_slice %arg7[%dma_start3A_2078, %dma_start3A_2087, %dma_start3A_2088] : memref<4x128x128xf32, #tpu.memory_space<vmem>> -> memref<1x128x128xf32, #tpu.memory_space<vmem>>
    %dma_start3A_2090 = tpu.memref_squeeze %dma_start3A_2089 : memref<1x128x128xf32, #tpu.memory_space<vmem>> -> memref<128x128xf32, #tpu.memory_space<vmem>>
    tpu.enqueue_dma source(%dma_start3A_2090 : memref<128x128xf32, #tpu.memory_space<vmem>>) target(%dma_start3A_2086 : memref<128x128xf32, #tpu.memory_space<hbm>>) target_semaphore(%arg10 : memref<!tpu.dma_semaphore, #tpu.memory_space<semaphore_mem>>)
    %dma_wait3A_2091 = arith.constant 0 : i32
    %dma_wait3A_2092 = arith.constant 0 : i32
    %dma_wait3A_2093 = arith.constant 0 : i32
    %dma_wait3A_2094 = tpu.memref_slice %arg7[%dma_wait3A_2091, %dma_wait3A_2092, %dma_wait3A_2093] : memref<4x128x128xf32, #tpu.memory_space<vmem>> -> memref<1x128x128xf32, #tpu.memory_space<vmem>>
    %dma_wait3A_2095 = tpu.memref_squeeze %dma_wait3A_2094 : memref<1x128x128xf32, #tpu.memory_space<vmem>> -> memref<128x128xf32, #tpu.memory_space<vmem>>
    %dma_wait3A_2096 = arith.constant 0 : i32
    %dma_wait3A_2097 = tpu.memref_slice %arg4[%add3A_1996, %dma_wait3A_2096] : memref<16384x128xf32, #tpu.memory_space<hbm>> -> memref<128x128xf32, #tpu.memory_space<hbm>>
    %dma_wait3A_2098 = arith.constant 0 : i32
    %dma_wait3A_2099 = tpu.memref_slice %arg4[%add3A_1996, %dma_wait3A_2098] : memref<16384x128xf32, #tpu.memory_space<hbm>> -> memref<128x128xf32, #tpu.memory_space<hbm>>
    %dma_wait3A_2100 = arith.constant 0 : i32
    %dma_wait3A_2101 = arith.constant 0 : i32
    %dma_wait3A_2102 = tpu.memref_slice %arg7[%dma_wait3A_2091, %dma_wait3A_2100, %dma_wait3A_2101] : memref<4x128x128xf32, #tpu.memory_space<vmem>> -> memref<1x128x128xf32, #tpu.memory_space<vmem>>
    %dma_wait3A_2103 = tpu.memref_squeeze %dma_wait3A_2102 : memref<1x128x128xf32, #tpu.memory_space<vmem>> -> memref<128x128xf32, #tpu.memory_space<vmem>>
    tpu.wait_dma2 semaphore(%arg9 : memref<!tpu.dma_semaphore, #tpu.memory_space<semaphore_mem>>) src(%dma_wait3A_2103 : memref<128x128xf32, #tpu.memory_space<vmem>>) dst(%dma_wait3A_2099 : memref<128x128xf32, #tpu.memory_space<hbm>>)
    %dma_wait3A_2104 = arith.constant 1 : i32
    %dma_wait3A_2105 = arith.constant 0 : i32
    %dma_wait3A_2106 = arith.constant 0 : i32
    %dma_wait3A_2107 = tpu.memref_slice %arg7[%dma_wait3A_2104, %dma_wait3A_2105, %dma_wait3A_2106] : memref<4x128x128xf32, #tpu.memory_space<vmem>> -> memref<1x128x128xf32, #tpu.memory_space<vmem>>
    %dma_wait3A_2108 = tpu.memref_squeeze %dma_wait3A_2107 : memref<1x128x128xf32, #tpu.memory_space<vmem>> -> memref<128x128xf32, #tpu.memory_space<vmem>>
    %dma_wait3A_2109 = arith.constant 0 : i32
    %dma_wait3A_2110 = tpu.memref_slice %arg4[%add3A_2023, %dma_wait3A_2109] : memref<16384x128xf32, #tpu.memory_space<hbm>> -> memref<128x128xf32, #tpu.memory_space<hbm>>
    %dma_wait3A_2111 = arith.constant 0 : i32
    %dma_wait3A_2112 = tpu.memref_slice %arg4[%add3A_2023, %dma_wait3A_2111] : memref<16384x128xf32, #tpu.memory_space<hbm>> -> memref<128x128xf32, #tpu.memory_space<hbm>>
    %dma_wait3A_2113 = arith.constant 0 : i32
    %dma_wait3A_2114 = arith.constant 0 : i32
    %dma_wait3A_2115 = tpu.memref_slice %arg7[%dma_wait3A_2104, %dma_wait3A_2113, %dma_wait3A_2114] : memref<4x128x128xf32, #tpu.memory_space<vmem>> -> memref<1x128x128xf32, #tpu.memory_space<vmem>>
    %dma_wait3A_2116 = tpu.memref_squeeze %dma_wait3A_2115 : memref<1x128x128xf32, #tpu.memory_space<vmem>> -> memref<128x128xf32, #tpu.memory_space<vmem>>
    tpu.wait_dma2 semaphore(%arg10 : memref<!tpu.dma_semaphore, #tpu.memory_space<semaphore_mem>>) src(%dma_wait3A_2116 : memref<128x128xf32, #tpu.memory_space<vmem>>) dst(%dma_wait3A_2112 : memref<128x128xf32, #tpu.memory_space<hbm>>)
    %dma_wait3A_2117 = arith.constant 2 : i32
    %dma_wait3A_2118 = arith.constant 0 : i32
    %dma_wait3A_2119 = arith.constant 0 : i32
    %dma_wait3A_2120 = tpu.memref_slice %arg7[%dma_wait3A_2117, %dma_wait3A_2118, %dma_wait3A_2119] : memref<4x128x128xf32, #tpu.memory_space<vmem>> -> memref<1x128x128xf32, #tpu.memory_space<vmem>>
    %dma_wait3A_2121 = tpu.memref_squeeze %dma_wait3A_2120 : memref<1x128x128xf32, #tpu.memory_space<vmem>> -> memref<128x128xf32, #tpu.memory_space<vmem>>
    %dma_wait3A_2122 = arith.constant 0 : i32
    %dma_wait3A_2123 = tpu.memref_slice %arg4[%add3A_2050, %dma_wait3A_2122] : memref<16384x128xf32, #tpu.memory_space<hbm>> -> memref<128x128xf32, #tpu.memory_space<hbm>>
    %dma_wait3A_2124 = arith.constant 0 : i32
    %dma_wait3A_2125 = tpu.memref_slice %arg4[%add3A_2050, %dma_wait3A_2124] : memref<16384x128xf32, #tpu.memory_space<hbm>> -> memref<128x128xf32, #tpu.memory_space<hbm>>
    %dma_wait3A_2126 = arith.constant 0 : i32
    %dma_wait3A_2127 = arith.constant 0 : i32
    %dma_wait3A_2128 = tpu.memref_slice %arg7[%dma_wait3A_2117, %dma_wait3A_2126, %dma_wait3A_2127] : memref<4x128x128xf32, #tpu.memory_space<vmem>> -> memref<1x128x128xf32, #tpu.memory_space<vmem>>
    %dma_wait3A_2129 = tpu.memref_squeeze %dma_wait3A_2128 : memref<1x128x128xf32, #tpu.memory_space<vmem>> -> memref<128x128xf32, #tpu.memory_space<vmem>>
    tpu.wait_dma2 semaphore(%arg9 : memref<!tpu.dma_semaphore, #tpu.memory_space<semaphore_mem>>) src(%dma_wait3A_2129 : memref<128x128xf32, #tpu.memory_space<vmem>>) dst(%dma_wait3A_2125 : memref<128x128xf32, #tpu.memory_space<hbm>>)
    %dma_wait3A_2130 = arith.constant 3 : i32
    %dma_wait3A_2131 = arith.constant 0 : i32
    %dma_wait3A_2132 = arith.constant 0 : i32
    %dma_wait3A_2133 = tpu.memref_slice %arg7[%dma_wait3A_2130, %dma_wait3A_2131, %dma_wait3A_2132] : memref<4x128x128xf32, #tpu.memory_space<vmem>> -> memref<1x128x128xf32, #tpu.memory_space<vmem>>
    %dma_wait3A_2134 = tpu.memref_squeeze %dma_wait3A_2133 : memref<1x128x128xf32, #tpu.memory_space<vmem>> -> memref<128x128xf32, #tpu.memory_space<vmem>>
    %dma_wait3A_2135 = arith.constant 0 : i32
    %dma_wait3A_2136 = tpu.memref_slice %arg4[%add3A_2077, %dma_wait3A_2135] : memref<16384x128xf32, #tpu.memory_space<hbm>> -> memref<128x128xf32, #tpu.memory_space<hbm>>
    %dma_wait3A_2137 = arith.constant 0 : i32
    %dma_wait3A_2138 = tpu.memref_slice %arg4[%add3A_2077, %dma_wait3A_2137] : memref<16384x128xf32, #tpu.memory_space<hbm>> -> memref<128x128xf32, #tpu.memory_space<hbm>>
    %dma_wait3A_2139 = arith.constant 0 : i32
    %dma_wait3A_2140 = arith.constant 0 : i32
    %dma_wait3A_2141 = tpu.memref_slice %arg7[%dma_wait3A_2130, %dma_wait3A_2139, %dma_wait3A_2140] : memref<4x128x128xf32, #tpu.memory_space<vmem>> -> memref<1x128x128xf32, #tpu.memory_space<vmem>>
    %dma_wait3A_2142 = tpu.memref_squeeze %dma_wait3A_2141 : memref<1x128x128xf32, #tpu.memory_space<vmem>> -> memref<128x128xf32, #tpu.memory_space<vmem>>
    tpu.wait_dma2 semaphore(%arg10 : memref<!tpu.dma_semaphore, #tpu.memory_space<semaphore_mem>>) src(%dma_wait3A_2142 : memref<128x128xf32, #tpu.memory_space<vmem>>) dst(%dma_wait3A_2138 : memref<128x128xf32, #tpu.memory_space<hbm>>)
    return
  }
}

module attributes {stable_mosaic.version = 14 : i64} {
  func.func @_prep_body(%arg0: memref<128x32xf32, #tpu.memory_space<vmem>>, %arg1: memref<32x32xf32, #tpu.memory_space<vmem>>, %arg2: memref<32x32xf32, #tpu.memory_space<vmem>>, %arg3: memref<1x32xf32, #tpu.memory_space<vmem>>, %arg4: memref<1x61xi32, #tpu.memory_space<vmem>>, %arg5: memref<1x61xi32, #tpu.memory_space<vmem>>, %arg6: memref<4096x128xf32, #tpu.memory_space<vmem>>) attributes {dimension_semantics = [], scalar_prefetch = 0 : i64, scratch_operands = 0 : i64, tpu.core_type = #tpu.core_type<tc>} {
    %get3A = arith.constant 104 : index
    %get3A_0 = arith.constant 0 : index
    %get3A_1 = vector.load %arg0[%get3A, %get3A_0] : memref<128x32xf32, #tpu.memory_space<vmem>>, vector<24x32xf32>
    %get3A_2 = arith.constant 0 : index
    %get3A_3 = arith.constant 0 : index
    %get3A_4 = vector.load %arg1[%get3A_2, %get3A_3] : memref<32x32xf32, #tpu.memory_space<vmem>>, vector<32x32xf32>
    %dot_general3A = arith.constant dense<0.000000e+00> : vector<24x32xf32>
    %dot_general3A_5 = tpu.matmul %get3A_1, %get3A_4, %dot_general3A {dimension_numbers = #tpu.dot_dimension_numbers<[1], [0], [0], [1], [0, 0, 1, 1], [], []>, transpose_lhs_hint = false} : vector<24x32xf32>, vector<32x32xf32>, vector<24x32xf32> -> vector<24x32xf32>
    %get3A_6 = arith.constant 0 : index
    %get3A_7 = arith.constant 0 : index
    %get3A_8 = vector.load %arg2[%get3A_6, %get3A_7] : memref<32x32xf32, #tpu.memory_space<vmem>>, vector<32x32xf32>
    %dot_general3A_9 = arith.constant dense<0.000000e+00> : vector<24x32xf32>
    %dot_general3A_10 = tpu.matmul %get3A_1, %get3A_8, %dot_general3A_9 {dimension_numbers = #tpu.dot_dimension_numbers<[1], [0], [0], [1], [0, 0, 1, 1], [], []>, transpose_lhs_hint = false} : vector<24x32xf32>, vector<32x32xf32>, vector<24x32xf32> -> vector<24x32xf32>
    %get3A_11 = arith.constant 0 : index
    %get3A_12 = arith.constant 0 : index
    %get3A_13 = vector.load %arg4[%get3A_11, %get3A_12] : memref<1x61xi32, #tpu.memory_space<vmem>>, vector<1x61xi32>
    %get3A_14 = arith.constant 0 : index
    %get3A_15 = arith.constant 0 : index
    %get3A_16 = vector.load %arg5[%get3A_14, %get3A_15] : memref<1x61xi32, #tpu.memory_space<vmem>>, vector<1x61xi32>
    %iota3A = tpu.iota {dimensions = array<i32: 0>} : vector<4x61xi32>
    %add3A = arith.constant 28 : i32
    %add3A_17 = vector.broadcast %add3A : i32 to vector<4x61xi32>
    %add3A_18 = arith.addi %iota3A, %add3A_17 : vector<4x61xi32>
    %broadcast_in_dim3A = vector.shape_cast %get3A_16 : vector<1x61xi32> to vector<1x61xi32>
    %broadcast_in_dim3A_19 = vector.broadcast %broadcast_in_dim3A : vector<1x61xi32> to vector<4x61xi32>
    %eq3A = arith.cmpi eq, %broadcast_in_dim3A_19, %add3A_18 : vector<4x61xi32>
    %convert_element_type3A = arith.extui %eq3A : vector<4x61xi1> to vector<4x61xi32>
    %convert_element_type3A_20 = arith.sitofp %convert_element_type3A : vector<4x61xi32> to vector<4x61xf32>
    %iota3A_21 = tpu.iota {dimensions = array<i32: 0>} : vector<24x61xi32>
    %jit3A = arith.constant 4 : i32
    %div3A = vector.broadcast %jit3A : i32 to vector<24x61xi32>
    %div3A_22 = arith.divsi %iota3A_21, %div3A : vector<24x61xi32>
    %sign3A = arith.constant 0 : i32
    %sign3A_23 = vector.broadcast %sign3A : i32 to vector<24x61xi32>
    %sign3A_24 = arith.cmpi sgt, %iota3A_21, %sign3A_23 : vector<24x61xi32>
    %sign3A_25 = arith.extui %sign3A_24 : vector<24x61xi1> to vector<24x61xi32>
    %sign3A_26 = arith.constant 0 : i32
    %sign3A_27 = vector.broadcast %sign3A_26 : i32 to vector<24x61xi32>
    %sign3A_28 = arith.cmpi slt, %iota3A_21, %sign3A_27 : vector<24x61xi32>
    %sign3A_29 = arith.extui %sign3A_28 : vector<24x61xi1> to vector<24x61xi32>
    %sign3A_30 = arith.subi %sign3A_25, %sign3A_29 : vector<24x61xi32>
    %sign3A_31 = arith.constant 0 : i32
    %sign3A_32 = arith.cmpi sgt, %jit3A, %sign3A_31 : i32
    %sign3A_33 = arith.extui %sign3A_32 : i1 to i32
    %sign3A_34 = arith.constant 0 : i32
    %sign3A_35 = arith.cmpi slt, %jit3A, %sign3A_34 : i32
    %sign3A_36 = arith.extui %sign3A_35 : i1 to i32
    %sign3A_37 = arith.subi %sign3A_33, %sign3A_36 : i32
    %ne3A = vector.broadcast %sign3A_37 : i32 to vector<24x61xi32>
    %ne3A_38 = arith.cmpi ne, %sign3A_30, %ne3A : vector<24x61xi32>
    %rem3A = vector.broadcast %jit3A : i32 to vector<24x61xi32>
    %rem3A_39 = arith.remsi %iota3A_21, %rem3A : vector<24x61xi32>
    %ne3A_40 = arith.constant 0 : i32
    %ne3A_41 = vector.broadcast %ne3A_40 : i32 to vector<24x61xi32>
    %ne3A_42 = arith.cmpi ne, %rem3A_39, %ne3A_41 : vector<24x61xi32>
    %and3A = arith.andi %ne3A_38, %ne3A_42 : vector<24x61xi1>
    %sub3A = arith.constant 1 : i32
    %sub3A_43 = vector.broadcast %sub3A : i32 to vector<24x61xi32>
    %sub3A_44 = arith.subi %div3A_22, %sub3A_43 : vector<24x61xi32>
    %select_n3A = arith.select %and3A, %sub3A_44, %div3A_22 : vector<24x61xi1>, vector<24x61xi32>
    %add3A_45 = arith.constant 26 : i32
    %add3A_46 = vector.broadcast %add3A_45 : i32 to vector<24x61xi32>
    %add3A_47 = arith.addi %select_n3A, %add3A_46 : vector<24x61xi32>
    %broadcast_in_dim3A_48 = vector.shape_cast %get3A_13 : vector<1x61xi32> to vector<1x61xi32>
    %broadcast_in_dim3A_49 = vector.broadcast %broadcast_in_dim3A_48 : vector<1x61xi32> to vector<24x61xi32>
    %eq3A_50 = arith.cmpi eq, %broadcast_in_dim3A_49, %add3A_47 : vector<24x61xi32>
    %convert_element_type3A_51 = arith.extui %eq3A_50 : vector<24x61xi1> to vector<24x61xi32>
    %convert_element_type3A_52 = arith.sitofp %convert_element_type3A_51 : vector<24x61xi32> to vector<24x61xf32>
    %dot_general3A_53 = arith.constant dense<0.000000e+00> : vector<24x4xf32>
    %dot_general3A_54 = tpu.matmul %convert_element_type3A_52, %convert_element_type3A_20, %dot_general3A_53 {dimension_numbers = #tpu.dot_dimension_numbers<[1], [1], [0], [0], [0, 0, 1, 0], [], []>, transpose_lhs_hint = false} : vector<24x61xf32>, vector<4x61xf32>, vector<24x4xf32> -> vector<24x4xf32>
    %broadcast_in_dim3A_55 = arith.constant 1.000000e+00 : f32
    %broadcast_in_dim3A_56 = vector.broadcast %broadcast_in_dim3A_55 : f32 to vector<1x61xf32>
    %dot_general3A_57 = arith.constant dense<0.000000e+00> : vector<1x4xf32>
    %dot_general3A_58 = tpu.matmul %broadcast_in_dim3A_56, %convert_element_type3A_20, %dot_general3A_57 {dimension_numbers = #tpu.dot_dimension_numbers<[1], [1], [0], [0], [0, 0, 1, 0], [], []>, transpose_lhs_hint = false} : vector<1x61xf32>, vector<4x61xf32>, vector<1x4xf32> -> vector<1x4xf32>
    %max3A = arith.constant 1.000000e+00 : f32
    %max3A_59 = vector.broadcast %max3A : f32 to vector<1x4xf32>
    %max3A_60 = arith.maximumf %dot_general3A_58, %max3A_59 : vector<1x4xf32>
    %div3A_61 = vector.broadcast %max3A_60 : vector<1x4xf32> to vector<24x4xf32>
    %div3A_62 = arith.divf %dot_general3A_54, %div3A_61 : vector<24x4xf32>
    %iota3A_63 = tpu.iota {dimensions = array<i32: 0>} : vector<24x4xi32>
    %jit3A_64 = arith.constant 4 : i32
    %div3A_65 = vector.broadcast %jit3A_64 : i32 to vector<24x4xi32>
    %div3A_66 = arith.divsi %iota3A_63, %div3A_65 : vector<24x4xi32>
    %sign3A_67 = arith.constant 0 : i32
    %sign3A_68 = vector.broadcast %sign3A_67 : i32 to vector<24x4xi32>
    %sign3A_69 = arith.cmpi sgt, %iota3A_63, %sign3A_68 : vector<24x4xi32>
    %sign3A_70 = arith.extui %sign3A_69 : vector<24x4xi1> to vector<24x4xi32>
    %sign3A_71 = arith.constant 0 : i32
    %sign3A_72 = vector.broadcast %sign3A_71 : i32 to vector<24x4xi32>
    %sign3A_73 = arith.cmpi slt, %iota3A_63, %sign3A_72 : vector<24x4xi32>
    %sign3A_74 = arith.extui %sign3A_73 : vector<24x4xi1> to vector<24x4xi32>
    %sign3A_75 = arith.subi %sign3A_70, %sign3A_74 : vector<24x4xi32>
    %sign3A_76 = arith.constant 0 : i32
    %sign3A_77 = arith.cmpi sgt, %jit3A_64, %sign3A_76 : i32
    %sign3A_78 = arith.extui %sign3A_77 : i1 to i32
    %sign3A_79 = arith.constant 0 : i32
    %sign3A_80 = arith.cmpi slt, %jit3A_64, %sign3A_79 : i32
    %sign3A_81 = arith.extui %sign3A_80 : i1 to i32
    %sign3A_82 = arith.subi %sign3A_78, %sign3A_81 : i32
    %ne3A_83 = vector.broadcast %sign3A_82 : i32 to vector<24x4xi32>
    %ne3A_84 = arith.cmpi ne, %sign3A_75, %ne3A_83 : vector<24x4xi32>
    %rem3A_85 = vector.broadcast %jit3A_64 : i32 to vector<24x4xi32>
    %rem3A_86 = arith.remsi %iota3A_63, %rem3A_85 : vector<24x4xi32>
    %ne3A_87 = arith.constant 0 : i32
    %ne3A_88 = vector.broadcast %ne3A_87 : i32 to vector<24x4xi32>
    %ne3A_89 = arith.cmpi ne, %rem3A_86, %ne3A_88 : vector<24x4xi32>
    %and3A_90 = arith.andi %ne3A_84, %ne3A_89 : vector<24x4xi1>
    %sub3A_91 = arith.constant 1 : i32
    %sub3A_92 = vector.broadcast %sub3A_91 : i32 to vector<24x4xi32>
    %sub3A_93 = arith.subi %div3A_66, %sub3A_92 : vector<24x4xi32>
    %select_n3A_94 = arith.select %and3A_90, %sub3A_93, %div3A_66 : vector<24x4xi1>, vector<24x4xi32>
    %add3A_95 = arith.constant 26 : i32
    %add3A_96 = vector.broadcast %add3A_95 : i32 to vector<24x4xi32>
    %add3A_97 = arith.addi %select_n3A_94, %add3A_96 : vector<24x4xi32>
    %iota3A_98 = tpu.iota {dimensions = array<i32: 1>} : vector<24x4xi32>
    %add3A_99 = arith.constant 28 : i32
    %add3A_100 = vector.broadcast %add3A_99 : i32 to vector<24x4xi32>
    %add3A_101 = arith.addi %iota3A_98, %add3A_100 : vector<24x4xi32>
    %eq3A_102 = arith.cmpi eq, %add3A_97, %add3A_101 : vector<24x4xi32>
    %convert_element_type3A_103 = arith.extui %eq3A_102 : vector<24x4xi1> to vector<24x4xi32>
    %convert_element_type3A_104 = arith.sitofp %convert_element_type3A_103 : vector<24x4xi32> to vector<24x4xf32>
    %slice3A = vector.extract_strided_slice %convert_element_type3A_104 {offsets = [0, 0], sizes = [24, 1], strides = [1, 1]} : vector<24x4xf32> to vector<24x1xf32>
    %mul3A = vector.broadcast %slice3A : vector<24x1xf32> to vector<24x32xf32>
    %mul3A_105 = arith.mulf %mul3A, %dot_general3A_5 : vector<24x32xf32>
    %slice3A_106 = vector.extract_strided_slice %div3A_62 {offsets = [0, 0], sizes = [24, 1], strides = [1, 1]} : vector<24x4xf32> to vector<24x1xf32>
    %mul3A_107 = vector.broadcast %slice3A_106 : vector<24x1xf32> to vector<24x32xf32>
    %mul3A_108 = arith.mulf %mul3A_107, %dot_general3A_10 : vector<24x32xf32>
    %add3A_109 = arith.addf %mul3A_105, %mul3A_108 : vector<24x32xf32>
    %slice3A_110 = vector.extract_strided_slice %convert_element_type3A_104 {offsets = [0, 1], sizes = [24, 1], strides = [1, 1]} : vector<24x4xf32> to vector<24x1xf32>
    %mul3A_111 = vector.broadcast %slice3A_110 : vector<24x1xf32> to vector<24x32xf32>
    %mul3A_112 = arith.mulf %mul3A_111, %dot_general3A_5 : vector<24x32xf32>
    %slice3A_113 = vector.extract_strided_slice %div3A_62 {offsets = [0, 1], sizes = [24, 1], strides = [1, 1]} : vector<24x4xf32> to vector<24x1xf32>
    %mul3A_114 = vector.broadcast %slice3A_113 : vector<24x1xf32> to vector<24x32xf32>
    %mul3A_115 = arith.mulf %mul3A_114, %dot_general3A_10 : vector<24x32xf32>
    %add3A_116 = arith.addf %mul3A_112, %mul3A_115 : vector<24x32xf32>
    %slice3A_117 = vector.extract_strided_slice %convert_element_type3A_104 {offsets = [0, 2], sizes = [24, 1], strides = [1, 1]} : vector<24x4xf32> to vector<24x1xf32>
    %mul3A_118 = vector.broadcast %slice3A_117 : vector<24x1xf32> to vector<24x32xf32>
    %mul3A_119 = arith.mulf %mul3A_118, %dot_general3A_5 : vector<24x32xf32>
    %slice3A_120 = vector.extract_strided_slice %div3A_62 {offsets = [0, 2], sizes = [24, 1], strides = [1, 1]} : vector<24x4xf32> to vector<24x1xf32>
    %mul3A_121 = vector.broadcast %slice3A_120 : vector<24x1xf32> to vector<24x32xf32>
    %mul3A_122 = arith.mulf %mul3A_121, %dot_general3A_10 : vector<24x32xf32>
    %add3A_123 = arith.addf %mul3A_119, %mul3A_122 : vector<24x32xf32>
    %slice3A_124 = vector.extract_strided_slice %convert_element_type3A_104 {offsets = [0, 3], sizes = [24, 1], strides = [1, 1]} : vector<24x4xf32> to vector<24x1xf32>
    %mul3A_125 = vector.broadcast %slice3A_124 : vector<24x1xf32> to vector<24x32xf32>
    %mul3A_126 = arith.mulf %mul3A_125, %dot_general3A_5 : vector<24x32xf32>
    %slice3A_127 = vector.extract_strided_slice %div3A_62 {offsets = [0, 3], sizes = [24, 1], strides = [1, 1]} : vector<24x4xf32> to vector<24x1xf32>
    %mul3A_128 = vector.broadcast %slice3A_127 : vector<24x1xf32> to vector<24x32xf32>
    %mul3A_129 = arith.mulf %mul3A_128, %dot_general3A_10 : vector<24x32xf32>
    %add3A_130 = arith.addf %mul3A_126, %mul3A_129 : vector<24x32xf32>
    %concatenate3A = tpu.concatenate %add3A_109, %add3A_116, %add3A_123, %add3A_130 in 1 : vector<24x32xf32>, vector<24x32xf32>, vector<24x32xf32>, vector<24x32xf32> -> vector<24x128xf32>
    %iota3A_131 = tpu.iota {dimensions = array<i32: 0>} : vector<64x24xi32>
    %iota3A_132 = tpu.iota {dimensions = array<i32: 1>} : vector<64x24xi32>
    %jit3A_133 = arith.constant 4 : i32
    %div3A_134 = vector.broadcast %jit3A_133 : i32 to vector<64x24xi32>
    %div3A_135 = arith.divsi %iota3A_132, %div3A_134 : vector<64x24xi32>
    %sign3A_136 = arith.constant 0 : i32
    %sign3A_137 = vector.broadcast %sign3A_136 : i32 to vector<64x24xi32>
    %sign3A_138 = arith.cmpi sgt, %iota3A_132, %sign3A_137 : vector<64x24xi32>
    %sign3A_139 = arith.extui %sign3A_138 : vector<64x24xi1> to vector<64x24xi32>
    %sign3A_140 = arith.constant 0 : i32
    %sign3A_141 = vector.broadcast %sign3A_140 : i32 to vector<64x24xi32>
    %sign3A_142 = arith.cmpi slt, %iota3A_132, %sign3A_141 : vector<64x24xi32>
    %sign3A_143 = arith.extui %sign3A_142 : vector<64x24xi1> to vector<64x24xi32>
    %sign3A_144 = arith.subi %sign3A_139, %sign3A_143 : vector<64x24xi32>
    %sign3A_145 = arith.constant 0 : i32
    %sign3A_146 = arith.cmpi sgt, %jit3A_133, %sign3A_145 : i32
    %sign3A_147 = arith.extui %sign3A_146 : i1 to i32
    %sign3A_148 = arith.constant 0 : i32
    %sign3A_149 = arith.cmpi slt, %jit3A_133, %sign3A_148 : i32
    %sign3A_150 = arith.extui %sign3A_149 : i1 to i32
    %sign3A_151 = arith.subi %sign3A_147, %sign3A_150 : i32
    %ne3A_152 = vector.broadcast %sign3A_151 : i32 to vector<64x24xi32>
    %ne3A_153 = arith.cmpi ne, %sign3A_144, %ne3A_152 : vector<64x24xi32>
    %rem3A_154 = vector.broadcast %jit3A_133 : i32 to vector<64x24xi32>
    %rem3A_155 = arith.remsi %iota3A_132, %rem3A_154 : vector<64x24xi32>
    %ne3A_156 = arith.constant 0 : i32
    %ne3A_157 = vector.broadcast %ne3A_156 : i32 to vector<64x24xi32>
    %ne3A_158 = arith.cmpi ne, %rem3A_155, %ne3A_157 : vector<64x24xi32>
    %and3A_159 = arith.andi %ne3A_153, %ne3A_158 : vector<64x24xi1>
    %sub3A_160 = arith.constant 1 : i32
    %sub3A_161 = vector.broadcast %sub3A_160 : i32 to vector<64x24xi32>
    %sub3A_162 = arith.subi %div3A_135, %sub3A_161 : vector<64x24xi32>
    %select_n3A_163 = arith.select %and3A_159, %sub3A_162, %div3A_135 : vector<64x24xi1>, vector<64x24xi32>
    %jit3A_164 = arith.constant 4 : i32
    %eq3A_165 = arith.constant 0 : i32
    %eq3A_166 = arith.cmpi eq, %jit3A_164, %eq3A_165 : i32
    %jit3A_167 = arith.constant 1 : i32
    %select_n3A_168 = arith.select %eq3A_166, %jit3A_167, %jit3A_164 : i32
    %rem3A_169 = vector.broadcast %select_n3A_168 : i32 to vector<64x24xi32>
    %rem3A_170 = arith.remsi %iota3A_132, %rem3A_169 : vector<64x24xi32>
    %ne3A_171 = arith.constant 0 : i32
    %ne3A_172 = vector.broadcast %ne3A_171 : i32 to vector<64x24xi32>
    %ne3A_173 = arith.cmpi ne, %rem3A_170, %ne3A_172 : vector<64x24xi32>
    %lt3A = arith.constant 0 : i32
    %lt3A_174 = vector.broadcast %lt3A : i32 to vector<64x24xi32>
    %lt3A_175 = arith.cmpi slt, %rem3A_170, %lt3A_174 : vector<64x24xi32>
    %lt3A_176 = arith.constant 0 : i32
    %lt3A_177 = arith.cmpi slt, %select_n3A_168, %lt3A_176 : i32
    %ne3A_178 = vector.broadcast %lt3A_177 : i1 to vector<64x24xi1>
    %ne3A_179 = vector.broadcast %ne3A_178 : vector<64x24xi1> to vector<64x24xi1>
    %ne3A_180 = arith.xori %lt3A_175, %ne3A_179 : vector<64x24xi1>
    %and3A_181 = arith.andi %ne3A_180, %ne3A_173 : vector<64x24xi1>
    %add3A_182 = vector.broadcast %select_n3A_168 : i32 to vector<64x24xi32>
    %add3A_183 = arith.addi %rem3A_170, %add3A_182 : vector<64x24xi32>
    %select_n3A_184 = arith.select %and3A_181, %add3A_183, %rem3A_170 : vector<64x24xi1>, vector<64x24xi32>
    %eq3A_185 = arith.constant 0 : i32
    %eq3A_186 = vector.broadcast %eq3A_185 : i32 to vector<64x24xi32>
    %eq3A_187 = arith.cmpi eq, %select_n3A_163, %eq3A_186 : vector<64x24xi32>
    %jit3A_188 = arith.constant 16 : i32
    %div3A_189 = vector.broadcast %jit3A_188 : i32 to vector<64x24xi32>
    %div3A_190 = arith.divsi %iota3A_131, %div3A_189 : vector<64x24xi32>
    %sign3A_191 = arith.constant 0 : i32
    %sign3A_192 = vector.broadcast %sign3A_191 : i32 to vector<64x24xi32>
    %sign3A_193 = arith.cmpi sgt, %iota3A_131, %sign3A_192 : vector<64x24xi32>
    %sign3A_194 = arith.extui %sign3A_193 : vector<64x24xi1> to vector<64x24xi32>
    %sign3A_195 = arith.constant 0 : i32
    %sign3A_196 = vector.broadcast %sign3A_195 : i32 to vector<64x24xi32>
    %sign3A_197 = arith.cmpi slt, %iota3A_131, %sign3A_196 : vector<64x24xi32>
    %sign3A_198 = arith.extui %sign3A_197 : vector<64x24xi1> to vector<64x24xi32>
    %sign3A_199 = arith.subi %sign3A_194, %sign3A_198 : vector<64x24xi32>
    %sign3A_200 = arith.constant 0 : i32
    %sign3A_201 = arith.cmpi sgt, %jit3A_188, %sign3A_200 : i32
    %sign3A_202 = arith.extui %sign3A_201 : i1 to i32
    %sign3A_203 = arith.constant 0 : i32
    %sign3A_204 = arith.cmpi slt, %jit3A_188, %sign3A_203 : i32
    %sign3A_205 = arith.extui %sign3A_204 : i1 to i32
    %sign3A_206 = arith.subi %sign3A_202, %sign3A_205 : i32
    %ne3A_207 = vector.broadcast %sign3A_206 : i32 to vector<64x24xi32>
    %ne3A_208 = arith.cmpi ne, %sign3A_199, %ne3A_207 : vector<64x24xi32>
    %rem3A_209 = vector.broadcast %jit3A_188 : i32 to vector<64x24xi32>
    %rem3A_210 = arith.remsi %iota3A_131, %rem3A_209 : vector<64x24xi32>
    %ne3A_211 = arith.constant 0 : i32
    %ne3A_212 = vector.broadcast %ne3A_211 : i32 to vector<64x24xi32>
    %ne3A_213 = arith.cmpi ne, %rem3A_210, %ne3A_212 : vector<64x24xi32>
    %and3A_214 = arith.andi %ne3A_208, %ne3A_213 : vector<64x24xi1>
    %sub3A_215 = arith.constant 1 : i32
    %sub3A_216 = vector.broadcast %sub3A_215 : i32 to vector<64x24xi32>
    %sub3A_217 = arith.subi %div3A_190, %sub3A_216 : vector<64x24xi32>
    %select_n3A_218 = arith.select %and3A_214, %sub3A_217, %div3A_190 : vector<64x24xi1>, vector<64x24xi32>
    %eq3A_219 = arith.cmpi eq, %select_n3A_184, %select_n3A_218 : vector<64x24xi32>
    %and3A_220 = arith.andi %eq3A_187, %eq3A_219 : vector<64x24xi1>
    %eq3A_221 = arith.constant 1 : i32
    %eq3A_222 = vector.broadcast %eq3A_221 : i32 to vector<64x24xi32>
    %eq3A_223 = arith.cmpi eq, %select_n3A_163, %eq3A_222 : vector<64x24xi32>
    %jit3A_224 = arith.constant 4 : i32
    %div3A_225 = vector.broadcast %jit3A_224 : i32 to vector<64x24xi32>
    %div3A_226 = arith.divsi %iota3A_131, %div3A_225 : vector<64x24xi32>
    %sign3A_227 = arith.constant 0 : i32
    %sign3A_228 = vector.broadcast %sign3A_227 : i32 to vector<64x24xi32>
    %sign3A_229 = arith.cmpi sgt, %iota3A_131, %sign3A_228 : vector<64x24xi32>
    %sign3A_230 = arith.extui %sign3A_229 : vector<64x24xi1> to vector<64x24xi32>
    %sign3A_231 = arith.constant 0 : i32
    %sign3A_232 = vector.broadcast %sign3A_231 : i32 to vector<64x24xi32>
    %sign3A_233 = arith.cmpi slt, %iota3A_131, %sign3A_232 : vector<64x24xi32>
    %sign3A_234 = arith.extui %sign3A_233 : vector<64x24xi1> to vector<64x24xi32>
    %sign3A_235 = arith.subi %sign3A_230, %sign3A_234 : vector<64x24xi32>
    %sign3A_236 = arith.constant 0 : i32
    %sign3A_237 = arith.cmpi sgt, %jit3A_224, %sign3A_236 : i32
    %sign3A_238 = arith.extui %sign3A_237 : i1 to i32
    %sign3A_239 = arith.constant 0 : i32
    %sign3A_240 = arith.cmpi slt, %jit3A_224, %sign3A_239 : i32
    %sign3A_241 = arith.extui %sign3A_240 : i1 to i32
    %sign3A_242 = arith.subi %sign3A_238, %sign3A_241 : i32
    %ne3A_243 = vector.broadcast %sign3A_242 : i32 to vector<64x24xi32>
    %ne3A_244 = arith.cmpi ne, %sign3A_235, %ne3A_243 : vector<64x24xi32>
    %rem3A_245 = vector.broadcast %jit3A_224 : i32 to vector<64x24xi32>
    %rem3A_246 = arith.remsi %iota3A_131, %rem3A_245 : vector<64x24xi32>
    %ne3A_247 = arith.constant 0 : i32
    %ne3A_248 = vector.broadcast %ne3A_247 : i32 to vector<64x24xi32>
    %ne3A_249 = arith.cmpi ne, %rem3A_246, %ne3A_248 : vector<64x24xi32>
    %and3A_250 = arith.andi %ne3A_244, %ne3A_249 : vector<64x24xi1>
    %sub3A_251 = arith.constant 1 : i32
    %sub3A_252 = vector.broadcast %sub3A_251 : i32 to vector<64x24xi32>
    %sub3A_253 = arith.subi %div3A_226, %sub3A_252 : vector<64x24xi32>
    %select_n3A_254 = arith.select %and3A_250, %sub3A_253, %div3A_226 : vector<64x24xi1>, vector<64x24xi32>
    %jit3A_255 = arith.constant 4 : i32
    %eq3A_256 = arith.constant 0 : i32
    %eq3A_257 = arith.cmpi eq, %jit3A_255, %eq3A_256 : i32
    %jit3A_258 = arith.constant 1 : i32
    %select_n3A_259 = arith.select %eq3A_257, %jit3A_258, %jit3A_255 : i32
    %rem3A_260 = vector.broadcast %select_n3A_259 : i32 to vector<64x24xi32>
    %rem3A_261 = arith.remsi %select_n3A_254, %rem3A_260 : vector<64x24xi32>
    %ne3A_262 = arith.constant 0 : i32
    %ne3A_263 = vector.broadcast %ne3A_262 : i32 to vector<64x24xi32>
    %ne3A_264 = arith.cmpi ne, %rem3A_261, %ne3A_263 : vector<64x24xi32>
    %lt3A_265 = arith.constant 0 : i32
    %lt3A_266 = vector.broadcast %lt3A_265 : i32 to vector<64x24xi32>
    %lt3A_267 = arith.cmpi slt, %rem3A_261, %lt3A_266 : vector<64x24xi32>
    %lt3A_268 = arith.constant 0 : i32
    %lt3A_269 = arith.cmpi slt, %select_n3A_259, %lt3A_268 : i32
    %ne3A_270 = vector.broadcast %lt3A_269 : i1 to vector<64x24xi1>
    %ne3A_271 = vector.broadcast %ne3A_270 : vector<64x24xi1> to vector<64x24xi1>
    %ne3A_272 = arith.xori %lt3A_267, %ne3A_271 : vector<64x24xi1>
    %and3A_273 = arith.andi %ne3A_272, %ne3A_264 : vector<64x24xi1>
    %add3A_274 = vector.broadcast %select_n3A_259 : i32 to vector<64x24xi32>
    %add3A_275 = arith.addi %rem3A_261, %add3A_274 : vector<64x24xi32>
    %select_n3A_276 = arith.select %and3A_273, %add3A_275, %rem3A_261 : vector<64x24xi1>, vector<64x24xi32>
    %eq3A_277 = arith.cmpi eq, %select_n3A_184, %select_n3A_276 : vector<64x24xi32>
    %and3A_278 = arith.andi %eq3A_223, %eq3A_277 : vector<64x24xi1>
    %or3A = arith.ori %and3A_220, %and3A_278 : vector<64x24xi1>
    %eq3A_279 = arith.constant 2 : i32
    %eq3A_280 = vector.broadcast %eq3A_279 : i32 to vector<64x24xi32>
    %eq3A_281 = arith.cmpi eq, %select_n3A_163, %eq3A_280 : vector<64x24xi32>
    %jit3A_282 = arith.constant 4 : i32
    %eq3A_283 = arith.constant 0 : i32
    %eq3A_284 = arith.cmpi eq, %jit3A_282, %eq3A_283 : i32
    %jit3A_285 = arith.constant 1 : i32
    %select_n3A_286 = arith.select %eq3A_284, %jit3A_285, %jit3A_282 : i32
    %rem3A_287 = vector.broadcast %select_n3A_286 : i32 to vector<64x24xi32>
    %rem3A_288 = arith.remsi %iota3A_131, %rem3A_287 : vector<64x24xi32>
    %ne3A_289 = arith.constant 0 : i32
    %ne3A_290 = vector.broadcast %ne3A_289 : i32 to vector<64x24xi32>
    %ne3A_291 = arith.cmpi ne, %rem3A_288, %ne3A_290 : vector<64x24xi32>
    %lt3A_292 = arith.constant 0 : i32
    %lt3A_293 = vector.broadcast %lt3A_292 : i32 to vector<64x24xi32>
    %lt3A_294 = arith.cmpi slt, %rem3A_288, %lt3A_293 : vector<64x24xi32>
    %lt3A_295 = arith.constant 0 : i32
    %lt3A_296 = arith.cmpi slt, %select_n3A_286, %lt3A_295 : i32
    %ne3A_297 = vector.broadcast %lt3A_296 : i1 to vector<64x24xi1>
    %ne3A_298 = vector.broadcast %ne3A_297 : vector<64x24xi1> to vector<64x24xi1>
    %ne3A_299 = arith.xori %lt3A_294, %ne3A_298 : vector<64x24xi1>
    %and3A_300 = arith.andi %ne3A_299, %ne3A_291 : vector<64x24xi1>
    %add3A_301 = vector.broadcast %select_n3A_286 : i32 to vector<64x24xi32>
    %add3A_302 = arith.addi %rem3A_288, %add3A_301 : vector<64x24xi32>
    %select_n3A_303 = arith.select %and3A_300, %add3A_302, %rem3A_288 : vector<64x24xi1>, vector<64x24xi32>
    %eq3A_304 = arith.cmpi eq, %select_n3A_184, %select_n3A_303 : vector<64x24xi32>
    %and3A_305 = arith.andi %eq3A_281, %eq3A_304 : vector<64x24xi1>
    %or3A_306 = arith.ori %or3A, %and3A_305 : vector<64x24xi1>
    %convert_element_type3A_307 = arith.extui %or3A_306 : vector<64x24xi1> to vector<64x24xi32>
    %convert_element_type3A_308 = arith.sitofp %convert_element_type3A_307 : vector<64x24xi32> to vector<64x24xf32>
    %eq3A_309 = arith.constant 3 : i32
    %eq3A_310 = vector.broadcast %eq3A_309 : i32 to vector<64x24xi32>
    %eq3A_311 = arith.cmpi eq, %select_n3A_163, %eq3A_310 : vector<64x24xi32>
    %jit3A_312 = arith.constant 16 : i32
    %div3A_313 = vector.broadcast %jit3A_312 : i32 to vector<64x24xi32>
    %div3A_314 = arith.divsi %iota3A_131, %div3A_313 : vector<64x24xi32>
    %sign3A_315 = arith.constant 0 : i32
    %sign3A_316 = vector.broadcast %sign3A_315 : i32 to vector<64x24xi32>
    %sign3A_317 = arith.cmpi sgt, %iota3A_131, %sign3A_316 : vector<64x24xi32>
    %sign3A_318 = arith.extui %sign3A_317 : vector<64x24xi1> to vector<64x24xi32>
    %sign3A_319 = arith.constant 0 : i32
    %sign3A_320 = vector.broadcast %sign3A_319 : i32 to vector<64x24xi32>
    %sign3A_321 = arith.cmpi slt, %iota3A_131, %sign3A_320 : vector<64x24xi32>
    %sign3A_322 = arith.extui %sign3A_321 : vector<64x24xi1> to vector<64x24xi32>
    %sign3A_323 = arith.subi %sign3A_318, %sign3A_322 : vector<64x24xi32>
    %sign3A_324 = arith.constant 0 : i32
    %sign3A_325 = arith.cmpi sgt, %jit3A_312, %sign3A_324 : i32
    %sign3A_326 = arith.extui %sign3A_325 : i1 to i32
    %sign3A_327 = arith.constant 0 : i32
    %sign3A_328 = arith.cmpi slt, %jit3A_312, %sign3A_327 : i32
    %sign3A_329 = arith.extui %sign3A_328 : i1 to i32
    %sign3A_330 = arith.subi %sign3A_326, %sign3A_329 : i32
    %ne3A_331 = vector.broadcast %sign3A_330 : i32 to vector<64x24xi32>
    %ne3A_332 = arith.cmpi ne, %sign3A_323, %ne3A_331 : vector<64x24xi32>
    %rem3A_333 = vector.broadcast %jit3A_312 : i32 to vector<64x24xi32>
    %rem3A_334 = arith.remsi %iota3A_131, %rem3A_333 : vector<64x24xi32>
    %ne3A_335 = arith.constant 0 : i32
    %ne3A_336 = vector.broadcast %ne3A_335 : i32 to vector<64x24xi32>
    %ne3A_337 = arith.cmpi ne, %rem3A_334, %ne3A_336 : vector<64x24xi32>
    %and3A_338 = arith.andi %ne3A_332, %ne3A_337 : vector<64x24xi1>
    %sub3A_339 = arith.constant 1 : i32
    %sub3A_340 = vector.broadcast %sub3A_339 : i32 to vector<64x24xi32>
    %sub3A_341 = arith.subi %div3A_314, %sub3A_340 : vector<64x24xi32>
    %select_n3A_342 = arith.select %and3A_338, %sub3A_341, %div3A_314 : vector<64x24xi1>, vector<64x24xi32>
    %eq3A_343 = arith.cmpi eq, %select_n3A_184, %select_n3A_342 : vector<64x24xi32>
    %and3A_344 = arith.andi %eq3A_311, %eq3A_343 : vector<64x24xi1>
    %eq3A_345 = arith.constant 4 : i32
    %eq3A_346 = vector.broadcast %eq3A_345 : i32 to vector<64x24xi32>
    %eq3A_347 = arith.cmpi eq, %select_n3A_163, %eq3A_346 : vector<64x24xi32>
    %jit3A_348 = arith.constant 4 : i32
    %div3A_349 = vector.broadcast %jit3A_348 : i32 to vector<64x24xi32>
    %div3A_350 = arith.divsi %iota3A_131, %div3A_349 : vector<64x24xi32>
    %sign3A_351 = arith.constant 0 : i32
    %sign3A_352 = vector.broadcast %sign3A_351 : i32 to vector<64x24xi32>
    %sign3A_353 = arith.cmpi sgt, %iota3A_131, %sign3A_352 : vector<64x24xi32>
    %sign3A_354 = arith.extui %sign3A_353 : vector<64x24xi1> to vector<64x24xi32>
    %sign3A_355 = arith.constant 0 : i32
    %sign3A_356 = vector.broadcast %sign3A_355 : i32 to vector<64x24xi32>
    %sign3A_357 = arith.cmpi slt, %iota3A_131, %sign3A_356 : vector<64x24xi32>
    %sign3A_358 = arith.extui %sign3A_357 : vector<64x24xi1> to vector<64x24xi32>
    %sign3A_359 = arith.subi %sign3A_354, %sign3A_358 : vector<64x24xi32>
    %sign3A_360 = arith.constant 0 : i32
    %sign3A_361 = arith.cmpi sgt, %jit3A_348, %sign3A_360 : i32
    %sign3A_362 = arith.extui %sign3A_361 : i1 to i32
    %sign3A_363 = arith.constant 0 : i32
    %sign3A_364 = arith.cmpi slt, %jit3A_348, %sign3A_363 : i32
    %sign3A_365 = arith.extui %sign3A_364 : i1 to i32
    %sign3A_366 = arith.subi %sign3A_362, %sign3A_365 : i32
    %ne3A_367 = vector.broadcast %sign3A_366 : i32 to vector<64x24xi32>
    %ne3A_368 = arith.cmpi ne, %sign3A_359, %ne3A_367 : vector<64x24xi32>
    %rem3A_369 = vector.broadcast %jit3A_348 : i32 to vector<64x24xi32>
    %rem3A_370 = arith.remsi %iota3A_131, %rem3A_369 : vector<64x24xi32>
    %ne3A_371 = arith.constant 0 : i32
    %ne3A_372 = vector.broadcast %ne3A_371 : i32 to vector<64x24xi32>
    %ne3A_373 = arith.cmpi ne, %rem3A_370, %ne3A_372 : vector<64x24xi32>
    %and3A_374 = arith.andi %ne3A_368, %ne3A_373 : vector<64x24xi1>
    %sub3A_375 = arith.constant 1 : i32
    %sub3A_376 = vector.broadcast %sub3A_375 : i32 to vector<64x24xi32>
    %sub3A_377 = arith.subi %div3A_350, %sub3A_376 : vector<64x24xi32>
    %select_n3A_378 = arith.select %and3A_374, %sub3A_377, %div3A_350 : vector<64x24xi1>, vector<64x24xi32>
    %jit3A_379 = arith.constant 4 : i32
    %eq3A_380 = arith.constant 0 : i32
    %eq3A_381 = arith.cmpi eq, %jit3A_379, %eq3A_380 : i32
    %jit3A_382 = arith.constant 1 : i32
    %select_n3A_383 = arith.select %eq3A_381, %jit3A_382, %jit3A_379 : i32
    %rem3A_384 = vector.broadcast %select_n3A_383 : i32 to vector<64x24xi32>
    %rem3A_385 = arith.remsi %select_n3A_378, %rem3A_384 : vector<64x24xi32>
    %ne3A_386 = arith.constant 0 : i32
    %ne3A_387 = vector.broadcast %ne3A_386 : i32 to vector<64x24xi32>
    %ne3A_388 = arith.cmpi ne, %rem3A_385, %ne3A_387 : vector<64x24xi32>
    %lt3A_389 = arith.constant 0 : i32
    %lt3A_390 = vector.broadcast %lt3A_389 : i32 to vector<64x24xi32>
    %lt3A_391 = arith.cmpi slt, %rem3A_385, %lt3A_390 : vector<64x24xi32>
    %lt3A_392 = arith.constant 0 : i32
    %lt3A_393 = arith.cmpi slt, %select_n3A_383, %lt3A_392 : i32
    %ne3A_394 = vector.broadcast %lt3A_393 : i1 to vector<64x24xi1>
    %ne3A_395 = vector.broadcast %ne3A_394 : vector<64x24xi1> to vector<64x24xi1>
    %ne3A_396 = arith.xori %lt3A_391, %ne3A_395 : vector<64x24xi1>
    %and3A_397 = arith.andi %ne3A_396, %ne3A_388 : vector<64x24xi1>
    %add3A_398 = vector.broadcast %select_n3A_383 : i32 to vector<64x24xi32>
    %add3A_399 = arith.addi %rem3A_385, %add3A_398 : vector<64x24xi32>
    %select_n3A_400 = arith.select %and3A_397, %add3A_399, %rem3A_385 : vector<64x24xi1>, vector<64x24xi32>
    %eq3A_401 = arith.cmpi eq, %select_n3A_184, %select_n3A_400 : vector<64x24xi32>
    %and3A_402 = arith.andi %eq3A_347, %eq3A_401 : vector<64x24xi1>
    %or3A_403 = arith.ori %and3A_344, %and3A_402 : vector<64x24xi1>
    %eq3A_404 = arith.constant 5 : i32
    %eq3A_405 = vector.broadcast %eq3A_404 : i32 to vector<64x24xi32>
    %eq3A_406 = arith.cmpi eq, %select_n3A_163, %eq3A_405 : vector<64x24xi32>
    %jit3A_407 = arith.constant 4 : i32
    %eq3A_408 = arith.constant 0 : i32
    %eq3A_409 = arith.cmpi eq, %jit3A_407, %eq3A_408 : i32
    %jit3A_410 = arith.constant 1 : i32
    %select_n3A_411 = arith.select %eq3A_409, %jit3A_410, %jit3A_407 : i32
    %rem3A_412 = vector.broadcast %select_n3A_411 : i32 to vector<64x24xi32>
    %rem3A_413 = arith.remsi %iota3A_131, %rem3A_412 : vector<64x24xi32>
    %ne3A_414 = arith.constant 0 : i32
    %ne3A_415 = vector.broadcast %ne3A_414 : i32 to vector<64x24xi32>
    %ne3A_416 = arith.cmpi ne, %rem3A_413, %ne3A_415 : vector<64x24xi32>
    %lt3A_417 = arith.constant 0 : i32
    %lt3A_418 = vector.broadcast %lt3A_417 : i32 to vector<64x24xi32>
    %lt3A_419 = arith.cmpi slt, %rem3A_413, %lt3A_418 : vector<64x24xi32>
    %lt3A_420 = arith.constant 0 : i32
    %lt3A_421 = arith.cmpi slt, %select_n3A_411, %lt3A_420 : i32
    %ne3A_422 = vector.broadcast %lt3A_421 : i1 to vector<64x24xi1>
    %ne3A_423 = vector.broadcast %ne3A_422 : vector<64x24xi1> to vector<64x24xi1>
    %ne3A_424 = arith.xori %lt3A_419, %ne3A_423 : vector<64x24xi1>
    %and3A_425 = arith.andi %ne3A_424, %ne3A_416 : vector<64x24xi1>
    %add3A_426 = vector.broadcast %select_n3A_411 : i32 to vector<64x24xi32>
    %add3A_427 = arith.addi %rem3A_413, %add3A_426 : vector<64x24xi32>
    %select_n3A_428 = arith.select %and3A_425, %add3A_427, %rem3A_413 : vector<64x24xi1>, vector<64x24xi32>
    %eq3A_429 = arith.cmpi eq, %select_n3A_184, %select_n3A_428 : vector<64x24xi32>
    %and3A_430 = arith.andi %eq3A_406, %eq3A_429 : vector<64x24xi1>
    %or3A_431 = arith.ori %or3A_403, %and3A_430 : vector<64x24xi1>
    %convert_element_type3A_432 = arith.extui %or3A_431 : vector<64x24xi1> to vector<64x24xi32>
    %convert_element_type3A_433 = arith.sitofp %convert_element_type3A_432 : vector<64x24xi32> to vector<64x24xf32>
    %dot_general3A_434 = arith.constant dense<0.000000e+00> : vector<64x128xf32>
    %dot_general3A_435 = tpu.matmul %convert_element_type3A_308, %concatenate3A, %dot_general3A_434 {dimension_numbers = #tpu.dot_dimension_numbers<[1], [0], [0], [1], [0, 0, 1, 1], [], []>, transpose_lhs_hint = false} : vector<64x24xf32>, vector<24x128xf32>, vector<64x128xf32> -> vector<64x128xf32>
    %dot_general3A_436 = arith.constant dense<0.000000e+00> : vector<64x128xf32>
    %dot_general3A_437 = tpu.matmul %convert_element_type3A_433, %concatenate3A, %dot_general3A_436 {dimension_numbers = #tpu.dot_dimension_numbers<[1], [0], [0], [1], [0, 0, 1, 1], [], []>, transpose_lhs_hint = false} : vector<64x24xf32>, vector<24x128xf32>, vector<64x128xf32> -> vector<64x128xf32>
    %get3A_438 = arith.constant 0 : index
    %get3A_439 = arith.constant 0 : index
    %get3A_440 = vector.load %arg3[%get3A_438, %get3A_439] : memref<1x32xf32, #tpu.memory_space<vmem>>, vector<1x32xf32>
    %concatenate3A_441 = tpu.concatenate %get3A_440, %get3A_440, %get3A_440, %get3A_440 in 1 : vector<1x32xf32>, vector<1x32xf32>, vector<1x32xf32>, vector<1x32xf32> -> vector<1x128xf32>
    %add3A_442 = vector.broadcast %concatenate3A_441 : vector<1x128xf32> to vector<64x128xf32>
    %add3A_443 = arith.addf %dot_general3A_435, %add3A_442 : vector<64x128xf32>
    %iota3A_444 = tpu.iota {dimensions = array<i32: 0>} : vector<4096x64xi32>
    %iota3A_445 = tpu.iota {dimensions = array<i32: 1>} : vector<4096x64xi32>
    %jit3A_446 = arith.constant 64 : i32
    %div3A_447 = vector.broadcast %jit3A_446 : i32 to vector<4096x64xi32>
    %div3A_448 = arith.divsi %iota3A_444, %div3A_447 : vector<4096x64xi32>
    %sign3A_449 = arith.constant 0 : i32
    %sign3A_450 = vector.broadcast %sign3A_449 : i32 to vector<4096x64xi32>
    %sign3A_451 = arith.cmpi sgt, %iota3A_444, %sign3A_450 : vector<4096x64xi32>
    %sign3A_452 = arith.extui %sign3A_451 : vector<4096x64xi1> to vector<4096x64xi32>
    %sign3A_453 = arith.constant 0 : i32
    %sign3A_454 = vector.broadcast %sign3A_453 : i32 to vector<4096x64xi32>
    %sign3A_455 = arith.cmpi slt, %iota3A_444, %sign3A_454 : vector<4096x64xi32>
    %sign3A_456 = arith.extui %sign3A_455 : vector<4096x64xi1> to vector<4096x64xi32>
    %sign3A_457 = arith.subi %sign3A_452, %sign3A_456 : vector<4096x64xi32>
    %sign3A_458 = arith.constant 0 : i32
    %sign3A_459 = arith.cmpi sgt, %jit3A_446, %sign3A_458 : i32
    %sign3A_460 = arith.extui %sign3A_459 : i1 to i32
    %sign3A_461 = arith.constant 0 : i32
    %sign3A_462 = arith.cmpi slt, %jit3A_446, %sign3A_461 : i32
    %sign3A_463 = arith.extui %sign3A_462 : i1 to i32
    %sign3A_464 = arith.subi %sign3A_460, %sign3A_463 : i32
    %ne3A_465 = vector.broadcast %sign3A_464 : i32 to vector<4096x64xi32>
    %ne3A_466 = arith.cmpi ne, %sign3A_457, %ne3A_465 : vector<4096x64xi32>
    %rem3A_467 = vector.broadcast %jit3A_446 : i32 to vector<4096x64xi32>
    %rem3A_468 = arith.remsi %iota3A_444, %rem3A_467 : vector<4096x64xi32>
    %ne3A_469 = arith.constant 0 : i32
    %ne3A_470 = vector.broadcast %ne3A_469 : i32 to vector<4096x64xi32>
    %ne3A_471 = arith.cmpi ne, %rem3A_468, %ne3A_470 : vector<4096x64xi32>
    %and3A_472 = arith.andi %ne3A_466, %ne3A_471 : vector<4096x64xi1>
    %sub3A_473 = arith.constant 1 : i32
    %sub3A_474 = vector.broadcast %sub3A_473 : i32 to vector<4096x64xi32>
    %sub3A_475 = arith.subi %div3A_448, %sub3A_474 : vector<4096x64xi32>
    %select_n3A_476 = arith.select %and3A_472, %sub3A_475, %div3A_448 : vector<4096x64xi1>, vector<4096x64xi32>
    %eq3A_477 = arith.cmpi eq, %select_n3A_476, %iota3A_445 : vector<4096x64xi32>
    %convert_element_type3A_478 = arith.extui %eq3A_477 : vector<4096x64xi1> to vector<4096x64xi32>
    %convert_element_type3A_479 = arith.sitofp %convert_element_type3A_478 : vector<4096x64xi32> to vector<4096x64xf32>
    %jit3A_480 = arith.constant 64 : i32
    %eq3A_481 = arith.constant 0 : i32
    %eq3A_482 = arith.cmpi eq, %jit3A_480, %eq3A_481 : i32
    %jit3A_483 = arith.constant 1 : i32
    %select_n3A_484 = arith.select %eq3A_482, %jit3A_483, %jit3A_480 : i32
    %rem3A_485 = vector.broadcast %select_n3A_484 : i32 to vector<4096x64xi32>
    %rem3A_486 = arith.remsi %iota3A_444, %rem3A_485 : vector<4096x64xi32>
    %ne3A_487 = arith.constant 0 : i32
    %ne3A_488 = vector.broadcast %ne3A_487 : i32 to vector<4096x64xi32>
    %ne3A_489 = arith.cmpi ne, %rem3A_486, %ne3A_488 : vector<4096x64xi32>
    %lt3A_490 = arith.constant 0 : i32
    %lt3A_491 = vector.broadcast %lt3A_490 : i32 to vector<4096x64xi32>
    %lt3A_492 = arith.cmpi slt, %rem3A_486, %lt3A_491 : vector<4096x64xi32>
    %lt3A_493 = arith.constant 0 : i32
    %lt3A_494 = arith.cmpi slt, %select_n3A_484, %lt3A_493 : i32
    %ne3A_495 = vector.broadcast %lt3A_494 : i1 to vector<4096x64xi1>
    %ne3A_496 = vector.broadcast %ne3A_495 : vector<4096x64xi1> to vector<4096x64xi1>
    %ne3A_497 = arith.xori %lt3A_492, %ne3A_496 : vector<4096x64xi1>
    %and3A_498 = arith.andi %ne3A_497, %ne3A_489 : vector<4096x64xi1>
    %add3A_499 = vector.broadcast %select_n3A_484 : i32 to vector<4096x64xi32>
    %add3A_500 = arith.addi %rem3A_486, %add3A_499 : vector<4096x64xi32>
    %select_n3A_501 = arith.select %and3A_498, %add3A_500, %rem3A_486 : vector<4096x64xi1>, vector<4096x64xi32>
    %eq3A_502 = arith.cmpi eq, %select_n3A_501, %iota3A_445 : vector<4096x64xi32>
    %convert_element_type3A_503 = arith.extui %eq3A_502 : vector<4096x64xi1> to vector<4096x64xi32>
    %convert_element_type3A_504 = arith.sitofp %convert_element_type3A_503 : vector<4096x64xi32> to vector<4096x64xf32>
    %dot_general3A_505 = arith.constant dense<0.000000e+00> : vector<4096x128xf32>
    %dot_general3A_506 = tpu.matmul %convert_element_type3A_479, %add3A_443, %dot_general3A_505 {dimension_numbers = #tpu.dot_dimension_numbers<[1], [0], [0], [1], [0, 0, 1, 1], [], []>, transpose_lhs_hint = false} : vector<4096x64xf32>, vector<64x128xf32>, vector<4096x128xf32> -> vector<4096x128xf32>
    %dot_general3A_507 = arith.constant dense<0.000000e+00> : vector<4096x128xf32>
    %dot_general3A_508 = tpu.matmul %convert_element_type3A_504, %dot_general3A_437, %dot_general3A_507 {dimension_numbers = #tpu.dot_dimension_numbers<[1], [0], [0], [1], [0, 0, 1, 1], [], []>, transpose_lhs_hint = false} : vector<4096x64xf32>, vector<64x128xf32>, vector<4096x128xf32> -> vector<4096x128xf32>
    %add3A_509 = arith.addf %dot_general3A_506, %dot_general3A_508 : vector<4096x128xf32>
    %mul3A_510 = arith.constant 0.00999999977 : f32
    %mul3A_511 = vector.broadcast %mul3A_510 : f32 to vector<4096x128xf32>
    %mul3A_512 = arith.mulf %add3A_509, %mul3A_511 : vector<4096x128xf32>
    %max3A_513 = arith.maximumf %add3A_509, %mul3A_512 : vector<4096x128xf32>
    %swap3A = arith.constant 0 : index
    %swap3A_514 = arith.constant 0 : index
    %swap3A_515 = vector.load %arg6[%swap3A, %swap3A_514] : memref<4096x128xf32, #tpu.memory_space<vmem>>, vector<4096x128xf32>
    tpu.vector_store %arg6[%swap3A, %swap3A_514], %max3A_513 {strides = array<i32>} : memref<4096x128xf32, #tpu.memory_space<vmem>>, vector<4096x128xf32>,
    return
  }
}

module attributes {stable_mosaic.version = 14 : i64} {
  func.func @_head_body(%arg0: i32, %arg1: memref<8192x128xf32, #tpu.memory_space<vmem>>, %arg2: memref<128x256xf32, #tpu.memory_space<vmem>>, %arg3: memref<1x256xf32, #tpu.memory_space<vmem>>, %arg4: memref<256x8xf32, #tpu.memory_space<vmem>>, %arg5: memref<8x1xf32, #tpu.memory_space<vmem>>, %arg6: memref<8x8192xf32, #tpu.memory_space<vmem>>) attributes {dimension_semantics = [#tpu.dimension_semantics<arbitrary>], iteration_bounds = array<i64: 2>, scalar_prefetch = 0 : i64, scratch_operands = 0 : i64, tpu.core_type = #tpu.core_type<tc>, window_params = [{transform_indices = @transform_0, window_bounds = array<i64: 8192, 128>}, {pipeline_mode = #tpu.pipeline_mode<synchronous>, transform_indices = @transform_1, window_bounds = array<i64: 128, 256>}, {pipeline_mode = #tpu.pipeline_mode<synchronous>, transform_indices = @transform_2, window_bounds = array<i64: 1, 256>}, {pipeline_mode = #tpu.pipeline_mode<synchronous>, transform_indices = @transform_3, window_bounds = array<i64: 256, 8>}, {pipeline_mode = #tpu.pipeline_mode<synchronous>, transform_indices = @transform_4, window_bounds = array<i64: 8, 1>}, {transform_indices = @transform_5, window_bounds = array<i64: 8, 8192>}]} {
    %get3A = arith.constant 0 : index
    %get3A_0 = arith.constant 0 : index
    %get3A_1 = vector.load %arg1[%get3A, %get3A_0] : memref<8192x128xf32, #tpu.memory_space<vmem>>, vector<8192x128xf32>
    %convert_element_type3A = arith.truncf %get3A_1 : vector<8192x128xf32> to vector<8192x128xbf16>
    %get3A_2 = arith.constant 0 : index
    %get3A_3 = arith.constant 0 : index
    %get3A_4 = vector.load %arg2[%get3A_2, %get3A_3] : memref<128x256xf32, #tpu.memory_space<vmem>>, vector<128x256xf32>
    %convert_element_type3A_5 = arith.truncf %get3A_4 : vector<128x256xf32> to vector<128x256xbf16>
    %dot_general3A = arith.constant dense<0.000000e+00> : vector<8192x256xf32>
    %dot_general3A_6 = tpu.matmul %convert_element_type3A, %convert_element_type3A_5, %dot_general3A {dimension_numbers = #tpu.dot_dimension_numbers<[1], [0], [0], [1], [0, 0, 1, 1], [], []>, transpose_lhs_hint = false} : vector<8192x128xbf16>, vector<128x256xbf16>, vector<8192x256xf32> -> vector<8192x256xf32>
    %get3A_7 = arith.constant 0 : index
    %get3A_8 = arith.constant 0 : index
    %get3A_9 = vector.load %arg3[%get3A_7, %get3A_8] : memref<1x256xf32, #tpu.memory_space<vmem>>, vector<1x256xf32>
    %add3A = vector.broadcast %get3A_9 : vector<1x256xf32> to vector<8192x256xf32>
    %add3A_10 = arith.addf %dot_general3A_6, %add3A : vector<8192x256xf32>
    %mul3A = arith.constant 0.00999999977 : f32
    %mul3A_11 = vector.broadcast %mul3A : f32 to vector<8192x256xf32>
    %mul3A_12 = arith.mulf %add3A_10, %mul3A_11 : vector<8192x256xf32>
    %max3A = arith.maximumf %add3A_10, %mul3A_12 : vector<8192x256xf32>
    %get3A_13 = arith.constant 0 : index
    %get3A_14 = arith.constant 0 : index
    %get3A_15 = vector.load %arg4[%get3A_13, %get3A_14] : memref<256x8xf32, #tpu.memory_space<vmem>>, vector<256x8xf32>
    %convert_element_type3A_16 = arith.truncf %get3A_15 : vector<256x8xf32> to vector<256x8xbf16>
    %convert_element_type3A_17 = arith.truncf %max3A : vector<8192x256xf32> to vector<8192x256xbf16>
    %dot_general3A_18 = arith.constant dense<0.000000e+00> : vector<8x8192xf32>
    %dot_general3A_19 = tpu.matmul %convert_element_type3A_16, %convert_element_type3A_17, %dot_general3A_18 {dimension_numbers = #tpu.dot_dimension_numbers<[0], [1], [1], [0], [0, 1, 1, 0], [], []>, transpose_lhs_hint = false} : vector<256x8xbf16>, vector<8192x256xbf16>, vector<8x8192xf32> -> vector<8x8192xf32>
    %get3A_20 = arith.constant 0 : index
    %get3A_21 = arith.constant 0 : index
    %get3A_22 = vector.load %arg5[%get3A_20, %get3A_21] : memref<8x1xf32, #tpu.memory_space<vmem>>, vector<8x1xf32>
    %add3A_23 = vector.broadcast %get3A_22 : vector<8x1xf32> to vector<8x8192xf32>
    %add3A_24 = arith.addf %dot_general3A_19, %add3A_23 : vector<8x8192xf32>
    %swap3A = arith.constant 0 : index
    %swap3A_25 = arith.constant 0 : index
    %swap3A_26 = vector.load %arg6[%swap3A, %swap3A_25] : memref<8x8192xf32, #tpu.memory_space<vmem>>, vector<8x8192xf32>
    tpu.vector_store %arg6[%swap3A, %swap3A_25], %add3A_24 {strides = array<i32>} : memref<8x8192xf32, #tpu.memory_space<vmem>>, vector<8x8192xf32>,
    return
  }
  func.func @transform_0(%arg0: i32) -> (i32, i32) {
    %c0_i32 = arith.constant 0 : i32
    %c0_i32_0 = arith.constant 0 : i32
    return %arg0, %c0_i32 : i32, i32
  }
  func.func @transform_1(%arg0: i32) -> (i32, i32) {
    %c0_i32 = arith.constant 0 : i32
    %c0_i32_0 = arith.constant 0 : i32
    %c0_i32_1 = arith.constant 0 : i32
    return %c0_i32, %c0_i32_0 : i32, i32
  }
  func.func @transform_2(%arg0: i32) -> (i32, i32) {
    %c0_i32 = arith.constant 0 : i32
    %c0_i32_0 = arith.constant 0 : i32
    %c0_i32_1 = arith.constant 0 : i32
    return %c0_i32, %c0_i32_0 : i32, i32
  }
  func.func @transform_3(%arg0: i32) -> (i32, i32) {
    %c0_i32 = arith.constant 0 : i32
    %c0_i32_0 = arith.constant 0 : i32
    %c0_i32_1 = arith.constant 0 : i32
    return %c0_i32, %c0_i32_0 : i32, i32
  }
  func.func @transform_4(%arg0: i32) -> (i32, i32) {
    %c0_i32 = arith.constant 0 : i32
    %c0_i32_0 = arith.constant 0 : i32
    %c0_i32_1 = arith.constant 0 : i32
    return %c0_i32, %c0_i32_0 : i32, i32
  }
  func.func @transform_5(%arg0: i32) -> (i32, i32) {
    %c0_i32 = arith.constant 0 : i32
    %c0_i32_0 = arith.constant 0 : i32
    return %c0_i32, %arg0 : i32, i32
  }
}

</mosaic_0001>

<sc_bundles>
// kernel: kernel.5.cloned.1.call-start
scs
__scs_entry_jumppad:
0x0: {  	(pc) =	sbr.rel $0x88, $3  }
0x1: {  	(tag) =	ssettag $0x0;
	lr =	simm.s32 $0x1  }
0x2: {  	[smem:$0x3F96] =	sst lr;
	_ =	strace $0xD0000000  }
0x3: {  	_ = 	snop  }
0x4: {  	_ = 	snop  }
0x5: {  	_ = 	snop  }
0x6: {  	_ = 	snop  }
0x7: {  	_ = 	snop  }
__scs_overlays_trampoline_lowered:
0x8: {  	[smem:$0x3FA5] =	sst s0  }
0x9: {  	[smem:$0x3FA6] =	sst s1  }
0xa: {  	[smem:$0x3FA7] =	sst s2  }
0xb: {  	[smem:$0x3FA8] =	sst s3  }
0xc: {  	[smem:$0x3FA9] =	sst s4  }
0xd: {  	[smem:$0x3FAA] =	sst s5  }
0xe: {  	[smem:$0x3FAB] =	sst s6  }
0xf: {  	[smem:$0x3FAC] =	sst s7  }
0x10: {  	[smem:$0x3FAD] =	sst s8  }
0x11: {  	[smem:$0x3FAE] =	sst s9;
	s0 =	simm.s32 @!p0 $0x0  }
0x12: {  	s1 =	sld [smem:$0x3F94];
	s0 =	simm.s32 @p0 $0x1  }
0x13: {  	[smem:$0x3FAF] =	sst s0;
	s0 =	simm.s32 @!p1 $0x0  }
0x14: {  	s2 =	sld [smem:$0x3F93];
	s0 =	simm.s32 @p1 $0x1  }
0x15: {  	[smem:$0x3FB0] =	sst s0;
	s0 =	simm.s32 @!p2 $0x0  }
0x16: {  	s3 =	sld [smem:$0x3FDB];
	s0 =	simm.s32 @p2 $0x1  }
0x17: {  	s4 =	simm.s32 $0x1BF5;
	[smem:$0x3FB2] =	sst s0  }
0x18: {  	s0 =	sld [smem:$0x3F95];
	_ =	swait.ge [sflag:s4], $0x0  }
0x19: {  	s7 =	sld [smem:$0x3F96]  }
0x1a: {  	s8 =	sadd.s32 $0xFFFFE003, lr  }
0x1b: {  	s9 =	sadd.s32 $0xFFFFFEF7, lr;
	s5 =	simm.s32 $0xFFFFFFFF;
	p2 =	slt.u32 s8, $0xFFFFF086  }
0x1c: {  	p1 =	slt.u32 s9, $0xF7A;
	s5 =	simm.s32 @!p2 $0x0  }
0x1d: {  	s5 =	simm.s32 @p1 $0x1;
	p0 =	seq.s32 s7, s2  }
0x1e: {  	s7 =	smul.u32 @!p0 $0xF7A, s2;
	p2 =	seq.s32 @!p0 s5, $0x0  }
0x1f: {  	s9 =	smul.u32 $0xF7A, s1;
	s8 =	simm.s32 @!p0 $0x1BF5;
	p2 =	por !p2, p0  }
0x20: {  	[sflag:s8] =	ssyncset.s32 @!p0 $0xFFFFF086;
	s6 =	sadd.s32 @!p0 s3, s7;
	s7 =	simm.s32 @!p0 $0x108  }
0x21: {  	s3 =	sadd.s32 s3, s9;
	s6 =	sadd.s32 @!p0 $0x88, s6;
	s7 =	simm.s32 @p2 $0x1082  }
0x22: {  	[simem:s7], [sflag:s8] =	dma.local @!p0 [hbm:s6], $0xF7A  }
0x23: {  	s9 =	sor.u32 $0xD0000000, s2;
	s6 =	simm.s32 $0x108;
	_ =	swait.ge @!p0 [sflag:s8], $0x0  }
0x24: {  	s3 =	sadd.s32 $0x88, s3;
	s6 =	simm.s32 @!p1 $0x1082;
	[sflag:s4] =	ssyncset.s32 $0xFFFFF086  }
0x25: {  	[simem:s6], [sflag:s4] =	dma.local [hbm:s3], $0xF7A  }
0x26: {  	[smem:$0x3F96] =	sst s1;
	(tag) =	ssettag s2;
	_ =	strace s9  }
0x27: {  	s1 =	sld [smem:$0x3FA6]  }
0x28: {  	s2 =	sld [smem:$0x3FA7]  }
0x29: {  	s4 =	sld [smem:$0x3FA9]  }
0x2a: {  	p0 =	seq.s32 s5, $0x0;
	s5 =	sld [smem:$0x3FAA]  }
0x2b: {  	s6 =	sld [smem:$0x3FAB]  }
0x2c: {  	s7 =	sld [smem:$0x3FAC]  }
0x2d: {  	s3 =	simm.s32 $0x108;
	s8 =	sld [smem:$0x3FAD]  }
0x2e: {  	s3 =	simm.s32 @!p0 $0x1082;
	s9 =	sld [smem:$0x3FAE]  }
0x2f: {  	lr =	sadd.s32 s0, s3;
	s0 =	sld [smem:$0x3FA5]  }
0x30: {  	s3 =	sld [smem:$0x3FA8]  }
0x31: {  	[smem:$0x3FB1] =	sst s10  }
0x32: {  	s10 =	sld [smem:$0x3FAF];
	_ =	sdelay $0x3  }
0x33: {  	p0 =	seq.s32 s10, $0x1;
	s10 =	sld [smem:$0x3FB1];
	_ =	sdelay $0x3  }
0x34: {  	[smem:$0x3FB1] =	sst s10  }
0x35: {  	s10 =	sld [smem:$0x3FB0];
	_ =	sdelay $0x3  }
0x36: {  	p1 =	seq.s32 s10, $0x1;
	s10 =	sld [smem:$0x3FB1];
	_ =	sdelay $0x3  }
0x37: {  	[smem:$0x3FB1] =	sst s10  }
0x38: {  	s10 =	sld [smem:$0x3FB2]  }
0x39: {  	_ = 	snop;
	(pc) =	sbr.ind lr, $3  }
0x3a: {  	_ = 	snop  }
0x3b: {  	_ = 	snop  }
0x3c: {  	p2 =	seq.s32 s10, $0x1;
	s10 =	sld [smem:$0x3FB1]  }
0x3d: {  	_ =	shalt  }
0x3e: {  	_ =	shalt  }
0x3f: {  	_ =	shalt  }
0x40: {  	_ =	shalt  }
0x41: {  	_ =	shalt  }
0x42: {  	_ =	shalt  }
0x43: {  	_ =	shalt  }
0x44: {  	_ =	shalt  }
0x45: {  	_ =	shalt  }
0x46: {  	_ =	shalt  }
0x47: {  	_ =	shalt  }
0x48: {  	_ =	shalt  }
0x49: {  	_ =	shalt  }
0x4a: {  	_ =	shalt  }
0x4b: {  	_ =	shalt  }
0x4c: {  	_ =	shalt  }
0x4d: {  	_ =	shalt  }
0x4e: {  	_ =	shalt  }
0x4f: {  	_ =	shalt  }
0x50: {  	_ =	shalt  }
0x51: {  	_ =	shalt  }
0x52: {  	_ =	shalt  }
0x53: {  	_ =	shalt  }
0x54: {  	_ =	shalt  }
0x55: {  	_ =	shalt  }
0x56: {  	_ =	shalt  }
0x57: {  	_ =	shalt  }
0x58: {  	_ =	shalt  }
0x59: {  	_ =	shalt  }
0x5a: {  	_ =	shalt  }
0x5b: {  	_ =	shalt  }
0x5c: {  	_ =	shalt  }
0x5d: {  	_ =	shalt  }
0x5e: {  	_ =	shalt  }
0x5f: {  	_ =	shalt  }
0x60: {  	_ =	shalt  }
0x61: {  	_ =	shalt  }
0x62: {  	_ =	shalt  }
0x63: {  	_ =	shalt  }
0x64: {  	_ =	shalt  }
0x65: {  	_ =	shalt  }
0x66: {  	_ =	shalt  }
0x67: {  	_ =	shalt  }
0x68: {  	_ =	shalt  }
0x69: {  	_ =	shalt  }
0x6a: {  	_ =	shalt  }
0x6b: {  	_ =	shalt  }
0x6c: {  	_ =	shalt  }
0x6d: {  	_ =	shalt  }
0x6e: {  	_ =	shalt  }
0x6f: {  	_ =	shalt  }
0x70: {  	_ =	shalt  }
0x71: {  	_ =	shalt  }
0x72: {  	_ =	shalt  }
0x73: {  	_ =	shalt  }
0x74: {  	_ =	shalt  }
0x75: {  	_ =	shalt  }
0x76: {  	_ =	shalt  }
0x77: {  	_ =	shalt  }
0x78: {  	_ =	shalt  }
0x79: {  	_ =	shalt  }
0x7a: {  	_ =	shalt  }
0x7b: {  	_ =	shalt  }
0x7c: {  	_ =	shalt  }
0x7d: {  	_ =	shalt  }
0x7e: {  	_ =	shalt  }
0x7f: {  	_ =	shalt  }
0x80: {  	_ =	shalt  }
0x81: {  	_ =	shalt  }
0x82: {  	_ =	shalt  }
0x83: {  	_ =	shalt  }
0x84: {  	_ =	shalt  }
0x85: {  	_ =	shalt  }
0x86: {  	_ =	shalt  }
0x87: {  	_ =	shalt  }
.Lfunc_end0:
.L_simem_size_0:
called_computation_lowered:
.L_overlay_start_0:
0x88: {  	s2 =	sld [smem:$0x3FD9]  }
0x89: {  	s3 =	sld [smem:$0x3FFE];
	_ =	sdelay $0x1  }
0x8a: {  	s1 =	srdreg.scid  }
0x8b: {  	s0 =	sand.u32 $0x1, s1  }
0x8c: {  	s17 =	sshll.u32 s0, $0xA;
	s2 =	sadd.s32 s3, s2  }
0x8d: {  	s2 =	sadd.s32 s2, s17  }
0x8e: {  	[smem:$0x3FBD] =	sst s2  }
0x8f: {  	_ = 	snop  }
0x90: {  	s2 =	sld [smem:$0x3FD0];
	(tm) =	ssettm $0x1  }
0x91: {  	s18 =	sld [smem:$0x3FFB];
	_ =	sdelay $0x3  }
0x92: {  	_ =	strace s18  }
0x93: {  	s3 =	sld [smem:$0x3FFC];
	_ =	sdelay $0x3  }
0x94: {  	_ =	strace s3  }
0x95: {  	s3 =	sld [smem:$0x3FFD];
	_ =	sdelay $0x3  }
0x96: {  	_ =	strace s3  }
0x97: {  	_ =	strace $0x8FFFFFFF  }
0x98: {  	s19 =	sld [smem:$0x3FDB];
	_ =	sdelay $0x1  }
0x99: {  	s4 =	simm.s32 $_scs_section_size  }
0x9a: {  	s5 =	simm.s32 $_size__tile_overlayer_lowered;
	s6 =	simm.s32 $_tile_overlayer_lowered  }
0x9b: {  	s22 =	simm.s32 $0x1BFF;
	s21 =	sshll.u32 s6, $0x1;
	s3 =	sadd.s32 s4, s19  }
0x9c: {  	s7 =	simm.s32 $0x0;
	s20 =	sshll.u32 s5, $0x1;
	s5 =	sadd.s32 s21, s3  }
0x9d: {  	[timem:s7], [sflag:s22] =	dma.local [hbm:s5], s20  }
0x9e: {  	_ =	swait.ge [sflag:s22], s20  }
0x9f: {  	s4 =	ssub.s32 $0x0, s20;
	[sflag:s22] =	ssyncset.done $0x0  }
0xa0: {  	[sflag:s22] =	ssyncadd.s32 s4;
	_ =	sdelay $0x1  }
0xa1: {  	s23 =	simm.s32 $0x1B8B  }
0xa2: {  	_ =	swait.ge [sflag:s23], $0x1  }
0xa3: {  	[sflag:s23] =	ssyncset.done $0x0  }
0xa4: {  	s25 =	simm.s32 $0x1B8E;
	s24 =	sld [smem:$0x3FFE];
	[sflag:s23] =	ssyncadd.s32 $0xFFFFFFFF  }
0xa5: {  	s26 =	simm.s32 $execute0_lowered;
	[smem:$0x3FD2] =	sst s25  }
0xa6: {  	s5 =	sshll.u32 s26, $0x1;
	_ =	strace $0x80000046;
	[dreg:$0x1] =	wrdreg $0xFFFFFFFF  }
0xa7: {  	s28 =	simm.s32 $_size_execute0_lowered;
	s3 =	sadd.s32 s3, s5;
	[dreg:$0x0] =	wrdreg $0x0  }
0xa8: {  	s5 =	sshll.u32 s28, $0x1;
	[dreg:$0x2] =	wrdreg s3  }
0xa9: {  	[dreg:$0x3] =	wrdreg s5  }
0xaa: {  	[dreg:$0x4] =	wrdreg $0xC0  }
0xab: {  	_ =	task [dreg:s7], $0x5FFFF  }
0xac: {  	[dreg:$0x1] =	wrdreg $0xFFFFFFFF  }
0xad: {  	[dreg:$0x0] =	wrdreg $0x60  }
0xae: {  	[dreg:$0x2] =	wrdreg s2  }
0xaf: {  	[dreg:$0x3] =	wrdreg s24  }
0xb0: {  	[dreg:$0x4] =	wrdreg $0x9  }
0xb1: {  	_ =	task.clear_ibuf [dreg:s7], $0x5FFFF;
	_ =	strace $0x90000046  }
0xb2: {  	s29 =	simm.s32 $0x9;
	_ =	strace $0x80000048  }
0xb3: {  	_ =	swait.ge [sflag:s29], $0x1  }
0xb4: {  	[sflag:s29] =	ssyncadd.s32 $0xFFFFFFFF  }
0xb5: {  	_ =	strace $0x90000048  }
0xb6: {  	_ =	sfence  }
0xb7: {  	s30 =	sld [smem:$0x0];
	_ =	sdelay $0x2  }
0xb8: {  	s31 =	sshll.u32 s1, $0xD;
	s1 =	sshrl.u32 s1, $0x2  }
0xb9: {  	s3 =	sand.u32 $0x4000, s31;
	s1 =	sadd.s32 s1, s30  }
0xba: {  	s0 =	sor.u32 s3, s0;
	s1 =	sshll.u32 s1, $0x11  }
0xbb: {  	s0 =	sor.u32 s1, s0  }
0xbc: {  	s0 =	sadd.s32 $0x8F2B, s0  }
0xbd: {  	[sflag:s0] =	ssyncadd.remote.s32 $0x1  }
0xbe: {  	_ =	sfence.sel $0xFFFF  }
0xbf: {  	[dreg:$0x0] =	wrdreg $0xFFFFFFFF;
	(pc) =	sbr.abs _section_cstart, $3  }
0xc0: {  	[dreg:$0x1] =	wrdreg $0xFFFFFFFF  }
0xc1: {  	_ =	task.clear_ibuf [dreg:s7], $0x2FFFF;
	_ =	strace $0x9FFFFFFF  }
0xc2: {  	(tm) =	ssettm $0x7FFFFFFF  }
0xc3: {  	_ =	shalt  }
tec
execute0_lowered:
.L_overlay_start_1:
0x0: {  	(tag) =	ssettag $0x1  }
0x1: {  	s1 =	srdreg.scid  }
0x2: {  	s0 =	stileid.u32;
	s1 =	sand.u32 $0x1, s1  }
0x3: {  	s5 =	sshll.u32 s0, $0xA;
	s6 =	sshll.u32 s1, $0x9  }
0x4: {  	s3 =	rddreg [dreg:$0x0];
	s5 =	sor.u32 s6, s5  }
0x5: {  	s4 =	rddreg [dreg:$0x1];
	s2 =	simm.s32 $0x0;
	s3 =	sadd.s32 s3, s5  }
0x6: {  	[smem:$0x7FF] =	sst s2;
	s10 =	sadd.s32 $0x10, s3  }
0x7: {  	_ =	strace $0x80000047;
	s11 =	sadd.s32 $0x20, s3;
	[dreg:$0xa] =	wrdreg s10  }
0x8: {  	s12 =	sadd.s32 $0x30, s3;
	[dreg:$0xe] =	wrdreg s11  }
0x9: {  	s13 =	sadd.s32 $0x40, s3;
	[dreg:$0x12] =	wrdreg s12  }
0xa: {  	s14 =	sadd.s32 $0x50, s3;
	[dreg:$0x16] =	wrdreg s13  }
0xb: {  	s18 =	sadd.s32 $0x80, s3;
	[dreg:$0x1a] =	wrdreg s14  }
0xc: {  	s19 =	sadd.s32 $0x100, s3;
	[dreg:$0x7] =	wrdreg s18  }
0xd: {  	s20 =	sadd.s32 $0x180, s3;
	[dreg:$0x8] =	wrdreg s19  }
0xe: {  	s21 =	sadd.s32 $0x90, s3;
	[dreg:$0x9] =	wrdreg s20  }
0xf: {  	s22 =	sadd.s32 $0x110, s3;
	[dreg:$0xb] =	wrdreg s21  }
0x10: {  	s23 =	sadd.s32 $0x190, s3;
	[dreg:$0xc] =	wrdreg s22  }
0x11: {  	s24 =	sadd.s32 $0xA0, s3;
	[dreg:$0xd] =	wrdreg s23  }
0x12: {  	s25 =	sadd.s32 $0x120, s3;
	[dreg:$0xf] =	wrdreg s24  }
0x13: {  	s26 =	sadd.s32 $0x1A0, s3;
	[dreg:$0x10] =	wrdreg s25  }
0x14: {  	s0 =	sadd.s32 $0xB0, s3;
	[dreg:$0x11] =	wrdreg s26  }
0x15: {  	s6 =	sadd.s32 $0x130, s3;
	[dreg:$0x13] =	wrdreg s0  }
0x16: {  	s7 =	sadd.s32 $0x1B0, s3;
	[dreg:$0x14] =	wrdreg s6  }
0x17: {  	s5 =	sshll.u32 s5, $0x4;
	s8 =	sadd.s32 $0xC0, s3;
	[dreg:$0x15] =	wrdreg s7  }
0x18: {  	s5 =	sadd.s32 s5, s4;
	s9 =	sadd.s32 $0x140, s3;
	[dreg:$0x17] =	wrdreg s8  }
0x19: {  	s15 =	sadd.s32 $0x11C00, s5;
	[dreg:$0x18] =	wrdreg s9  }
0x1a: {  	s16 =	sadd.s32 $0x12400, s5;
	[dreg:$0x3] =	wrdreg s15  }
0x1b: {  	s17 =	sadd.s32 $0x12C00, s5;
	[dreg:$0x4] =	wrdreg s16  }
0x1c: {  	s5 =	sadd.s32 $0x13400, s5;
	[dreg:$0x5] =	wrdreg s17  }
0x1d: {  	s10 =	sadd.s32 $0x1C0, s3;
	[dreg:$0x6] =	wrdreg s5  }
0x1e: {  	s11 =	sadd.s32 $0xD0, s3;
	[dreg:$0x19] =	wrdreg s10  }
0x1f: {  	s28 =	simm.s32 $0x5;
	s12 =	sadd.s32 $0x150, s3;
	[dreg:$0x1b] =	wrdreg s11  }
0x20: {  	s29 =	simm.s32 $0x6;
	s13 =	sadd.s32 $0x1D0, s3;
	[dreg:$0x1c] =	wrdreg s12  }
0x21: {  	s30 =	simm.s32 $0x7;
	s14 =	simm.s32 $0x400;
	[dreg:$0x1d] =	wrdreg s13  }
0x22: {  	s31 =	simm.s32 $0x2;
	s18 =	simm.s32 $0x880;
	[dreg:$0x1e] =	wrdreg s14  }
0x23: {  	s1 =	ssub.s32 $0x2, s1;
	s19 =	simm.s32 $0xC80;
	[smem:$0x7F6] =	sst s18  }
0x24: {  	s4 =	sadd.s32 $0x1C00, s4;
	s20 =	simm.s32 $0x100;
	[smem:$0x7F7] =	sst s19  }
0x25: {  	s21 =	simm.s32 $0x500;
	s22 =	simm.s32 $0x900;
	[smem:$0x7F8] =	sst s20  }
0x26: {  	s23 =	sshrl.u32 s1, $0x1;
	s24 =	simm.s32 $0xD00;
	[smem:$0x7F9] =	sst s21  }
0x27: {  	s25 =	simm.s32 $0x180;
	s26 =	simm.s32 $0x580;
	[smem:$0x7FA] =	sst s22  }
0x28: {  	s6 =	simm.s32 $0x80;
	s15 =	simm.s32 $0x800;
	[smem:$0x7FB] =	sst s24  }
0x29: {  	s16 =	simm.s32 $0xC00;
	s17 =	simm.s32 $0x480;
	[smem:$0x7FC] =	sst s25  }
0x2a: {  	s1 =	ssub.s32 s1, s23;
	[smem:$0x7FD] =	sst s26;
	s10 =	simm.s32 $0x600  }
0x2b: {  	s11 =	simm.s32 $0xA00;
	s12 =	simm.s32 $0xE00;
	s13 =	simm.s32 $0x280  }
0x2c: {  	s14 =	simm.s32 $0x680;
	s18 =	simm.s32 $0x1000;
	s19 =	simm.s32 $0x1200  }
0x2d: {  	s20 =	simm.s32 $0x1080;
	s21 =	simm.s32 $0x5200;
	s22 =	simm.s32 $0x1100  }
0x2e: {  	s23 =	simm.s32 $0x9200;
	s24 =	simm.s32 $0x1180;
	[dreg:$0x1f] =	wrdreg s15  }
0x2f: {  	s25 =	simm.s32 $0xD200;
	s26 =	simm.s32 $0x4;
	[smem:$0x7F4] =	sst s16  }
0x30: {  	[smem:$0x7F5] =	sst s17;
	s5 =	smax.u32 s1, $0x1;
	s15 =	simm.s32 $0xA80  }
0x31: {  	s16 =	simm.s32 $0xE80;
	s17 =	simm.s32 $0x1;
	s1 =	simm.s32 $0x3  }
.LBB2_1:
0x32: {  	s0 =	rddreg [dreg:$0x7]  }
0x33: {  	s7 =	rddreg [dreg:$0x1e]  }
0x34: {  	[tilespmem:s2], [sflag:$0x1] =	stream.linear.gather [hbm4b:s3+s2], $0x80, $0x38;
	[tilespmem:$0x11200] =	vst v63  }
0x35: {  	s8 =	rddreg [dreg:$0x9]  }
0x36: {  	s9 =	sld [smem:$0x7F4]  }
0x37: {  	[tilespmem:s7], [sflag:$0x1] =	stream.linear.gather [hbm4b:s0+s2], $0x80, $0x38;
	[tilespmem:$0x11200] =	vst v63  }
0x38: {  	s0 =	rddreg [dreg:$0x8]  }
0x39: {  	s7 =	rddreg [dreg:$0x1f]  }
0x3a: {  	[tilespmem:s7], [sflag:$0x1] =	stream.linear.gather [hbm4b:s0+s2], $0x80, $0x38;
	[tilespmem:$0x11200] =	vst v63  }
0x3b: {  	s7 =	rddreg [dreg:$0xa]  }
0x3c: {  	s0 =	rddreg [dreg:$0xc]  }
0x3d: {  	[tilespmem:s9], [sflag:$0x1] =	stream.linear.gather [hbm4b:s8+s2], $0x80, $0x38;
	[tilespmem:$0x11200] =	vst v63  }
0x3e: {  	s8 =	rddreg [dreg:$0xb]  }
0x3f: {  	s9 =	sld [smem:$0x7F5]  }
0x40: {  	[tilespmem:s6], [sflag:$0x1] =	stream.linear.gather [hbm4b:s7+s2], $0x80, $0x38;
	[tilespmem:$0x11200] =	vst v63  }
0x41: {  	s7 =	sld [smem:$0x7F6]  }
0x42: {  	[tilespmem:s9], [sflag:$0x1] =	stream.linear.gather [hbm4b:s8+s2], $0x80, $0x38;
	[tilespmem:$0x11200] =	vst v63  }
0x43: {  	s8 =	rddreg [dreg:$0xd]  }
0x44: {  	s9 =	sld [smem:$0x7F7]  }
0x45: {  	[tilespmem:s7], [sflag:$0x1] =	stream.linear.gather [hbm4b:s0+s2], $0x80, $0x38;
	[tilespmem:$0x11200] =	vst v63  }
0x46: {  	s0 =	rddreg [dreg:$0xe]  }
0x47: {  	s7 =	sld [smem:$0x7F8]  }
0x48: {  	[tilespmem:s9], [sflag:$0x1] =	stream.linear.gather [hbm4b:s8+s2], $0x80, $0x38;
	[tilespmem:$0x11200] =	vst v63  }
0x49: {  	s8 =	rddreg [dreg:$0xf]  }
0x4a: {  	s9 =	sld [smem:$0x7F9]  }
0x4b: {  	[tilespmem:s7], [sflag:$0x1] =	stream.linear.gather [hbm4b:s0+s2], $0x80, $0x38;
	[tilespmem:$0x11200] =	vst v63  }
0x4c: {  	s0 =	rddreg [dreg:$0x10]  }
0x4d: {  	s7 =	sld [smem:$0x7FA]  }
0x4e: {  	[tilespmem:s9], [sflag:$0x1] =	stream.linear.gather [hbm4b:s8+s2], $0x80, $0x38;
	[tilespmem:$0x11200] =	vst v63  }
0x4f: {  	s8 =	rddreg [dreg:$0x11]  }
0x50: {  	s9 =	sld [smem:$0x7FB]  }
0x51: {  	[tilespmem:s7], [sflag:$0x1] =	stream.linear.gather [hbm4b:s0+s2], $0x80, $0x38;
	[tilespmem:$0x11200] =	vst v63  }
0x52: {  	s0 =	rddreg [dreg:$0x12]  }
0x53: {  	s7 =	sld [smem:$0x7FC]  }
0x54: {  	[tilespmem:s9], [sflag:$0x1] =	stream.linear.gather [hbm4b:s8+s2], $0x80, $0x38;
	[tilespmem:$0x11200] =	vst v63  }
0x55: {  	s9 =	sld [smem:$0x7FD]  }
0x56: {  	[tilespmem:s7], [sflag:$0x1] =	stream.linear.gather [hbm4b:s0+s2], $0x80, $0x38;
	[tilespmem:$0x11200] =	vst v63  }
0x57: {  	s8 =	rddreg [dreg:$0x13]  }
0x58: {  	[tilespmem:s9], [sflag:$0x1] =	stream.linear.gather [hbm4b:s8+s2], $0x80, $0x38;
	[tilespmem:$0x11200] =	vst v63  }
0x59: {  	s0 =	rddreg [dreg:$0x14];
	s9 =	simm.s32 $0x980  }
0x5a: {  	[tilespmem:s9], [sflag:$0x1] =	stream.linear.gather [hbm4b:s0+s2], $0x80, $0x38;
	[tilespmem:$0x11200] =	vst v63  }
0x5b: {  	s7 =	rddreg [dreg:$0x15];
	s9 =	simm.s32 $0xD80  }
0x5c: {  	[tilespmem:s9], [sflag:$0x1] =	stream.linear.gather [hbm4b:s7+s2], $0x80, $0x38;
	[tilespmem:$0x11200] =	vst v63  }
0x5d: {  	s0 =	rddreg [dreg:$0x16];
	s9 =	simm.s32 $0x200  }
0x5e: {  	[tilespmem:s9], [sflag:$0x1] =	stream.linear.gather [hbm4b:s0+s2], $0x80, $0x38;
	[tilespmem:$0x11200] =	vst v63  }
0x5f: {  	s7 =	rddreg [dreg:$0x17]  }
0x60: {  	[tilespmem:s10], [sflag:$0x1] =	stream.linear.gather [hbm4b:s7+s2], $0x80, $0x38;
	[tilespmem:$0x11200] =	vst v63  }
0x61: {  	s9 =	rddreg [dreg:$0x18]  }
0x62: {  	[tilespmem:s11], [sflag:$0x1] =	stream.linear.gather [hbm4b:s9+s2], $0x80, $0x38;
	[tilespmem:$0x11200] =	vst v63  }
0x63: {  	s8 =	rddreg [dreg:$0x19]  }
0x64: {  	[tilespmem:s12], [sflag:$0x1] =	stream.linear.gather [hbm4b:s8+s2], $0x80, $0x38;
	[tilespmem:$0x11200] =	vst v63  }
0x65: {  	s9 =	rddreg [dreg:$0x1a]  }
0x66: {  	[tilespmem:s13], [sflag:$0x1] =	stream.linear.gather [hbm4b:s9+s2], $0x80, $0x38;
	[tilespmem:$0x11200] =	vst v63  }
0x67: {  	s8 =	rddreg [dreg:$0x1b]  }
0x68: {  	[tilespmem:s14], [sflag:$0x1] =	stream.linear.gather [hbm4b:s8+s2], $0x80, $0x38;
	[tilespmem:$0x11200] =	vst v63  }
0x69: {  	s9 =	rddreg [dreg:$0x1c]  }
0x6a: {  	[tilespmem:s15], [sflag:$0x1] =	stream.linear.gather [hbm4b:s9+s2], $0x80, $0x38;
	[tilespmem:$0x11200] =	vst v63  }
0x6b: {  	s8 =	rddreg [dreg:$0x1d]  }
0x6c: {  	[tilespmem:s16], [sflag:$0x1] =	stream.linear.gather [hbm4b:s8+s2], $0x80, $0x38;
	[tilespmem:$0x11200] =	vst v63  }
0x6d: {  	_ =	swait.ge [sflag:s17], $0x200  }
0x6e: {  	[sflag:s17] =	ssyncset.done $0x0  }
0x6f: {  	[sflag:s17] =	ssyncadd.s32 $0xFFFFFE00  }
0x70: {  	_ =	swait.ge [sflag:s17], $0x200  }
0x71: {  	[sflag:s17] =	ssyncset.done $0x0  }
0x72: {  	[sflag:s17] =	ssyncadd.s32 $0xFFFFFE00  }
0x73: {  	_ =	swait.ge [sflag:s17], $0x200  }
0x74: {  	[sflag:s17] =	ssyncset.done $0x0  }
0x75: {  	[sflag:s17] =	ssyncadd.s32 $0xFFFFFE00  }
0x76: {  	_ =	swait.ge [sflag:s17], $0x200  }
0x77: {  	[sflag:s17] =	ssyncset.done $0x0  }
0x78: {  	[sflag:s17] =	ssyncadd.s32 $0xFFFFFE00  }
0x79: {  	_ =	swait.ge [sflag:s17], $0x200  }
0x7a: {  	[sflag:s17] =	ssyncset.done $0x0  }
0x7b: {  	[sflag:s17] =	ssyncadd.s32 $0xFFFFFE00  }
0x7c: {  	_ =	swait.ge [sflag:s17], $0x200  }
0x7d: {  	[sflag:s17] =	ssyncset.done $0x0  }
0x7e: {  	[sflag:s17] =	ssyncadd.s32 $0xFFFFFE00  }
0x7f: {  	v50 =	vld [tilespmem:$0x690];
	_ =	sdelay $0x4  }
0x80: {  	[tilespmem:$0x1FDD0] =	vst v50;
	v50 =	vld [tilespmem:$0x620];
	_ =	sdelay $0x4  }
0x81: {  	[tilespmem:$0x1FDE0] =	vst v50;
	v50 =	vld [tilespmem:$0x6A0];
	_ =	sdelay $0x4  }
0x82: {  	[tilespmem:$0x1FE10] =	vst v50;
	v50 =	vld [tilespmem:$0x430];
	_ =	sdelay $0x4  }
0x83: {  	[tilespmem:$0x1FDF0] =	vst v50;
	v50 =	vld [tilespmem:$0x530];
	_ =	sdelay $0x4  }
0x84: {  	[tilespmem:$0x1FE00] =	vst v50;
	v50 =	vld [tilespmem:$0x5B0];
	_ =	sdelay $0x4  }
0x85: {  	[tilespmem:$0x1FE20] =	vst v50;
	v50 =	vld [tilespmem:$0x630];
	_ =	sdelay $0x4  }
0x86: {  	[tilespmem:$0x1FE50] =	vst v50;
	v50 =	vld [tilespmem:$0x6B0];
	_ =	sdelay $0x4  }
0x87: {  	[tilespmem:$0x1FED0] =	vst v50;
	v50 =	vld [tilespmem:$0x440];
	_ =	sdelay $0x4  }
0x88: {  	[tilespmem:$0x1FE30] =	vst v50;
	v50 =	vld [tilespmem:$0x4C0];
	_ =	sdelay $0x3  }
0x89: {  	v23 =	vld [tilespmem:$0x0]  }
0x8a: {  	[tilespmem:$0x1FE40] =	vst v50;
	v50 =	vld [tilespmem:$0x540]  }
0x8b: {  	v24 =	vld [tilespmem:$0x80]  }
0x8c: {  	v25 =	vld [tilespmem:$0x100]  }
0x8d: {  	v26 =	vld [tilespmem:$0x180]  }
0x8e: {  	v31 =	vld [tilespmem:$0x200]  }
0x8f: {  	[tilespmem:$0x1FE60] =	vst v50;
	v50 =	vld [tilespmem:$0x5C0]  }
0x90: {  	v36 =	vld [tilespmem:$0x280]  }
0x91: {  	v37 =	vld [tilespmem:$0x10]  }
0x92: {  	v39 =	vld [tilespmem:$0x90]  }
0x93: {  	v40 =	vld [tilespmem:$0x110]  }
0x94: {  	[tilespmem:$0x1FE70] =	vst v50;
	v50 =	vld [tilespmem:$0x640]  }
0x95: {  	v41 =	vld [tilespmem:$0x190]  }
0x96: {  	v47 =	vld [tilespmem:$0x210]  }
0x97: {  	v48 =	vld [tilespmem:$0x290]  }
0x98: {  	v52 =	vld [tilespmem:$0x20]  }
0x99: {  	[tilespmem:$0x1FEA0] =	vst v50;
	v50 =	vld [tilespmem:$0x6C0]  }
0x9a: {  	v53 =	vld [tilespmem:$0xA0]  }
0x9b: {  	v54 =	vld [tilespmem:$0x120]  }
0x9c: {  	v0 =	vld [tilespmem:$0x1A0]  }
0x9d: {  	v4 =	vld [tilespmem:$0x220]  }
0x9e: {  	[tilespmem:$0x1FEE0] =	vst v50;
	v50 =	vld [tilespmem:$0x450]  }
0x9f: {  	v29 =	vld [tilespmem:$0x2A0]  }
0xa0: {  	v1 =	vld [tilespmem:$0x30]  }
0xa1: {  	v2 =	vld [tilespmem:$0xB0]  }
0xa2: {  	v3 =	vld [tilespmem:$0x130]  }
0xa3: {  	[tilespmem:$0x1FE80] =	vst v50;
	v50 =	vld [tilespmem:$0x4D0]  }
0xa4: {  	v5 =	vld [tilespmem:$0x1B0]  }
0xa5: {  	v9 =	vld [tilespmem:$0x230]  }
0xa6: {  	v14 =	vld [tilespmem:$0x2B0]  }
0xa7: {  	v6 =	vld [tilespmem:$0x40]  }
0xa8: {  	[tilespmem:$0x1FE90] =	vst v50;
	v50 =	vld [tilespmem:$0x550]  }
0xa9: {  	v7 =	vld [tilespmem:$0xC0]  }
0xaa: {  	v8 =	vld [tilespmem:$0x140]  }
0xab: {  	v10 =	vld [tilespmem:$0x1C0]  }
0xac: {  	v13 =	vld [tilespmem:$0x240]  }
0xad: {  	[tilespmem:$0x1FEB0] =	vst v50;
	v50 =	vld [tilespmem:$0x5D0]  }
0xae: {  	v58 =	vld [tilespmem:$0x2C0]  }
0xaf: {  	v11 =	vld [tilespmem:$0x50]  }
0xb0: {  	v12 =	vld [tilespmem:$0xD0]  }
0xb1: {  	v15 =	vld [tilespmem:$0x150]  }
0xb2: {  	[tilespmem:$0x1FEC0] =	vst v50;
	v50 =	vld [tilespmem:$0x650]  }
0xb3: {  	v18 =	vld [tilespmem:$0x1D0]  }
0xb4: {  	v21 =	vld [tilespmem:$0x250]  }
0xb5: {  	v44 =	vld [tilespmem:$0x2D0]  }
0xb6: {  	v16 =	vld [tilespmem:$0x60]  }
0xb7: {  	[tilespmem:$0x1FEF0] =	vst v50;
	v50 =	vld [tilespmem:$0x6D0]  }
0xb8: {  	v17 =	vld [tilespmem:$0xE0]  }
0xb9: {  	v19 =	vld [tilespmem:$0x160]  }
0xba: {  	v22 =	vld [tilespmem:$0x1E0]  }
0xbb: {  	v56 =	vld [tilespmem:$0x260]  }
0xbc: {  	[tilespmem:$0x1FF30] =	vst v50;
	v50 =	vld [tilespmem:$0x460]  }
0xbd: {  	v35 =	vld [tilespmem:$0x2E0]  }
0xbe: {  	v27 =	vld [tilespmem:$0x70]  }
0xbf: {  	v20 =	vld [tilespmem:$0xF0]  }
0xc0: {  	v63 =	vld [tilespmem:$0x170]  }
0xc1: {  	[tilespmem:$0x1FF00] =	vst v50;
	v50 =	vld [tilespmem:$0x4E0]  }
0xc2: {  	v28 =	vld [tilespmem:$0x1F0]  }
0xc3: {  	v33 =	vld [tilespmem:$0x270]  }
0xc4: {  	v45 =	vld [tilespmem:$0x2F0]  }
0xc5: {  	v30 =	vld [tilespmem:$0x400]  }
0xc6: {  	[tilespmem:$0x1FF10] =	vst v50;
	v50 =	vld [tilespmem:$0x560]  }
0xc7: {  	v32 =	vld [tilespmem:$0x480]  }
0xc8: {  	v34 =	vld [tilespmem:$0x500]  }
0xc9: {  	v43 =	vld [tilespmem:$0x580]  }
0xca: {  	v59 =	vld [tilespmem:$0x600]  }
0xcb: {  	[tilespmem:$0x1FF20] =	vst v50;
	v50 =	vld [tilespmem:$0x5E0]  }
0xcc: {  	v38 =	vld [tilespmem:$0x680]  }
0xcd: {  	v42 =	vld [tilespmem:$0x490]  }
0xce: {  	v46 =	vld [tilespmem:$0x510]  }
0xcf: {  	v60 =	vld [tilespmem:$0x590]  }
0xd0: {  	[tilespmem:$0x1FF40] =	vst v50;
	v50 =	vld [tilespmem:$0x660]  }
0xd1: {  	v49 =	vld [tilespmem:$0x610]  }
0xd2: {  	v61 =	vld [tilespmem:$0x420]  }
0xd3: {  	v62 =	vld [tilespmem:$0x4A0]  }
0xd4: {  	v57 =	vld [tilespmem:$0x520]  }
0xd5: {  	[tilespmem:$0x1FF50] =	vst v50;
	v50 =	vld [tilespmem:$0x6E0]  }
0xd6: {  	v55 =	vld [tilespmem:$0x5A0]  }
0xd7: {  	v51 =	vld [tilespmem:$0x4B0];
	v23 =	vshll.u32 v23, $0xA;
	v24 =	vshll.u32 v24, $0x8;
	v1 =	vshll.u32 v1, $0xA  }
0xd8: {  	[tilespmem:$0x1FDC0] =	vst v38;
	v38 =	vld [tilespmem:$0x410];
	v2 =	vshll.u32 v2, $0x8;
	v23 =	vadd.s32 v23, v24;
	v24 =	vshll.u32 v25, $0x6  }
0xd9: {  	v3 =	vshll.u32 v3, $0x6;
	v1 =	vadd.s32 v1, v2;
	v24 =	vadd.s32 v24, v23;
	v23 =	vld [tilespmem:$0x470]  }
0xda: {  	v1 =	vadd.s32 v3, v1;
	v3 =	vld [tilespmem:$0x930];
	[tilespmem:$0x1FF70] =	vst v50;
	v50 =	vshll.u32 v26, $0x4  }
0xdb: {  	v26 =	vadd.s32 v50, v24;
	v24 =	vld [tilespmem:$0x4F0]  }
0xdc: {  	v25 =	vshll.u32 v37, $0xA;
	v50 =	vshll.u32 v39, $0x8;
	v39 =	vld [tilespmem:$0x880]  }
0xdd: {  	v31 =	vshll.u32 v31, $0x2;
	v37 =	vadd.s32 v25, v50;
	v25 =	vld [tilespmem:$0x570]  }
0xde: {  	v50 =	vshll.u32 v40, $0x6;
	v31 =	vadd.s32 v31, v26;
	v26 =	vld [tilespmem:$0x5F0]  }
0xdf: {  	v40 =	vld [tilespmem:$0x900];
	v37 =	vadd.s32 v50, v37;
	v50 =	vshll.u32 v41, $0x4;
	v31 =	vadd.s32 v36, v31  }
0xe0: {  	v41 =	vld [tilespmem:$0x670];
	v36 =	vshll.u32 v47, $0x2;
	v47 =	vshll.u32 v52, $0xA;
	v52 =	vshll.u32 v53, $0x8  }
0xe1: {  	[tilespmem:$0x1FF80] =	vst v31;
	v31 =	vadd.s32 v50, v37;
	v50 =	vld [tilespmem:$0x6F0];
	v37 =	vadd.s32 v47, v52  }
0xe2: {  	v47 =	vshll.u32 v4, $0x2;
	v52 =	vshll.u32 v6, $0xA;
	v6 =	vshll.u32 v12, $0x8;
	v4 =	vld [tilespmem:$0x8B0]  }
0xe3: {  	v12 =	vshll.u32 v17, $0x8;
	v17 =	vshll.u32 v34, $0x6;
	v34 =	vshll.u32 v57, $0x6;
	v57 =	vld [tilespmem:$0x940]  }
0xe4: {  	v53 =	vshll.u32 v54, $0x6;
	v31 =	vadd.s32 v36, v31;
	v36 =	vld [tilespmem:$0x800]  }
0xe5: {  	v54 =	vadd.s32 v53, v37;
	v37 =	vld [tilespmem:$0xA00];
	v53 =	vshll.u32 v7, $0x8  }
0xe6: {  	v2 =	vadd.s32 v52, v53;
	v52 =	vld [tilespmem:$0x890]  }
0xe7: {  	v0 =	vshll.u32 v0, $0x4;
	v31 =	vadd.s32 v48, v31;
	v53 =	vld [tilespmem:$0x910]  }
0xe8: {  	v0 =	vadd.s32 v0, v54;
	[tilespmem:$0x1FF90] =	vst v31;
	v31 =	vld [tilespmem:$0xA80]  }
0xe9: {  	v48 =	vshll.u32 v5, $0x4;
	v0 =	vadd.s32 v47, v0;
	v47 =	vld [tilespmem:$0x810]  }
0xea: {  	v1 =	vadd.s32 v48, v1;
	v48 =	vshll.u32 v11, $0xA;
	v11 =	vshll.u32 v16, $0xA;
	v16 =	vld [tilespmem:$0x8A0]  }
0xeb: {  	v54 =	vshll.u32 v9, $0x2;
	[tilespmem:$0x1FF60] =	vst v41;
	v41 =	vld [tilespmem:$0x980]  }
0xec: {  	v8 =	vshll.u32 v8, $0x6;
	v1 =	vadd.s32 v54, v1;
	v0 =	vadd.s32 v29, v0;
	v54 =	vld [tilespmem:$0x990]  }
0xed: {  	v29 =	vshll.u32 v13, $0x2;
	v7 =	vadd.s32 v48, v6;
	v48 =	vld [tilespmem:$0xA10];
	v13 =	vshll.u32 v21, $0x2  }
0xee: {  	v21 =	vshll.u32 v27, $0xA;
	v27 =	vshll.u32 v56, $0x2;
	v56 =	vshll.u32 v63, $0x6;
	v63 =	vld [tilespmem:$0xA20]  }
0xef: {  	v9 =	vshll.u32 v10, $0x4;
	v2 =	vadd.s32 v8, v2;
	v8 =	vshll.u32 v15, $0x6;
	v6 =	vld [tilespmem:$0x830]  }
0xf0: {  	v10 =	vadd.s32 v14, v1;
	v14 =	vadd.s32 v9, v2;
	v1 =	vadd.s32 v11, v12;
	v12 =	vld [tilespmem:$0x920]  }
0xf1: {  	v9 =	vadd.s32 v8, v7;
	v7 =	vshll.u32 v28, $0x4;
	v28 =	vshll.u32 v60, $0x4;
	v60 =	vld [tilespmem:$0x8C0]  }
0xf2: {  	v11 =	vshll.u32 v30, $0xA;
	v30 =	vshll.u32 v61, $0xA;
	v61 =	vld [tilespmem:$0x1FDF0]  }
0xf3: {  	[tilespmem:$0x1FFA0] =	vst v0;
	v0 =	vadd.s32 v29, v14;
	v29 =	vld [tilespmem:$0xA90];
	v14 =	vshll.u32 v19, $0x6  }
0xf4: {  	v19 =	vshll.u32 v22, $0x4;
	v22 =	vshll.u32 v20, $0x8;
	v20 =	vshll.u32 v38, $0xA;
	v38 =	vld [tilespmem:$0x1FDC0]  }
0xf5: {  	v0 =	vadd.s32 v58, v0;
	v58 =	vld [tilespmem:$0x820]  }
0xf6: {  	v2 =	vadd.s32 v21, v22;
	v22 =	vshll.u32 v59, $0x2;
	v59 =	vld [tilespmem:$0x840]  }
0xf7: {  	v21 =	vshll.u32 v42, $0x8;
	v42 =	vld [tilespmem:$0x1FDD0]  }
0xf8: {  	v2 =	vadd.s32 v56, v2;
	v56 =	vld [tilespmem:$0xAA0]  }
0xf9: {  	v5 =	vadd.s32 v20, v21;
	v20 =	vld [tilespmem:$0x850]  }
0xfa: {  	[tilespmem:$0x1FFB0] =	vst v10;
	v10 =	vshll.u32 v18, $0x4;
	v1 =	vadd.s32 v14, v1;
	v14 =	vshll.u32 v32, $0x8;
	v21 =	vld [tilespmem:$0x8D0]  }
0xfb: {  	[tilespmem:$0x1FFC0] =	vst v0;
	v0 =	vadd.s32 v10, v9;
	v15 =	vadd.s32 v11, v14;
	v14 =	vshll.u32 v51, $0x8;
	v51 =	vld [tilespmem:$0x1FED0]  }
0xfc: {  	v0 =	vadd.s32 v13, v0;
	v13 =	vld [tilespmem:$0x9A0]  }
0xfd: {  	v1 =	vadd.s32 v19, v1;
	v9 =	vadd.s32 v7, v2;
	v2 =	vld [tilespmem:$0xAB0]  }
0xfe: {  	v32 =	vshll.u32 v62, $0x8;
	v1 =	vadd.s32 v27, v1;
	v27 =	vshll.u32 v46, $0x6;
	v46 =	vld [tilespmem:$0x1FDE0]  }
0xff: {  	v7 =	vadd.s32 v30, v32;
	v30 =	vld [tilespmem:$0x1FE20]  }
0x100: {  	v32 =	vld [tilespmem:$0x1FE30]  }
0x101: {  	v8 =	vadd.s32 v35, v1;
	v1 =	vld [tilespmem:$0x9B0]  }
0x102: {  	v35 =	vshll.u32 v55, $0x4;
	v55 =	vld [tilespmem:$0x9C0]  }
0x103: {  	v5 =	vadd.s32 v27, v5;
	v27 =	vld [tilespmem:$0x1FE00]  }
0x104: {  	v7 =	vadd.s32 v34, v7;
	v34 =	vld [tilespmem:$0x1FE50]  }
0x105: {  	v0 =	vadd.s32 v44, v0;
	v44 =	vld [tilespmem:$0x1FEA0]  }
0x106: {  	v4 =	vshll.u32 v4, $0x8;
	v6 =	vshll.u32 v6, $0xA;
	v62 =	vshll.u32 v61, $0xA;
	v61 =	vld [tilespmem:$0x1FEE0]  }
0x107: {  	v10 =	vshll.u32 v33, $0x2;
	v4 =	vadd.s32 v6, v4;
	v6 =	vld [tilespmem:$0xD10]  }
0x108: {  	[tilespmem:$0x1FFD0] =	vst v0;
	v0 =	vadd.s32 v10, v9;
	v9 =	vld [tilespmem:$0xA30]  }
0x109: {  	v5 =	vadd.s32 v28, v5;
	v28 =	vld [tilespmem:$0x1FE10]  }
0x10a: {  	v19 =	vshll.u32 v43, $0x4;
	v43 =	vadd.s32 v35, v7;
	v35 =	vld [tilespmem:$0x1FE60]  }
0x10b: {  	v33 =	vshll.u32 v49, $0x2;
	v0 =	vadd.s32 v45, v0;
	v45 =	vld [tilespmem:$0xA40]  }
0x10c: {  	v5 =	vadd.s32 v33, v5;
	v33 =	vld [tilespmem:$0x1FE40]  }
0x10d: {  	v18 =	vadd.s32 v17, v15;
	v15 =	vadd.s32 v42, v5;
	v42 =	vld [tilespmem:$0x1FE80]  }
0x10e: {  	[tilespmem:$0x1FFF0] =	vst v0;
	v0 =	vadd.s32 v19, v18;
	v18 =	vld [tilespmem:$0xAD0]  }
0x10f: {  	v16 =	vshll.u32 v16, $0x8;
	v58 =	vshll.u32 v58, $0xA;
	v0 =	vadd.s32 v22, v0;
	v22 =	vld [tilespmem:$0x950]  }
0x110: {  	v12 =	vshll.u32 v12, $0x6;
	v16 =	vadd.s32 v58, v16;
	v49 =	vshll.u32 v46, $0x2;
	v46 =	vld [tilespmem:$0x1FEB0]  }
0x111: {  	v12 =	vadd.s32 v12, v16;
	v16 =	vld [tilespmem:$0xC10]  }
0x112: {  	v10 =	vadd.s32 v38, v0;
	v0 =	vld [tilespmem:$0xAC0]  }
0x113: {  	v38 =	vld [tilespmem:$0x1FE70]  }
0x114: {  	v5 =	vadd.s32 v49, v43;
	v43 =	vld [tilespmem:$0x1FE90]  }
0x115: {  	v13 =	vshll.u32 v13, $0x4;
	v49 =	vld [tilespmem:$0x1FEC0]  }
0x116: {  	v12 =	vadd.s32 v13, v12;
	v13 =	vld [tilespmem:$0xC90]  }
0x117: {  	[tilespmem:$0x1FFE0] =	vst v8;
	v17 =	vadd.s32 v62, v14;
	v8 =	vshll.u32 v27, $0x6;
	v5 =	vadd.s32 v28, v5;
	v28 =	vld [tilespmem:$0x9D0]  }
0x118: {  	v7 =	vadd.s32 v8, v17;
	v8 =	vshll.u32 v30, $0x4;
	v30 =	vld [tilespmem:$0xA50]  }
0x119: {  	v14 =	vshll.u32 v35, $0x6;
	v35 =	vld [tilespmem:$0x1FEF0]  }
0x11a: {  	v7 =	vadd.s32 v8, v7;
	v8 =	vshll.u32 v32, $0xA;
	v32 =	vld [tilespmem:$0x860]  }
0x11b: {  	v11 =	vshll.u32 v33, $0x8;
	v33 =	vld [tilespmem:$0x8E0]  }
0x11c: {  	v8 =	vadd.s32 v8, v11;
	v11 =	vshll.u32 v34, $0x2;
	v34 =	vld [tilespmem:$0x960]  }
0x11d: {  	v17 =	vshll.u32 v46, $0x6;
	v46 =	vld [tilespmem:$0x1FF30]  }
0x11e: {  	v7 =	vadd.s32 v11, v7;
	v11 =	vshll.u32 v38, $0x4;
	v38 =	vld [tilespmem:$0x1FF00]  }
0x11f: {  	v8 =	vadd.s32 v14, v8;
	v14 =	vshll.u32 v43, $0x8;
	v43 =	vld [tilespmem:$0x1FF20]  }
0x120: {  	v16 =	vshll.u32 v16, $0xA;
	v27 =	vadd.s32 v51, v7;
	v51 =	vld [tilespmem:$0x1FF40]  }
0x121: {  	v13 =	vshll.u32 v13, $0x8;
	v8 =	vadd.s32 v11, v8;
	v11 =	vshll.u32 v42, $0xA;
	v42 =	vld [tilespmem:$0x1FF10]  }
0x122: {  	v6 =	vshll.u32 v6, $0x6;
	v13 =	vadd.s32 v16, v13;
	v16 =	vld [tilespmem:$0xE40];
	v11 =	vadd.s32 v11, v14  }
0x123: {  	v14 =	vshll.u32 v44, $0x2;
	v58 =	vshll.u32 v32, $0xA;
	v32 =	vld [tilespmem:$0xCB0];
	v6 =	vadd.s32 v6, v13  }
0x124: {  	v13 =	vld [tilespmem:$0xC50];
	v8 =	vadd.s32 v14, v8;
	v11 =	vadd.s32 v17, v11;
	v14 =	vshll.u32 v49, $0x4  }
0x125: {  	v62 =	vadd.s32 v14, v11;
	v11 =	vshll.u32 v35, $0x2;
	v35 =	vld [tilespmem:$0x9E0]  }
0x126: {  	v8 =	vadd.s32 v61, v8;
	v61 =	vshll.u32 v23, $0xA;
	v23 =	vld [tilespmem:$0x870]  }
0x127: {  	v14 =	vshll.u32 v38, $0xA;
	v38 =	vld [tilespmem:$0xA60]  }
0x128: {  	v7 =	vadd.s32 v11, v62;
	v62 =	vshll.u32 v24, $0x8;
	v24 =	vld [tilespmem:$0x1FF50]  }
0x129: {  	v44 =	vshll.u32 v43, $0x6;
	v43 =	vshll.u32 v25, $0x6;
	v25 =	vld [tilespmem:$0x970];
	v17 =	vshll.u32 v42, $0x8  }
0x12a: {  	v42 =	vld [tilespmem:$0xAE0];
	v14 =	vadd.s32 v14, v17  }
0x12b: {  	v49 =	vadd.s32 v44, v14;
	v44 =	vshll.u32 v26, $0x4;
	v26 =	vld [tilespmem:$0x9F0]  }
0x12c: {  	v14 =	vshll.u32 v51, $0x4;
	v51 =	vld [tilespmem:$0x1FF60]  }
0x12d: {  	v11 =	vadd.s32 v46, v7;
	v7 =	vadd.s32 v14, v49;
	v49 =	vshll.u32 v39, $0x8;
	v39 =	vld [tilespmem:$0xA70]  }
0x12e: {  	v14 =	vadd.s32 v61, v62;
	v62 =	vshll.u32 v41, $0x4;
	v41 =	vld [tilespmem:$0xD00]  }
0x12f: {  	v61 =	vshll.u32 v40, $0x6;
	v40 =	vld [tilespmem:$0xD80]  }
0x130: {  	v17 =	vshll.u32 v24, $0x2;
	v24 =	vld [tilespmem:$0x8F0]  }
0x131: {  	v46 =	vshll.u32 v36, $0xA;
	v14 =	vadd.s32 v43, v14;
	v43 =	vld [tilespmem:$0xC80]  }
0x132: {  	v7 =	vadd.s32 v17, v7;
	v14 =	vadd.s32 v44, v14;
	v17 =	vadd.s32 v46, v49;
	v44 =	vld [tilespmem:$0x1FF70]  }
0x133: {  	v3 =	vshll.u32 v3, $0x6;
	v49 =	vshll.u32 v47, $0xA;
	v47 =	vld [tilespmem:$0xD90];
	v36 =	vadd.s32 v61, v17  }
0x134: {  	v61 =	vshll.u32 v48, $0x2;
	v48 =	vshll.u32 v59, $0xA;
	v59 =	vshll.u32 v33, $0x8;
	v33 =	vld [tilespmem:$0xEA0]  }
0x135: {  	v4 =	vadd.s32 v3, v4;
	v19 =	vshll.u32 v51, $0x2;
	v46 =	vadd.s32 v62, v36;
	v36 =	vld [tilespmem:$0xC00]  }
0x136: {  	v62 =	vshll.u32 v63, $0x2;
	v63 =	vshll.u32 v1, $0x4;
	v14 =	vadd.s32 v19, v14;
	v19 =	vld [tilespmem:$0xAF0]  }
0x137: {  	v37 =	vshll.u32 v37, $0x2;
	v4 =	vadd.s32 v63, v4;
	v63 =	vshll.u32 v38, $0x2;
	v38 =	vld [tilespmem:$0x1FF80]  }
0x138: {  	v12 =	vadd.s32 v62, v12;
	v17 =	vadd.s32 v50, v14;
	v14 =	vadd.s32 v37, v46;
	v37 =	vld [tilespmem:$0xE80]  }
0x139: {  	v1 =	vadd.s32 v56, v12;
	v12 =	vld [tilespmem:$0xE10]  }
0x13a: {  	v46 =	vld [tilespmem:$0xE90]  }
0x13b: {  	v56 =	vshll.u32 v22, $0x6;
	v22 =	vld [tilespmem:$0xDA0]  }
0x13c: {  	v50 =	vshll.u32 v52, $0x8;
	v52 =	vshll.u32 v53, $0x6;
	v7 =	vadd.s32 v44, v7;
	v44 =	vld [tilespmem:$0xE00]  }
0x13d: {  	v51 =	vadd.s32 v49, v50;
	v49 =	vshll.u32 v60, $0x8;
	v60 =	vshll.u32 v34, $0x6;
	v34 =	vld [tilespmem:$0xC30]  }
0x13e: {  	v53 =	vadd.s32 v52, v51;
	v51 =	vshll.u32 v57, $0x6;
	v57 =	vshll.u32 v28, $0x4;
	v28 =	vld [tilespmem:$0xE20]  }
0x13f: {  	v50 =	vadd.s32 v48, v49;
	v49 =	vld [tilespmem:$0x1FF90]  }
0x140: {  	v54 =	vshll.u32 v54, $0x4;
	v14 =	vadd.s32 v31, v14;
	v48 =	vshll.u32 v25, $0x6;
	v25 =	vld [tilespmem:$0xEB0]  }
0x141: {  	v31 =	vadd.s32 v54, v53;
	v53 =	vshll.u32 v55, $0x4;
	v55 =	vshll.u32 v21, $0x8;
	v21 =	vld [tilespmem:$0xD20]  }
0x142: {  	v52 =	vadd.s32 v51, v50;
	v51 =	vld [tilespmem:$0x1FFA0]  }
0x143: {  	v54 =	vshll.u32 v20, $0xA;
	v20 =	vadd.s32 v58, v59;
	v59 =	vld [tilespmem:$0x1FFD0]  }
0x144: {  	v9 =	vshll.u32 v9, $0x2;
	v50 =	vshll.u32 v26, $0x4;
	v26 =	vld [tilespmem:$0xDC0]  }
0x145: {  	v45 =	vshll.u32 v45, $0x2;
	v31 =	vadd.s32 v61, v31;
	v61 =	vshll.u32 v35, $0x4;
	v35 =	vld [tilespmem:$0xC40]  }
0x146: {  	v30 =	vshll.u32 v30, $0x2;
	v4 =	vadd.s32 v9, v4;
	v9 =	vadd.s32 v54, v55;
	v54 =	vld [tilespmem:$0x1FFB0]  }
0x147: {  	v23 =	vshll.u32 v23, $0xA;
	v24 =	vshll.u32 v24, $0x8;
	v2 =	vadd.s32 v2, v4;
	[tilespmem:$0x1000] =	vst v38;
	v38 =	vld [tilespmem:$0xCC0]  }
0x148: {  	v58 =	vshll.u32 v40, $0x4;
	v4 =	vadd.s32 v53, v52;
	v52 =	vshll.u32 v36, $0xA;
	v36 =	vld [tilespmem:$0xD40]  }
0x149: {  	v20 =	vadd.s32 v60, v20;
	v53 =	vshll.u32 v43, $0x8;
	v55 =	vshll.u32 v39, $0x2;
	v60 =	vld [tilespmem:$0x1FFE0]  }
0x14a: {  	[tilespmem:$0x1090] =	vst v15;
	v39 =	vld [tilespmem:$0xEC0];
	v3 =	vadd.s32 v29, v31;
	v4 =	vadd.s32 v45, v4;
	v9 =	vadd.s32 v56, v9  }
0x14b: {  	[tilespmem:$0x1080] =	vst v10;
	v31 =	vld [tilespmem:$0xC20];
	v62 =	vadd.s32 v61, v20;
	v45 =	vadd.s32 v23, v24;
	v23 =	vadd.s32 v52, v53  }
0x14c: {  	[tilespmem:$0x10A0] =	vst v5;
	v29 =	vld [tilespmem:$0xCA0];
	v56 =	vshll.u32 v41, $0x6;
	v12 =	vshll.u32 v12, $0x2;
	v9 =	vadd.s32 v57, v9  }
0x14d: {  	[tilespmem:$0x10B0] =	vst v27;
	v24 =	vld [tilespmem:$0xE30];
	v0 =	vadd.s32 v0, v4;
	v20 =	vadd.s32 v48, v45;
	v23 =	vadd.s32 v56, v23  }
0x14e: {  	[tilespmem:$0x10C0] =	vst v8;
	v41 =	vld [tilespmem:$0xCD0];
	v61 =	vshll.u32 v44, $0x2;
	v9 =	vadd.s32 v30, v9;
	v20 =	vadd.s32 v50, v20  }
0x14f: {  	v57 =	vld [tilespmem:$0x1FFC0];
	[tilespmem:$0x1010] =	vst v49;
	v23 =	vadd.s32 v58, v23;
	v49 =	vshll.u32 v34, $0xA;
	v50 =	vshll.u32 v32, $0x8  }
0x150: {  	[tilespmem:$0x10D0] =	vst v11;
	v45 =	vld [tilespmem:$0xD50];
	v52 =	vshll.u32 v28, $0x2;
	v4 =	vadd.s32 v18, v9;
	v9 =	vadd.s32 v63, v62  }
0x151: {  	[tilespmem:$0x10F0] =	vst v17;
	v48 =	vld [tilespmem:$0xDD0];
	v20 =	vadd.s32 v55, v20;
	v23 =	vadd.s32 v61, v23;
	v63 =	vshll.u32 v47, $0x4  }
0x152: {  	[tilespmem:$0x1120] =	vst v1;
	v30 =	vld [tilespmem:$0xDB0];
	v44 =	vshll.u32 v21, $0x6;
	v47 =	vshll.u32 v22, $0x4;
	v8 =	vadd.s32 v49, v50  }
0x153: {  	[tilespmem:$0x10E0] =	vst v7;
	v18 =	vld [tilespmem:$0xD30];
	v9 =	vadd.s32 v42, v9;
	v10 =	vadd.s32 v19, v20;
	v19 =	vadd.s32 v37, v23  }
0x154: {  	[tilespmem:$0x1050] =	vst v59;
	v62 =	vld [tilespmem:$0x1FFF0];
	v6 =	vadd.s32 v63, v6;
	v58 =	vshll.u32 v35, $0xA;
	v59 =	vshll.u32 v38, $0x8  }
0x155: {  	[tilespmem:$0x1020] =	vst v51;
	v51 =	vld [tilespmem:$0xE50];
	v37 =	vshll.u32 v31, $0xA;
	v40 =	vshll.u32 v29, $0x8;
	v42 =	vadd.s32 v12, v6  }
0x156: {  	[tilespmem:$0x1030] =	vst v54;
	v54 =	vld [tilespmem:$0xED0];
	v61 =	vshll.u32 v24, $0x2;
	v31 =	vshll.u32 v13, $0xA;
	v32 =	vshll.u32 v41, $0x8  }
0x157: {  	[tilespmem:$0x1060] =	vst v60;
	v60 =	vld [tilespmem:$0xCE0];
	v43 =	vadd.s32 v37, v40;
	v5 =	vadd.s32 v46, v42;
	v34 =	vadd.s32 v31, v32  }
0x158: {  	[tilespmem:$0x1100] =	vst v14;
	v63 =	vld [tilespmem:$0xD60];
	v35 =	vshll.u32 v45, $0x6;
	v37 =	vshll.u32 v16, $0x2;
	v38 =	vshll.u32 v48, $0x4  }
0x159: {  	[tilespmem:$0x1130] =	vst v2;
	v29 =	vld [tilespmem:$0xDE0];
	v6 =	vadd.s32 v44, v43;
	v56 =	vshll.u32 v30, $0x4;
	v30 =	vshll.u32 v26, $0x4  }
0x15a: {  	[tilespmem:$0x1040] =	vst v57;
	v57 =	vld [tilespmem:$0xC60];
	v2 =	vadd.s32 v35, v34;
	v6 =	vadd.s32 v47, v6;
	v53 =	vshll.u32 v18, $0x6  }
0x15b: {  	v40 =	vld [tilespmem:$0xCF0];
	[tilespmem:$0x1070] =	vst v62;
	v62 =	vshll.u32 v36, $0x6;
	v42 =	vadd.s32 v38, v2;
	v44 =	vshll.u32 v51, $0x2  }
0x15c: {  	[tilespmem:$0x1110] =	vst v3;
	v43 =	vld [tilespmem:$0xD70];
	v6 =	vadd.s32 v52, v6;
	v55 =	vadd.s32 v53, v8;
	v8 =	vadd.s32 v58, v59  }
0x15d: {  	[tilespmem:$0x1140] =	vst v0;
	v36 =	vld [tilespmem:$0xC70];
	v46 =	vshll.u32 v60, $0x8;
	v49 =	vshll.u32 v63, $0x6;
	v7 =	vadd.s32 v56, v55  }
0x15e: {  	[tilespmem:$0x1150] =	vst v4;
	v47 =	vld [tilespmem:$0xDF0];
	v24 =	vadd.s32 v33, v6;
	v28 =	vadd.s32 v62, v8;
	v52 =	vshll.u32 v29, $0x4  }
0x15f: {  	[tilespmem:$0x1160] =	vst v9;
	v33 =	vld [tilespmem:$0xE60];
	v27 =	vadd.s32 v61, v7;
	v1 =	vadd.s32 v30, v28;
	v45 =	vshll.u32 v57, $0xA  }
0x160: {  	v50 =	vld [tilespmem:$0xE70];
	[tilespmem:$0x1170] =	vst v10;
	v41 =	vadd.s32 v25, v27;
	v0 =	vadd.s32 v37, v1;
	v1 =	vadd.s32 v44, v42  }
0x161: {  	[tilespmem:$0x1180] =	vst v19;
	v51 =	vld [tilespmem:$0xEE0];
	v48 =	vadd.s32 v45, v46;
	v2 =	vshll.u32 v43, $0x6;
	v0 =	vadd.s32 v39, v0  }
0x162: {  	[tilespmem:$0x1190] =	vst v5;
	v55 =	vld [tilespmem:$0xEF0];
	v1 =	vadd.s32 v54, v1;
	v53 =	vshll.u32 v36, $0xA;
	v54 =	vshll.u32 v40, $0x8  }
0x163: {  	[tilespmem:$0x11A0] =	vst v24;
	v6 =	vadd.s32 v49, v48;
	v59 =	vshll.u32 v47, $0x4;
	v57 =	vadd.s32 v53, v54  }
0x164: {  	[tilespmem:$0x11B0] =	vst v41;
	v56 =	vadd.s32 v52, v6;
	v2 =	vadd.s32 v2, v57;
	v58 =	vshll.u32 v33, $0x2  }
0x165: {  	v61 =	vshll.u32 v50, $0x2;
	[tilespmem:$0x11C0] =	vst v0;
	v60 =	vadd.s32 v58, v56;
	v2 =	vadd.s32 v59, v2  }
0x166: {  	[tilespmem:$0x11D0] =	vst v1;
	v0 =	vadd.s32 v51, v60;
	v62 =	vadd.s32 v61, v2  }
0x167: {  	[tilespmem:$0x11E0] =	vst v0;
	v63 =	vadd.s32 v55, v62  }
0x168: {  	[tilespmem:$0x11F0] =	vst v63  }
0x169: {  	[tilespmem:s19], [sflag:$0x4] =	stream.indirect.gather [hbm4b:s4+s6], $0x80, s18, s6, $0xb8;
	[tilespmem:$0x11200] =	vst v63  }
0x16a: {  	_ = 	snop  }
0x16b: {  	[tilespmem:s21], [sflag:$0x5] =	stream.indirect.gather [hbm4b:s4+s6], $0x80, s20, s6, $0xb8;
	[tilespmem:$0x11200] =	vst v63  }
0x16c: {  	_ = 	snop  }
0x16d: {  	[tilespmem:s23], [sflag:$0x6] =	stream.indirect.gather [hbm4b:s4+s6], $0x80, s22, s6, $0xb8;
	[tilespmem:$0x11200] =	vst v63  }
0x16e: {  	_ = 	snop  }
0x16f: {  	[tilespmem:s25], [sflag:$0x7] =	stream.indirect.gather [hbm4b:s4+s6], $0x80, s24, s6, $0xb8;
	[tilespmem:$0x11200] =	vst v63  }
0x170: {  	_ =	swait.ge [sflag:s26], $0x4000  }
0x171: {  	[sflag:s26] =	ssyncset.done $0x0  }
0x172: {  	s9 =	rddreg [dreg:$0x3];
	[sflag:s26] =	ssyncadd.s32 $0xFFFFC000  }
0x173: {  	[hbm4b:s9+s2] =	stream.linear.scatter [tilespmem:s19], [sflag:$0x2], $0x4000, $0x38;
	[tilespmem:$0x11200] =	vst v63  }
0x174: {  	_ =	swait.ge [sflag:s28], $0x4000  }
0x175: {  	[sflag:s28] =	ssyncset.done $0x0  }
0x176: {  	s7 =	rddreg [dreg:$0x4];
	[sflag:s28] =	ssyncadd.s32 $0xFFFFC000  }
0x177: {  	[hbm4b:s7+s2] =	stream.linear.scatter [tilespmem:s21], [sflag:$0x3], $0x4000, $0x38;
	[tilespmem:$0x11200] =	vst v63  }
0x178: {  	_ =	swait.ge [sflag:s29], $0x4000  }
0x179: {  	[sflag:s29] =	ssyncset.done $0x0  }
0x17a: {  	s8 =	rddreg [dreg:$0x5];
	[sflag:s29] =	ssyncadd.s32 $0xFFFFC000  }
0x17b: {  	[hbm4b:s8+s2] =	stream.linear.scatter [tilespmem:s23], [sflag:$0x2], $0x4000, $0x38;
	[tilespmem:$0x11200] =	vst v63  }
0x17c: {  	_ =	swait.ge [sflag:s30], $0x4000  }
0x17d: {  	[sflag:s30] =	ssyncset.done $0x0  }
0x17e: {  	s9 =	rddreg [dreg:$0x6];
	[sflag:s30] =	ssyncadd.s32 $0xFFFFC000  }
0x17f: {  	[hbm4b:s9+s2] =	stream.linear.scatter [tilespmem:s25], [sflag:$0x3], $0x4000, $0x38;
	[tilespmem:$0x11200] =	vst v63  }
0x180: {  	_ =	swait.ge [sflag:s31], $0x4000  }
0x181: {  	[sflag:s31] =	ssyncset.done $0x0  }
0x182: {  	[sflag:s31] =	ssyncadd.s32 $0xFFFFC000  }
0x183: {  	_ =	swait.ge [sflag:s1], $0x4000  }
0x184: {  	[sflag:s1] =	ssyncset.done $0x0  }
0x185: {  	[sflag:s1] =	ssyncadd.s32 $0xFFFFC000  }
0x186: {  	p0 =	sne.s32 s5, $0x1;
	_ =	swait.ge [sflag:s31], $0x4000  }
.Ltmp0:
0x187: {  	[sflag:s31] =	ssyncset.done $0x0;
	(pc) =	sbr.rel @p0 .LBB2_1-.Ltmp0, $4  }
0x188: {  	[sflag:s31] =	ssyncadd.s32 $0xFFFFC000  }
0x189: {  	_ =	swait.ge [sflag:s1], $0x4000  }
0x18a: {  	[sflag:s1] =	ssyncset.done $0x0  }
0x18b: {  	s5 =	sadd.s32 $0xFFFFFFFF, s5;
	[sflag:s1] =	ssyncadd.s32 $0xFFFFC000  }
0x18c: {  	_ =	sfence.sel $0x180000  }
0x18d: {  	[bflag:$0x0] =	sbarrier.arrive $0xFFFF  }
0x18e: {  	_ =	strace $0x90000047  }
0x18f: {  	s0 =	stileid.u32;
	[bflag:$0x2] =	sbarrier.arrive $0xFFFF  }
0x190: {  	p0 =	sne.s32 s0, $0x0;
	s0 =	rddreg [dreg:$0x2]  }
0x191: {  	s0 =	sadd.s32 @!p0 $0x100000, s0  }
0x192: {  	[sflag:s0] =	ssyncadd.tile.s32 @!p0 $0x1;
	_ =	shalt  }
.Lfunc_end2:
_tile_overlayer_lowered:
.L_overlay_start_2:
0x193: {  	(tag) =	ssettag $0x2  }
0x194: {  	s0 =	rddreg [dreg:$0x0];
	s2 =	stileid.u32  }
0x195: {  	s1 =	rddreg [dreg:$0x1];
	p0 =	sne.s32 s2, $0x0  }
0x196: {  	s3 =	rddreg [dreg:$0x2];
	[bflag:$0x3] =	sbarrier.arrive $0xFFFF;
	s2 =	simm.s32 @!p0 $0x1C08  }
0x197: {  	[timem:s3], [sflag:s2] =	dma.local @!p0 [hbm:s0], s1  }
0x198: {  	s0 =	simm.s32 @!p0 $0x8  }
0x199: {  	_ =	swait.ge @!p0 [sflag:s0], s1  }
0x19a: {  	s1 =	ssub.s32 @!p0 $0x0, s1;
	[sflag:s0] =	ssyncset.done @!p0 $0x0  }
0x19b: {  	[sflag:s0] =	ssyncadd.s32 @!p0 s1  }
0x19c: {  	[bflag:$0x3] =	sbarrier.arrive $0xFFFF  }
0x19d: {  	_ =	shalt  }

</sc_bundles>
